<compile_context>
chip_gen: v7x
topology: tpu7x:2x2x1
jax: 0.10.2.dev20260603
libtpu: 0.0.44.dev20260713+nightly
codegen_flags: <defaults>
</compile_context>

<pallas_src>
import functools

import jax
import jax.numpy as jnp
from jax import lax
from jax.experimental import pallas as pl
from jax.experimental.pallas import tpu as pltpu
from jax.experimental.pallas import tpu_sc as plsc

N = 10000
E = 320000
D = 128

NC = 2
NS = 16
NW = NC * NS
G = 128
NP = 10240
EP = NW * 80 * G
NCH = EP // NW // G
ROWS_PER_TILE = NP // NS

_MESH = plsc.VectorSubcoreMesh(core_axis_name="c", subcore_axis_name="s")


def _fill_vmem_2d(ref, rows, cols, value):
    vec = jnp.full((16,), value, jnp.float32)

    def row_body(r, _):
        def col_body(j, __):
            ref[r, pl.ds(j * 16, 16)] = vec
            return 0

        return lax.fori_loop(0, cols // 16, col_body, 0)

    lax.fori_loop(0, rows, row_body, 0)


@functools.partial(
    pl.kernel,
    out_type=jax.ShapeDtypeStruct((NC, NP, D), jnp.float32),
    mesh=_MESH,
    scratch_types=[
        pltpu.VMEM((NCH // 2, G), jnp.int32),
        pltpu.VMEM((NCH // 2, G), jnp.int32),
        pltpu.VMEM((G, D), jnp.float32),
        pltpu.VMEM((G, D), jnp.float32),
        pltpu.VMEM_SHARED((NP, D), jnp.float32),
        pltpu.SemaphoreType.DMA,
        pltpu.SemaphoreType.DMA,
    ],
)
def _sc_agg(h_hbm, src_hbm, dst_hbm, out_hbm, src_v, dst_v, rows0, rows1,
            acc_sh, sem0, sem1):
    c = lax.axis_index("c")
    s = lax.axis_index("s")
    wid = c * NS + s
    HCH = NCH // 2

    _fill_vmem_2d(rows0, G, D, 0.0)
    base_row = s * ROWS_PER_TILE
    for k in range(ROWS_PER_TILE // G):
        pltpu.async_copy(rows0, acc_sh.at[pl.ds(base_row + k * G, G)], sem0)
    pltpu.sync_copy(src_hbm.at[pl.ds(wid * NCH, HCH)], src_v)
    pltpu.sync_copy(dst_hbm.at[pl.ds(wid * NCH, HCH)], dst_v)
    for k in range(ROWS_PER_TILE // G):
        pltpu.make_async_copy(rows0, acc_sh.at[pl.ds(base_row, G)],
                              sem0).wait()

    plsc.subcore_barrier()

    for b in range(2):
        if b > 0:
            pltpu.sync_copy(src_hbm.at[pl.ds(wid * NCH + b * HCH, HCH)],
                            src_v)
            pltpu.sync_copy(dst_hbm.at[pl.ds(wid * NCH + b * HCH, HCH)],
                            dst_v)
        pltpu.async_copy(h_hbm.at[src_v.at[0]], rows0, sem0)

        def body(jj, _):
            j = jj * 2
            pltpu.make_async_copy(h_hbm.at[src_v.at[0]], rows0, sem0).wait()
            pltpu.async_copy(h_hbm.at[src_v.at[j + 1]], rows1, sem1)
            pltpu.sync_copy(rows0, acc_sh.at[dst_v.at[j]], add=True)
            pltpu.make_async_copy(h_hbm.at[src_v.at[0]], rows1, sem1).wait()
            pltpu.async_copy(h_hbm.at[src_v.at[(j + 2) % HCH]], rows0, sem0)
            pltpu.sync_copy(rows1, acc_sh.at[dst_v.at[j + 1]], add=True)
            return 0

        lax.fori_loop(0, HCH // 2, body, 0)
        pltpu.make_async_copy(h_hbm.at[src_v.at[0]], rows0, sem0).wait()

    plsc.subcore_barrier()

    pltpu.sync_copy(
        acc_sh.at[pl.ds(base_row, ROWS_PER_TILE)],
        out_hbm.at[c, pl.ds(base_row, ROWS_PER_TILE)],
    )


@functools.partial(
    pl.kernel,
    out_type=jax.ShapeDtypeStruct((NC, NP, D), jnp.float32),
    mesh=_MESH,
    compiler_params=pltpu.CompilerParams(needs_layout_passes=False),
    scratch_types=[
        pltpu.VMEM((NCH, G), jnp.int32),
        pltpu.VMEM((NP,), jnp.float32),
        pltpu.VMEM((NS, ROWS_PER_TILE), jnp.float32),
        pltpu.VMEM((ROWS_PER_TILE,), jnp.float32),
        pltpu.VMEM((G, D), jnp.float32),
        pltpu.VMEM_SHARED((NS, NP), jnp.float32),
        pltpu.SemaphoreType.DMA,
    ],
)
def _sc_deg(dst_hbm, out_hbm, dst_v, hist, gath, red, brow, hists_sh, sem):
    c = lax.axis_index("c")
    s = lax.axis_index("s")
    wid = c * NS + s

    pltpu.sync_copy(dst_hbm.at[pl.ds(wid * NCH, NCH)], dst_v)

    zeros16 = jnp.zeros((16,), jnp.float32)

    def zb(i, _):
        hist[pl.ds(i * 16, 16)] = zeros16
        return 0

    lax.fori_loop(0, NP // 16, zb, 0)

    ones16 = jnp.ones((16,), jnp.float32)

    def hb(kk, _):
        idx = dst_v[kk // 8, pl.ds(lax.rem(kk, 8) * 16, 16)]
        plsc.addupdate_scatter(hist, [idx], ones16)
        return 0

    lax.fori_loop(0, NCH * 8, hb, 0)

    pltpu.sync_copy(hist, hists_sh.at[s])
    plsc.subcore_barrier()

    base = s * ROWS_PER_TILE
    pltpu.sync_copy(hists_sh.at[:, pl.ds(base, ROWS_PER_TILE)], gath)

    def rb(v, _):
        def rr(r, a):
            return a + gath[r, pl.ds(v * 16, 16)]

        red[pl.ds(v * 16, 16)] = lax.fori_loop(1, NS, rr,
                                               gath[0, pl.ds(v * 16, 16)])
        return 0

    lax.fori_loop(0, ROWS_PER_TILE // 16, rb, 0)

    lanes16 = lax.iota(jnp.int32, 16)
    for nb in range(ROWS_PER_TILE // G):
        def bb(n, _):
            val = plsc.load_gather(
                red, [jnp.full((16,), nb * G + n, jnp.int32)])
            rowid = jnp.full((16,), n, jnp.int32)

            def cb(q, _):
                plsc.store_scatter(brow, [rowid, lanes16 + q * 16], val)
                return 0

            return lax.fori_loop(0, D // 16, cb, 0)

        lax.fori_loop(0, G, bb, 0)
        pltpu.sync_copy(brow, out_hbm.at[c, pl.ds(base + nb * G, G)])


BR = 1000


def _combine_body(h_ref, p0_ref, p1_ref, d0_ref, d1_ref, ws_ref, wn_ref, b_ref,
                  o_ref, *, relu):
    deg = jnp.maximum(d0_ref[0, :, 0:1] + d1_ref[0, :, 0:1], 1.0)
    agg = (p0_ref[0] + p1_ref[0]) / deg
    out = (
        jnp.dot(h_ref[...], ws_ref[...], preferred_element_type=jnp.float32)
        + jnp.dot(agg, wn_ref[...], preferred_element_type=jnp.float32)
        + b_ref[...]
    )
    if relu:
        out = jnp.maximum(out, 0.0)
    o_ref[...] = out


def _tc_combine(h, p, degp, Ws, Wn, b, relu):
    return pl.pallas_call(
        functools.partial(_combine_body, relu=relu),
        grid=(N // BR,),
        in_specs=[
            pl.BlockSpec((BR, D), lambda i: (i, 0)),
            pl.BlockSpec((1, BR, D), lambda i: (0, i, 0)),
            pl.BlockSpec((1, BR, D), lambda i: (1, i, 0)),
            pl.BlockSpec((1, BR, D), lambda i: (0, i, 0)),
            pl.BlockSpec((1, BR, D), lambda i: (1, i, 0)),
            pl.BlockSpec((D, D), lambda i: (0, 0)),
            pl.BlockSpec((D, D), lambda i: (0, 0)),
            pl.BlockSpec((1, D), lambda i: (0, 0)),
        ],
        out_specs=pl.BlockSpec((BR, D), lambda i: (i, 0)),
        out_shape=jax.ShapeDtypeStruct((N, D), jnp.float32),
    )(h, p, p, degp, degp, Ws, Wn, b.reshape(1, D))


def kernel(x, edge_index, W_self0, W_neigh0, b0, W_self1, W_neigh1, b1,
           W_self2, W_neigh2, b2):
    n_pad = EP - E
    pad_ids = jnp.arange(n_pad, dtype=jnp.int32)
    src = jnp.concatenate([edge_index[0], pad_ids % N]).reshape(EP // G, G)
    dst = jnp.concatenate([edge_index[1], N + pad_ids % (NP - N)]).reshape(
        EP // G, G)

    degp = _sc_deg(dst)

    params = [
        (W_self0, W_neigh0, b0, True),
        (W_self1, W_neigh1, b1, True),
        (W_self2, W_neigh2, b2, False),
    ]
    h = x
    for Ws, Wn, b, relu in params:
        p = _sc_agg(h, src, dst)
        h = _tc_combine(h, p, degp, Ws, Wn, b, relu)
    return h

# --- scband reference (transcript-rebuilt; emitter-appended) ---
"""Pipeline reference for scband-gnn-41042707480955 (READ-ONLY COPY).

The authoritative reference and input builder live on the scoring server;
editing this copy changes nothing except your own understanding.
"""

import jax, jax.numpy as jnp
import numpy as np

N = 10000
E = 320000
D = 128
H = 128
O = 128


def _init_linear(key, d_in, d_out):
    bound = 1.0 / np.sqrt(d_in)
    return jax.random.uniform(key, (d_in, d_out), dtype=jnp.float32, minval=-bound, maxval=bound)


def setup_inputs(seed: int = 0):
    key = jax.random.key(seed)
    ks = jax.random.split(key, 16)
    x = jax.random.normal(ks[0], (N, D), dtype=jnp.float32)
    edge_index = jax.random.randint(ks[1], (2, E), 0, N, dtype=jnp.int32)
    dims = [(D, H), (H, H), (H, O)]
    inp = {"x": x, "edge_index": edge_index}
    for l, (di, do) in enumerate(dims):
        inp[f"W_self{l}"] = _init_linear(ks[2 + 3 * l], di, do)
        inp[f"W_neigh{l}"] = _init_linear(ks[3 + 3 * l], di, do)
        inp[f"b{l}"] = jnp.zeros((do,), dtype=jnp.float32)
    return inp


def reference(x, edge_index, W_self0, W_neigh0, b0, W_self1, W_neigh1, b1, W_self2, W_neigh2, b2):
    # DGL SAGEConv with 'mean' aggregator, 3 layers, relu between layers
    # (dropout is identity in eval mode / deterministic reference).
    src = edge_index[0]
    dst = edge_index[1]
    deg = jax.ops.segment_sum(jnp.ones((E,), dtype=jnp.float32), dst, num_segments=N)
    denom = jnp.maximum(deg, 1.0)[:, None]
    params = [(W_self0, W_neigh0, b0), (W_self1, W_neigh1, b1), (W_self2, W_neigh2, b2)]
    h = x
    for l, (Ws, Wn, b) in enumerate(params):
        msg = jnp.take(h, src, axis=0)
        agg = jax.ops.segment_sum(msg, dst, num_segments=N) / denom
        h = h @ Ws + agg @ Wn + b
        if l != len(params) - 1:
            h = jax.nn.relu(h)
    return h

if __name__ == "__main__":
    import jax
    _d = setup_inputs()
    print(jax.jit(kernel)(*tuple(_d.values())))

</pallas_src>

<mosaic_0001>
#map = affine_map<(d0, d1) -> (0, 0)>
#map1 = affine_map<(d0, d1) -> (0, 0, 0)>
module attributes {stable_mosaic.version = 14 : i64} {
  func.func @_sc_agg(%arg0: i32, %arg1: i32, %arg2: memref<10000x128xf32, #tpu.memory_space<hbm>>, %arg3: memref<2560x128xi32, #tpu.memory_space<hbm>>, %arg4: memref<2560x128xi32, #tpu.memory_space<hbm>>, %arg5: memref<2x10240x128xf32, #tpu.memory_space<hbm>>, %arg6: memref<40x128xi32, #tpu.memory_space<vmem>>, %arg7: memref<40x128xi32, #tpu.memory_space<vmem>>, %arg8: memref<128x128xf32, #tpu.memory_space<vmem>>, %arg9: memref<128x128xf32, #tpu.memory_space<vmem>>, %arg10: memref<10240x128xf32, #tpu.memory_space<vmem_shared>>, %arg11: memref<!tpu.dma_semaphore, #tpu.memory_space<semaphore_mem>>, %arg12: memref<!tpu.dma_semaphore, #tpu.memory_space<semaphore_mem>>) attributes {dimension_semantics = [#tpu.dimension_semantics<core_parallel>, #tpu.dimension_semantics<subcore_parallel>], iteration_bounds = array<i64: 2, 16>, scalar_prefetch = 0 : i64, scratch_operands = 7 : i64, tpu.core_type = #tpu.core_type<sc_vector_subcore>, window_params = [{transform_indices = #map}, {transform_indices = #map}, {transform_indices = #map}, {transform_indices = #map1}]} {
    %mul3A = arith.constant 16 : i32
    %mul3A_0 = arith.muli %arg0, %mul3A : i32
    %add3A = arith.addi %mul3A_0, %arg1 : i32
    %broadcast_in_dim3A = arith.constant 0.000000e+00 : f32
    %broadcast_in_dim3A_1 = vector.broadcast %broadcast_in_dim3A : f32 to vector<16xf32>
    %scan3A = arith.constant 0 : i32
    %scan3A_2 = arith.constant 0 : i32
    %scan3A_3 = arith.constant 128 : i32
    %scan3A_4 = arith.addi %scan3A_2, %scan3A_3 : i32
    %scan3A_5 = arith.constant 1 : i32
    %scan3A_6 = scf.for %scan3A_113 = %scan3A_2 to %scan3A_4 step %scan3A_5 iter_args(%scan3A_114 = %scan3A) -> (i32)  : i32 {
      %scan3A_115 = arith.constant 0 : i32
      %scan3A_116 = arith.constant 0 : i32
      %scan3A_117 = arith.constant 8 : i32
      %scan3A_118 = arith.addi %scan3A_116, %scan3A_117 : i32
      %scan3A_119 = arith.constant 1 : i32
      %scan3A_120 = scf.for %scan3A_122 = %scan3A_116 to %scan3A_118 step %scan3A_119 iter_args(%scan3A_123 = %scan3A_115) -> (i32)  : i32 {
        %mul3A_124 = arith.constant 16 : i32
        %mul3A_125 = arith.muli %scan3A_122, %mul3A_124 : i32
        %swap3A = arith.index_cast %scan3A_113 : i32 to index
        %swap3A_126 = arith.index_cast %mul3A_125 : i32 to index
        %swap3A_127 = tpu.vector_load %arg8[%swap3A, %swap3A_126] {strides = array<i32>} : memref<128x128xf32, #tpu.memory_space<vmem>>, vector<1x16xf32>,
        %swap3A_128 = vector.shape_cast %swap3A_127 : vector<1x16xf32> to vector<16xf32>
        %swap3A_129 = vector.shape_cast %broadcast_in_dim3A_1 : vector<16xf32> to vector<1x16xf32>
        tpu.vector_store %arg8[%swap3A, %swap3A_126], %swap3A_129 {strides = array<i32>} : memref<128x128xf32, #tpu.memory_space<vmem>>, vector<1x16xf32>,
        %scan3A_130 = arith.constant 0 : i32
        scf.yield %scan3A_130 : i32
      }
      %scan3A_121 = arith.constant 8 : i32
      scf.yield %scan3A_120 : i32
    }
    %scan3A_7 = arith.constant 128 : i32
    %mul3A_8 = arith.constant 640 : i32
    %mul3A_9 = arith.muli %arg1, %mul3A_8 : i32
    %add3A_10 = arith.constant 0 : i32
    %add3A_11 = arith.addi %mul3A_9, %add3A_10 : i32
    %dma_start3A = arith.constant 0 : i32
    %dma_start3A_12 = tpu.memref_slice %arg10[%add3A_11, %dma_start3A] : memref<10240x128xf32, #tpu.memory_space<vmem_shared>> -> memref<128x128xf32, #tpu.memory_space<vmem_shared>>
    %dma_start3A_13 = arith.constant 0 : i32
    %dma_start3A_14 = tpu.memref_slice %arg10[%add3A_11, %dma_start3A_13] : memref<10240x128xf32, #tpu.memory_space<vmem_shared>> -> memref<128x128xf32, #tpu.memory_space<vmem_shared>>
    tpu.enqueue_dma source(%arg8 : memref<128x128xf32, #tpu.memory_space<vmem>>) target(%dma_start3A_14 : memref<128x128xf32, #tpu.memory_space<vmem_shared>>) target_semaphore(%arg11 : memref<!tpu.dma_semaphore, #tpu.memory_space<semaphore_mem>>)
    %add3A_15 = arith.constant 128 : i32
    %add3A_16 = arith.addi %mul3A_9, %add3A_15 : i32
    %dma_start3A_17 = arith.constant 0 : i32
    %dma_start3A_18 = tpu.memref_slice %arg10[%add3A_16, %dma_start3A_17] : memref<10240x128xf32, #tpu.memory_space<vmem_shared>> -> memref<128x128xf32, #tpu.memory_space<vmem_shared>>
    %dma_start3A_19 = arith.constant 0 : i32
    %dma_start3A_20 = tpu.memref_slice %arg10[%add3A_16, %dma_start3A_19] : memref<10240x128xf32, #tpu.memory_space<vmem_shared>> -> memref<128x128xf32, #tpu.memory_space<vmem_shared>>
    tpu.enqueue_dma source(%arg8 : memref<128x128xf32, #tpu.memory_space<vmem>>) target(%dma_start3A_20 : memref<128x128xf32, #tpu.memory_space<vmem_shared>>) target_semaphore(%arg11 : memref<!tpu.dma_semaphore, #tpu.memory_space<semaphore_mem>>)
    %add3A_21 = arith.constant 256 : i32
    %add3A_22 = arith.addi %mul3A_9, %add3A_21 : i32
    %dma_start3A_23 = arith.constant 0 : i32
    %dma_start3A_24 = tpu.memref_slice %arg10[%add3A_22, %dma_start3A_23] : memref<10240x128xf32, #tpu.memory_space<vmem_shared>> -> memref<128x128xf32, #tpu.memory_space<vmem_shared>>
    %dma_start3A_25 = arith.constant 0 : i32
    %dma_start3A_26 = tpu.memref_slice %arg10[%add3A_22, %dma_start3A_25] : memref<10240x128xf32, #tpu.memory_space<vmem_shared>> -> memref<128x128xf32, #tpu.memory_space<vmem_shared>>
    tpu.enqueue_dma source(%arg8 : memref<128x128xf32, #tpu.memory_space<vmem>>) target(%dma_start3A_26 : memref<128x128xf32, #tpu.memory_space<vmem_shared>>) target_semaphore(%arg11 : memref<!tpu.dma_semaphore, #tpu.memory_space<semaphore_mem>>)
    %add3A_27 = arith.constant 384 : i32
    %add3A_28 = arith.addi %mul3A_9, %add3A_27 : i32
    %dma_start3A_29 = arith.constant 0 : i32
    %dma_start3A_30 = tpu.memref_slice %arg10[%add3A_28, %dma_start3A_29] : memref<10240x128xf32, #tpu.memory_space<vmem_shared>> -> memref<128x128xf32, #tpu.memory_space<vmem_shared>>
    %dma_start3A_31 = arith.constant 0 : i32
    %dma_start3A_32 = tpu.memref_slice %arg10[%add3A_28, %dma_start3A_31] : memref<10240x128xf32, #tpu.memory_space<vmem_shared>> -> memref<128x128xf32, #tpu.memory_space<vmem_shared>>
    tpu.enqueue_dma source(%arg8 : memref<128x128xf32, #tpu.memory_space<vmem>>) target(%dma_start3A_32 : memref<128x128xf32, #tpu.memory_space<vmem_shared>>) target_semaphore(%arg11 : memref<!tpu.dma_semaphore, #tpu.memory_space<semaphore_mem>>)
    %add3A_33 = arith.constant 512 : i32
    %add3A_34 = arith.addi %mul3A_9, %add3A_33 : i32
    %dma_start3A_35 = arith.constant 0 : i32
    %dma_start3A_36 = tpu.memref_slice %arg10[%add3A_34, %dma_start3A_35] : memref<10240x128xf32, #tpu.memory_space<vmem_shared>> -> memref<128x128xf32, #tpu.memory_space<vmem_shared>>
    %dma_start3A_37 = arith.constant 0 : i32
    %dma_start3A_38 = tpu.memref_slice %arg10[%add3A_34, %dma_start3A_37] : memref<10240x128xf32, #tpu.memory_space<vmem_shared>> -> memref<128x128xf32, #tpu.memory_space<vmem_shared>>
    tpu.enqueue_dma source(%arg8 : memref<128x128xf32, #tpu.memory_space<vmem>>) target(%dma_start3A_38 : memref<128x128xf32, #tpu.memory_space<vmem_shared>>) target_semaphore(%arg11 : memref<!tpu.dma_semaphore, #tpu.memory_space<semaphore_mem>>)
    %mul3A_39 = arith.constant 80 : i32
    %mul3A_40 = arith.muli %add3A, %mul3A_39 : i32
    "tpu.region"() ({
      %run_scoped3A = tpu.sem_alloc : memref<!tpu.dma_semaphore, #tpu.memory_space<semaphore_mem>>
      %dma_start3A_113 = arith.constant 0 : i32
      %dma_start3A_114 = tpu.memref_slice %arg3[%mul3A_40, %dma_start3A_113] : memref<2560x128xi32, #tpu.memory_space<hbm>> -> memref<40x128xi32, #tpu.memory_space<hbm>>
      %dma_start3A_115 = arith.constant 0 : i32
      %dma_start3A_116 = tpu.memref_slice %arg3[%mul3A_40, %dma_start3A_115] : memref<2560x128xi32, #tpu.memory_space<hbm>> -> memref<40x128xi32, #tpu.memory_space<hbm>>
      tpu.enqueue_dma source(%dma_start3A_116 : memref<40x128xi32, #tpu.memory_space<hbm>>) target(%arg6 : memref<40x128xi32, #tpu.memory_space<vmem>>) target_semaphore(%run_scoped3A : memref<!tpu.dma_semaphore, #tpu.memory_space<semaphore_mem>>)
      %dma_wait3A_117 = arith.constant 0 : i32
      %dma_wait3A_118 = tpu.memref_slice %arg3[%mul3A_40, %dma_wait3A_117] : memref<2560x128xi32, #tpu.memory_space<hbm>> -> memref<40x128xi32, #tpu.memory_space<hbm>>
      %dma_wait3A_119 = arith.constant 0 : i32
      %dma_wait3A_120 = tpu.memref_slice %arg3[%mul3A_40, %dma_wait3A_119] : memref<2560x128xi32, #tpu.memory_space<hbm>> -> memref<40x128xi32, #tpu.memory_space<hbm>>
      tpu.wait_dma2 semaphore(%run_scoped3A : memref<!tpu.dma_semaphore, #tpu.memory_space<semaphore_mem>>) src(%dma_wait3A_120 : memref<40x128xi32, #tpu.memory_space<hbm>>) dst(%arg6 : memref<40x128xi32, #tpu.memory_space<vmem>>)
      tpu.yield
    }) : () -> ()
    %mul3A_41 = arith.constant 80 : i32
    %mul3A_42 = arith.muli %add3A, %mul3A_41 : i32
    "tpu.region"() ({
      %run_scoped3A = tpu.sem_alloc : memref<!tpu.dma_semaphore, #tpu.memory_space<semaphore_mem>>
      %dma_start3A_113 = arith.constant 0 : i32
      %dma_start3A_114 = tpu.memref_slice %arg4[%mul3A_42, %dma_start3A_113] : memref<2560x128xi32, #tpu.memory_space<hbm>> -> memref<40x128xi32, #tpu.memory_space<hbm>>
      %dma_start3A_115 = arith.constant 0 : i32
      %dma_start3A_116 = tpu.memref_slice %arg4[%mul3A_42, %dma_start3A_115] : memref<2560x128xi32, #tpu.memory_space<hbm>> -> memref<40x128xi32, #tpu.memory_space<hbm>>
      tpu.enqueue_dma source(%dma_start3A_116 : memref<40x128xi32, #tpu.memory_space<hbm>>) target(%arg7 : memref<40x128xi32, #tpu.memory_space<vmem>>) target_semaphore(%run_scoped3A : memref<!tpu.dma_semaphore, #tpu.memory_space<semaphore_mem>>)
      %dma_wait3A_117 = arith.constant 0 : i32
      %dma_wait3A_118 = tpu.memref_slice %arg4[%mul3A_42, %dma_wait3A_117] : memref<2560x128xi32, #tpu.memory_space<hbm>> -> memref<40x128xi32, #tpu.memory_space<hbm>>
      %dma_wait3A_119 = arith.constant 0 : i32
      %dma_wait3A_120 = tpu.memref_slice %arg4[%mul3A_42, %dma_wait3A_119] : memref<2560x128xi32, #tpu.memory_space<hbm>> -> memref<40x128xi32, #tpu.memory_space<hbm>>
      tpu.wait_dma2 semaphore(%run_scoped3A : memref<!tpu.dma_semaphore, #tpu.memory_space<semaphore_mem>>) src(%dma_wait3A_120 : memref<40x128xi32, #tpu.memory_space<hbm>>) dst(%arg7 : memref<40x128xi32, #tpu.memory_space<vmem>>)
      tpu.yield
    }) : () -> ()
    %dma_wait3A = arith.constant 0 : i32
    %dma_wait3A_43 = tpu.memref_slice %arg10[%mul3A_9, %dma_wait3A] : memref<10240x128xf32, #tpu.memory_space<vmem_shared>> -> memref<128x128xf32, #tpu.memory_space<vmem_shared>>
    %dma_wait3A_44 = arith.constant 0 : i32
    %dma_wait3A_45 = tpu.memref_slice %arg10[%mul3A_9, %dma_wait3A_44] : memref<10240x128xf32, #tpu.memory_space<vmem_shared>> -> memref<128x128xf32, #tpu.memory_space<vmem_shared>>
    tpu.wait_dma2 semaphore(%arg11 : memref<!tpu.dma_semaphore, #tpu.memory_space<semaphore_mem>>) src(%arg8 : memref<128x128xf32, #tpu.memory_space<vmem>>) dst(%dma_wait3A_45 : memref<128x128xf32, #tpu.memory_space<vmem_shared>>)
    %dma_wait3A_46 = arith.constant 0 : i32
    %dma_wait3A_47 = tpu.memref_slice %arg10[%mul3A_9, %dma_wait3A_46] : memref<10240x128xf32, #tpu.memory_space<vmem_shared>> -> memref<128x128xf32, #tpu.memory_space<vmem_shared>>
    %dma_wait3A_48 = arith.constant 0 : i32
    %dma_wait3A_49 = tpu.memref_slice %arg10[%mul3A_9, %dma_wait3A_48] : memref<10240x128xf32, #tpu.memory_space<vmem_shared>> -> memref<128x128xf32, #tpu.memory_space<vmem_shared>>
    tpu.wait_dma2 semaphore(%arg11 : memref<!tpu.dma_semaphore, #tpu.memory_space<semaphore_mem>>) src(%arg8 : memref<128x128xf32, #tpu.memory_space<vmem>>) dst(%dma_wait3A_49 : memref<128x128xf32, #tpu.memory_space<vmem_shared>>)
    %dma_wait3A_50 = arith.constant 0 : i32
    %dma_wait3A_51 = tpu.memref_slice %arg10[%mul3A_9, %dma_wait3A_50] : memref<10240x128xf32, #tpu.memory_space<vmem_shared>> -> memref<128x128xf32, #tpu.memory_space<vmem_shared>>
    %dma_wait3A_52 = arith.constant 0 : i32
    %dma_wait3A_53 = tpu.memref_slice %arg10[%mul3A_9, %dma_wait3A_52] : memref<10240x128xf32, #tpu.memory_space<vmem_shared>> -> memref<128x128xf32, #tpu.memory_space<vmem_shared>>
    tpu.wait_dma2 semaphore(%arg11 : memref<!tpu.dma_semaphore, #tpu.memory_space<semaphore_mem>>) src(%arg8 : memref<128x128xf32, #tpu.memory_space<vmem>>) dst(%dma_wait3A_53 : memref<128x128xf32, #tpu.memory_space<vmem_shared>>)
    %dma_wait3A_54 = arith.constant 0 : i32
    %dma_wait3A_55 = tpu.memref_slice %arg10[%mul3A_9, %dma_wait3A_54] : memref<10240x128xf32, #tpu.memory_space<vmem_shared>> -> memref<128x128xf32, #tpu.memory_space<vmem_shared>>
    %dma_wait3A_56 = arith.constant 0 : i32
    %dma_wait3A_57 = tpu.memref_slice %arg10[%mul3A_9, %dma_wait3A_56] : memref<10240x128xf32, #tpu.memory_space<vmem_shared>> -> memref<128x128xf32, #tpu.memory_space<vmem_shared>>
    tpu.wait_dma2 semaphore(%arg11 : memref<!tpu.dma_semaphore, #tpu.memory_space<semaphore_mem>>) src(%arg8 : memref<128x128xf32, #tpu.memory_space<vmem>>) dst(%dma_wait3A_57 : memref<128x128xf32, #tpu.memory_space<vmem_shared>>)
    %dma_wait3A_58 = arith.constant 0 : i32
    %dma_wait3A_59 = tpu.memref_slice %arg10[%mul3A_9, %dma_wait3A_58] : memref<10240x128xf32, #tpu.memory_space<vmem_shared>> -> memref<128x128xf32, #tpu.memory_space<vmem_shared>>
    %dma_wait3A_60 = arith.constant 0 : i32
    %dma_wait3A_61 = tpu.memref_slice %arg10[%mul3A_9, %dma_wait3A_60] : memref<10240x128xf32, #tpu.memory_space<vmem_shared>> -> memref<128x128xf32, #tpu.memory_space<vmem_shared>>
    tpu.wait_dma2 semaphore(%arg11 : memref<!tpu.dma_semaphore, #tpu.memory_space<semaphore_mem>>) src(%arg8 : memref<128x128xf32, #tpu.memory_space<vmem>>) dst(%dma_wait3A_61 : memref<128x128xf32, #tpu.memory_space<vmem_shared>>)
    %barrier3A = arith.constant 0 : index
    tpu.barrier barrier_id(%barrier3A)
    %dma_start3A_62 = arith.constant 0 : i32
    %dma_start3A_63 = arith.constant 0 : i32
    %dma_start3A_64 = tpu.memref_slice %arg6[%dma_start3A_62, %dma_start3A_63] : memref<40x128xi32, #tpu.memory_space<vmem>> -> memref<1x128xi32, #tpu.memory_space<vmem>>
    %dma_start3A_65 = tpu.memref_squeeze %dma_start3A_64 : memref<1x128xi32, #tpu.memory_space<vmem>> -> memref<128xi32, #tpu.memory_space<vmem>>
    %dma_start3A_66 = arith.constant 0 : i32
    %dma_start3A_67 = arith.constant 0 : i32
    %dma_start3A_68 = tpu.memref_slice %arg2[%dma_start3A_66, %dma_start3A_67] : memref<10000x128xf32, #tpu.memory_space<hbm>> -> memref<10000x128xf32, #tpu.memory_space<hbm>>
    tpu.enqueue_indirect_dma source(%dma_start3A_68 : memref<10000x128xf32, #tpu.memory_space<hbm>>) target(%arg8 : memref<128x128xf32, #tpu.memory_space<vmem>>) offsets(%dma_start3A_65 : memref<128xi32, #tpu.memory_space<vmem>>) semaphore(%arg11 : memref<!tpu.dma_semaphore, #tpu.memory_space<semaphore_mem>>)
    %scan3A_69 = arith.constant 0 : i32
    %scan3A_70 = arith.constant 0 : i32
    %scan3A_71 = arith.constant 20 : i32
    %scan3A_72 = arith.addi %scan3A_70, %scan3A_71 : i32
    %scan3A_73 = arith.constant 1 : i32
    %scan3A_74 = scf.for %scan3A_113 = %scan3A_70 to %scan3A_72 step %scan3A_73 iter_args(%scan3A_114 = %scan3A_69) -> (i32)  : i32 {
      %mul3A_115 = arith.constant 2 : i32
      %mul3A_116 = arith.muli %scan3A_113, %mul3A_115 : i32
      %dma_wait3A_117 = arith.constant 0 : i32
      %dma_wait3A_118 = arith.constant 0 : i32
      %dma_wait3A_119 = tpu.memref_slice %arg6[%dma_wait3A_117, %dma_wait3A_118] : memref<40x128xi32, #tpu.memory_space<vmem>> -> memref<1x128xi32, #tpu.memory_space<vmem>>
      %dma_wait3A_120 = tpu.memref_squeeze %dma_wait3A_119 : memref<1x128xi32, #tpu.memory_space<vmem>> -> memref<128xi32, #tpu.memory_space<vmem>>
      %dma_wait3A_121 = arith.constant 0 : i32
      %dma_wait3A_122 = arith.constant 0 : i32
      %dma_wait3A_123 = tpu.memref_slice %arg2[%dma_wait3A_121, %dma_wait3A_122] : memref<10000x128xf32, #tpu.memory_space<hbm>> -> memref<10000x128xf32, #tpu.memory_space<hbm>>
      tpu.wait_indirect_dma semaphore(%arg11 : memref<!tpu.dma_semaphore, #tpu.memory_space<semaphore_mem>>) src(%dma_wait3A_123 : memref<10000x128xf32, #tpu.memory_space<hbm>>) dst(%arg8 : memref<128x128xf32, #tpu.memory_space<vmem>>)
      %add3A_124 = arith.constant 1 : i32
      %add3A_125 = arith.addi %mul3A_116, %add3A_124 : i32
      %dma_start3A_126 = arith.constant 0 : i32
      %dma_start3A_127 = tpu.memref_slice %arg6[%add3A_125, %dma_start3A_126] : memref<40x128xi32, #tpu.memory_space<vmem>> -> memref<1x128xi32, #tpu.memory_space<vmem>>
      %dma_start3A_128 = tpu.memref_squeeze %dma_start3A_127 : memref<1x128xi32, #tpu.memory_space<vmem>> -> memref<128xi32, #tpu.memory_space<vmem>>
      %dma_start3A_129 = arith.constant 0 : i32
      %dma_start3A_130 = arith.constant 0 : i32
      %dma_start3A_131 = tpu.memref_slice %arg2[%dma_start3A_129, %dma_start3A_130] : memref<10000x128xf32, #tpu.memory_space<hbm>> -> memref<10000x128xf32, #tpu.memory_space<hbm>>
      tpu.enqueue_indirect_dma source(%dma_start3A_131 : memref<10000x128xf32, #tpu.memory_space<hbm>>) target(%arg9 : memref<128x128xf32, #tpu.memory_space<vmem>>) offsets(%dma_start3A_128 : memref<128xi32, #tpu.memory_space<vmem>>) semaphore(%arg12 : memref<!tpu.dma_semaphore, #tpu.memory_space<semaphore_mem>>)
      "tpu.region"() ({
        %run_scoped3A = tpu.sem_alloc : memref<!tpu.dma_semaphore, #tpu.memory_space<semaphore_mem>>
        %dma_start3A_159 = arith.constant 0 : i32
        %dma_start3A_160 = tpu.memref_slice %arg7[%mul3A_116, %dma_start3A_159] : memref<40x128xi32, #tpu.memory_space<vmem>> -> memref<1x128xi32, #tpu.memory_space<vmem>>
        %dma_start3A_161 = tpu.memref_squeeze %dma_start3A_160 : memref<1x128xi32, #tpu.memory_space<vmem>> -> memref<128xi32, #tpu.memory_space<vmem>>
        %dma_start3A_162 = arith.constant 0 : i32
        %dma_start3A_163 = arith.constant 0 : i32
        %dma_start3A_164 = tpu.memref_slice %arg10[%dma_start3A_162, %dma_start3A_163] : memref<10240x128xf32, #tpu.memory_space<vmem_shared>> -> memref<10240x128xf32, #tpu.memory_space<vmem_shared>>
        tpu.enqueue_indirect_dma source(%arg8 : memref<128x128xf32, #tpu.memory_space<vmem>>) target(%dma_start3A_164 : memref<10240x128xf32, #tpu.memory_space<vmem_shared>>) offsets(%dma_start3A_161 : memref<128xi32, #tpu.memory_space<vmem>>) semaphore(%run_scoped3A : memref<!tpu.dma_semaphore, #tpu.memory_space<semaphore_mem>>) {add = true}
        %dma_wait3A_165 = arith.constant 0 : i32
        %dma_wait3A_166 = tpu.memref_slice %arg7[%mul3A_116, %dma_wait3A_165] : memref<40x128xi32, #tpu.memory_space<vmem>> -> memref<1x128xi32, #tpu.memory_space<vmem>>
        %dma_wait3A_167 = tpu.memref_squeeze %dma_wait3A_166 : memref<1x128xi32, #tpu.memory_space<vmem>> -> memref<128xi32, #tpu.memory_space<vmem>>
        %dma_wait3A_168 = arith.constant 0 : i32
        %dma_wait3A_169 = arith.constant 0 : i32
        %dma_wait3A_170 = tpu.memref_slice %arg10[%dma_wait3A_168, %dma_wait3A_169] : memref<10240x128xf32, #tpu.memory_space<vmem_shared>> -> memref<10240x128xf32, #tpu.memory_space<vmem_shared>>
        tpu.wait_indirect_dma semaphore(%run_scoped3A : memref<!tpu.dma_semaphore, #tpu.memory_space<semaphore_mem>>) src(%arg8 : memref<128x128xf32, #tpu.memory_space<vmem>>) dst(%dma_wait3A_170 : memref<10240x128xf32, #tpu.memory_space<vmem_shared>>)
        tpu.yield
      }) : () -> ()
      %dma_wait3A_132 = arith.constant 0 : i32
      %dma_wait3A_133 = arith.constant 0 : i32
      %dma_wait3A_134 = tpu.memref_slice %arg6[%dma_wait3A_132, %dma_wait3A_133] : memref<40x128xi32, #tpu.memory_space<vmem>> -> memref<1x128xi32, #tpu.memory_space<vmem>>
      %dma_wait3A_135 = tpu.memref_squeeze %dma_wait3A_134 : memref<1x128xi32, #tpu.memory_space<vmem>> -> memref<128xi32, #tpu.memory_space<vmem>>
      %dma_wait3A_136 = arith.constant 0 : i32
      %dma_wait3A_137 = arith.constant 0 : i32
      %dma_wait3A_138 = tpu.memref_slice %arg2[%dma_wait3A_136, %dma_wait3A_137] : memref<10000x128xf32, #tpu.memory_space<hbm>> -> memref<10000x128xf32, #tpu.memory_space<hbm>>
      tpu.wait_indirect_dma semaphore(%arg12 : memref<!tpu.dma_semaphore, #tpu.memory_space<semaphore_mem>>) src(%dma_wait3A_138 : memref<10000x128xf32, #tpu.memory_space<hbm>>) dst(%arg9 : memref<128x128xf32, #tpu.memory_space<vmem>>)
      %add3A_139 = arith.constant 2 : i32
      %add3A_140 = arith.addi %mul3A_116, %add3A_139 : i32
      %jit3A = arith.constant 40 : i32
      %eq3A = arith.constant 0 : i32
      %eq3A_141 = arith.cmpi eq, %jit3A, %eq3A : i32
      %jit3A_142 = arith.constant 1 : i32
      %select_n3A = arith.select %eq3A_141, %jit3A_142, %jit3A : i32
      %rem3A = arith.remsi %add3A_140, %select_n3A : i32
      %ne3A = arith.constant 0 : i32
      %ne3A_143 = arith.cmpi ne, %rem3A, %ne3A : i32
      %lt3A = arith.constant 0 : i32
      %lt3A_144 = arith.cmpi slt, %rem3A, %lt3A : i32
      %lt3A_145 = arith.constant 0 : i32
      %lt3A_146 = arith.cmpi slt, %select_n3A, %lt3A_145 : i32
      %ne3A_147 = arith.xori %lt3A_144, %lt3A_146 : i1
      %and3A = arith.andi %ne3A_147, %ne3A_143 : i1
      %add3A_148 = arith.addi %rem3A, %select_n3A : i32
      %select_n3A_149 = arith.select %and3A, %add3A_148, %rem3A : i32
      %dma_start3A_150 = arith.constant 0 : i32
      %dma_start3A_151 = tpu.memref_slice %arg6[%select_n3A_149, %dma_start3A_150] : memref<40x128xi32, #tpu.memory_space<vmem>> -> memref<1x128xi32, #tpu.memory_space<vmem>>
      %dma_start3A_152 = tpu.memref_squeeze %dma_start3A_151 : memref<1x128xi32, #tpu.memory_space<vmem>> -> memref<128xi32, #tpu.memory_space<vmem>>
      %dma_start3A_153 = arith.constant 0 : i32
      %dma_start3A_154 = arith.constant 0 : i32
      %dma_start3A_155 = tpu.memref_slice %arg2[%dma_start3A_153, %dma_start3A_154] : memref<10000x128xf32, #tpu.memory_space<hbm>> -> memref<10000x128xf32, #tpu.memory_space<hbm>>
      tpu.enqueue_indirect_dma source(%dma_start3A_155 : memref<10000x128xf32, #tpu.memory_space<hbm>>) target(%arg8 : memref<128x128xf32, #tpu.memory_space<vmem>>) offsets(%dma_start3A_152 : memref<128xi32, #tpu.memory_space<vmem>>) semaphore(%arg11 : memref<!tpu.dma_semaphore, #tpu.memory_space<semaphore_mem>>)
      %add3A_156 = arith.constant 1 : i32
      %add3A_157 = arith.addi %mul3A_116, %add3A_156 : i32
      "tpu.region"() ({
        %run_scoped3A = tpu.sem_alloc : memref<!tpu.dma_semaphore, #tpu.memory_space<semaphore_mem>>
        %dma_start3A_159 = arith.constant 0 : i32
        %dma_start3A_160 = tpu.memref_slice %arg7[%add3A_157, %dma_start3A_159] : memref<40x128xi32, #tpu.memory_space<vmem>> -> memref<1x128xi32, #tpu.memory_space<vmem>>
        %dma_start3A_161 = tpu.memref_squeeze %dma_start3A_160 : memref<1x128xi32, #tpu.memory_space<vmem>> -> memref<128xi32, #tpu.memory_space<vmem>>
        %dma_start3A_162 = arith.constant 0 : i32
        %dma_start3A_163 = arith.constant 0 : i32
        %dma_start3A_164 = tpu.memref_slice %arg10[%dma_start3A_162, %dma_start3A_163] : memref<10240x128xf32, #tpu.memory_space<vmem_shared>> -> memref<10240x128xf32, #tpu.memory_space<vmem_shared>>
        tpu.enqueue_indirect_dma source(%arg9 : memref<128x128xf32, #tpu.memory_space<vmem>>) target(%dma_start3A_164 : memref<10240x128xf32, #tpu.memory_space<vmem_shared>>) offsets(%dma_start3A_161 : memref<128xi32, #tpu.memory_space<vmem>>) semaphore(%run_scoped3A : memref<!tpu.dma_semaphore, #tpu.memory_space<semaphore_mem>>) {add = true}
        %dma_wait3A_165 = arith.constant 0 : i32
        %dma_wait3A_166 = tpu.memref_slice %arg7[%add3A_157, %dma_wait3A_165] : memref<40x128xi32, #tpu.memory_space<vmem>> -> memref<1x128xi32, #tpu.memory_space<vmem>>
        %dma_wait3A_167 = tpu.memref_squeeze %dma_wait3A_166 : memref<1x128xi32, #tpu.memory_space<vmem>> -> memref<128xi32, #tpu.memory_space<vmem>>
        %dma_wait3A_168 = arith.constant 0 : i32
        %dma_wait3A_169 = arith.constant 0 : i32
        %dma_wait3A_170 = tpu.memref_slice %arg10[%dma_wait3A_168, %dma_wait3A_169] : memref<10240x128xf32, #tpu.memory_space<vmem_shared>> -> memref<10240x128xf32, #tpu.memory_space<vmem_shared>>
        tpu.wait_indirect_dma semaphore(%run_scoped3A : memref<!tpu.dma_semaphore, #tpu.memory_space<semaphore_mem>>) src(%arg9 : memref<128x128xf32, #tpu.memory_space<vmem>>) dst(%dma_wait3A_170 : memref<10240x128xf32, #tpu.memory_space<vmem_shared>>)
        tpu.yield
      }) : () -> ()
      %scan3A_158 = arith.constant 0 : i32
      scf.yield %scan3A_158 : i32
    }
    %scan3A_75 = arith.constant 20 : i32
    %dma_wait3A_76 = arith.constant 0 : i32
    %dma_wait3A_77 = arith.constant 0 : i32
    %dma_wait3A_78 = tpu.memref_slice %arg6[%dma_wait3A_76, %dma_wait3A_77] : memref<40x128xi32, #tpu.memory_space<vmem>> -> memref<1x128xi32, #tpu.memory_space<vmem>>
    %dma_wait3A_79 = tpu.memref_squeeze %dma_wait3A_78 : memref<1x128xi32, #tpu.memory_space<vmem>> -> memref<128xi32, #tpu.memory_space<vmem>>
    %dma_wait3A_80 = arith.constant 0 : i32
    %dma_wait3A_81 = arith.constant 0 : i32
    %dma_wait3A_82 = tpu.memref_slice %arg2[%dma_wait3A_80, %dma_wait3A_81] : memref<10000x128xf32, #tpu.memory_space<hbm>> -> memref<10000x128xf32, #tpu.memory_space<hbm>>
    tpu.wait_indirect_dma semaphore(%arg11 : memref<!tpu.dma_semaphore, #tpu.memory_space<semaphore_mem>>) src(%dma_wait3A_82 : memref<10000x128xf32, #tpu.memory_space<hbm>>) dst(%arg8 : memref<128x128xf32, #tpu.memory_space<vmem>>)
    %mul3A_83 = arith.constant 80 : i32
    %mul3A_84 = arith.muli %add3A, %mul3A_83 : i32
    %add3A_85 = arith.constant 40 : i32
    %add3A_86 = arith.addi %mul3A_84, %add3A_85 : i32
    "tpu.region"() ({
      %run_scoped3A = tpu.sem_alloc : memref<!tpu.dma_semaphore, #tpu.memory_space<semaphore_mem>>
      %dma_start3A_113 = arith.constant 0 : i32
      %dma_start3A_114 = tpu.memref_slice %arg3[%add3A_86, %dma_start3A_113] : memref<2560x128xi32, #tpu.memory_space<hbm>> -> memref<40x128xi32, #tpu.memory_space<hbm>>
      %dma_start3A_115 = arith.constant 0 : i32
      %dma_start3A_116 = tpu.memref_slice %arg3[%add3A_86, %dma_start3A_115] : memref<2560x128xi32, #tpu.memory_space<hbm>> -> memref<40x128xi32, #tpu.memory_space<hbm>>
      tpu.enqueue_dma source(%dma_start3A_116 : memref<40x128xi32, #tpu.memory_space<hbm>>) target(%arg6 : memref<40x128xi32, #tpu.memory_space<vmem>>) target_semaphore(%run_scoped3A : memref<!tpu.dma_semaphore, #tpu.memory_space<semaphore_mem>>)
      %dma_wait3A_117 = arith.constant 0 : i32
      %dma_wait3A_118 = tpu.memref_slice %arg3[%add3A_86, %dma_wait3A_117] : memref<2560x128xi32, #tpu.memory_space<hbm>> -> memref<40x128xi32, #tpu.memory_space<hbm>>
      %dma_wait3A_119 = arith.constant 0 : i32
      %dma_wait3A_120 = tpu.memref_slice %arg3[%add3A_86, %dma_wait3A_119] : memref<2560x128xi32, #tpu.memory_space<hbm>> -> memref<40x128xi32, #tpu.memory_space<hbm>>
      tpu.wait_dma2 semaphore(%run_scoped3A : memref<!tpu.dma_semaphore, #tpu.memory_space<semaphore_mem>>) src(%dma_wait3A_120 : memref<40x128xi32, #tpu.memory_space<hbm>>) dst(%arg6 : memref<40x128xi32, #tpu.memory_space<vmem>>)
      tpu.yield
    }) : () -> ()
    %mul3A_87 = arith.constant 80 : i32
    %mul3A_88 = arith.muli %add3A, %mul3A_87 : i32
    %add3A_89 = arith.constant 40 : i32
    %add3A_90 = arith.addi %mul3A_88, %add3A_89 : i32
    "tpu.region"() ({
      %run_scoped3A = tpu.sem_alloc : memref<!tpu.dma_semaphore, #tpu.memory_space<semaphore_mem>>
      %dma_start3A_113 = arith.constant 0 : i32
      %dma_start3A_114 = tpu.memref_slice %arg4[%add3A_90, %dma_start3A_113] : memref<2560x128xi32, #tpu.memory_space<hbm>> -> memref<40x128xi32, #tpu.memory_space<hbm>>
      %dma_start3A_115 = arith.constant 0 : i32
      %dma_start3A_116 = tpu.memref_slice %arg4[%add3A_90, %dma_start3A_115] : memref<2560x128xi32, #tpu.memory_space<hbm>> -> memref<40x128xi32, #tpu.memory_space<hbm>>
      tpu.enqueue_dma source(%dma_start3A_116 : memref<40x128xi32, #tpu.memory_space<hbm>>) target(%arg7 : memref<40x128xi32, #tpu.memory_space<vmem>>) target_semaphore(%run_scoped3A : memref<!tpu.dma_semaphore, #tpu.memory_space<semaphore_mem>>)
      %dma_wait3A_117 = arith.constant 0 : i32
      %dma_wait3A_118 = tpu.memref_slice %arg4[%add3A_90, %dma_wait3A_117] : memref<2560x128xi32, #tpu.memory_space<hbm>> -> memref<40x128xi32, #tpu.memory_space<hbm>>
      %dma_wait3A_119 = arith.constant 0 : i32
      %dma_wait3A_120 = tpu.memref_slice %arg4[%add3A_90, %dma_wait3A_119] : memref<2560x128xi32, #tpu.memory_space<hbm>> -> memref<40x128xi32, #tpu.memory_space<hbm>>
      tpu.wait_dma2 semaphore(%run_scoped3A : memref<!tpu.dma_semaphore, #tpu.memory_space<semaphore_mem>>) src(%dma_wait3A_120 : memref<40x128xi32, #tpu.memory_space<hbm>>) dst(%arg7 : memref<40x128xi32, #tpu.memory_space<vmem>>)
      tpu.yield
    }) : () -> ()
    %dma_start3A_91 = arith.constant 0 : i32
    %dma_start3A_92 = arith.constant 0 : i32
    %dma_start3A_93 = tpu.memref_slice %arg6[%dma_start3A_91, %dma_start3A_92] : memref<40x128xi32, #tpu.memory_space<vmem>> -> memref<1x128xi32, #tpu.memory_space<vmem>>
    %dma_start3A_94 = tpu.memref_squeeze %dma_start3A_93 : memref<1x128xi32, #tpu.memory_space<vmem>> -> memref<128xi32, #tpu.memory_space<vmem>>
    %dma_start3A_95 = arith.constant 0 : i32
    %dma_start3A_96 = arith.constant 0 : i32
    %dma_start3A_97 = tpu.memref_slice %arg2[%dma_start3A_95, %dma_start3A_96] : memref<10000x128xf32, #tpu.memory_space<hbm>> -> memref<10000x128xf32, #tpu.memory_space<hbm>>
    tpu.enqueue_indirect_dma source(%dma_start3A_97 : memref<10000x128xf32, #tpu.memory_space<hbm>>) target(%arg8 : memref<128x128xf32, #tpu.memory_space<vmem>>) offsets(%dma_start3A_94 : memref<128xi32, #tpu.memory_space<vmem>>) semaphore(%arg11 : memref<!tpu.dma_semaphore, #tpu.memory_space<semaphore_mem>>)
    %scan3A_98 = arith.constant 0 : i32
    %scan3A_99 = arith.constant 0 : i32
    %scan3A_100 = arith.constant 20 : i32
    %scan3A_101 = arith.addi %scan3A_99, %scan3A_100 : i32
    %scan3A_102 = arith.constant 1 : i32
    %scan3A_103 = scf.for %scan3A_113 = %scan3A_99 to %scan3A_101 step %scan3A_102 iter_args(%scan3A_114 = %scan3A_98) -> (i32)  : i32 {
      %mul3A_115 = arith.constant 2 : i32
      %mul3A_116 = arith.muli %scan3A_113, %mul3A_115 : i32
      %dma_wait3A_117 = arith.constant 0 : i32
      %dma_wait3A_118 = arith.constant 0 : i32
      %dma_wait3A_119 = tpu.memref_slice %arg6[%dma_wait3A_117, %dma_wait3A_118] : memref<40x128xi32, #tpu.memory_space<vmem>> -> memref<1x128xi32, #tpu.memory_space<vmem>>
      %dma_wait3A_120 = tpu.memref_squeeze %dma_wait3A_119 : memref<1x128xi32, #tpu.memory_space<vmem>> -> memref<128xi32, #tpu.memory_space<vmem>>
      %dma_wait3A_121 = arith.constant 0 : i32
      %dma_wait3A_122 = arith.constant 0 : i32
      %dma_wait3A_123 = tpu.memref_slice %arg2[%dma_wait3A_121, %dma_wait3A_122] : memref<10000x128xf32, #tpu.memory_space<hbm>> -> memref<10000x128xf32, #tpu.memory_space<hbm>>
      tpu.wait_indirect_dma semaphore(%arg11 : memref<!tpu.dma_semaphore, #tpu.memory_space<semaphore_mem>>) src(%dma_wait3A_123 : memref<10000x128xf32, #tpu.memory_space<hbm>>) dst(%arg8 : memref<128x128xf32, #tpu.memory_space<vmem>>)
      %add3A_124 = arith.constant 1 : i32
      %add3A_125 = arith.addi %mul3A_116, %add3A_124 : i32
      %dma_start3A_126 = arith.constant 0 : i32
      %dma_start3A_127 = tpu.memref_slice %arg6[%add3A_125, %dma_start3A_126] : memref<40x128xi32, #tpu.memory_space<vmem>> -> memref<1x128xi32, #tpu.memory_space<vmem>>
      %dma_start3A_128 = tpu.memref_squeeze %dma_start3A_127 : memref<1x128xi32, #tpu.memory_space<vmem>> -> memref<128xi32, #tpu.memory_space<vmem>>
      %dma_start3A_129 = arith.constant 0 : i32
      %dma_start3A_130 = arith.constant 0 : i32
      %dma_start3A_131 = tpu.memref_slice %arg2[%dma_start3A_129, %dma_start3A_130] : memref<10000x128xf32, #tpu.memory_space<hbm>> -> memref<10000x128xf32, #tpu.memory_space<hbm>>
      tpu.enqueue_indirect_dma source(%dma_start3A_131 : memref<10000x128xf32, #tpu.memory_space<hbm>>) target(%arg9 : memref<128x128xf32, #tpu.memory_space<vmem>>) offsets(%dma_start3A_128 : memref<128xi32, #tpu.memory_space<vmem>>) semaphore(%arg12 : memref<!tpu.dma_semaphore, #tpu.memory_space<semaphore_mem>>)
      "tpu.region"() ({
        %run_scoped3A = tpu.sem_alloc : memref<!tpu.dma_semaphore, #tpu.memory_space<semaphore_mem>>
        %dma_start3A_159 = arith.constant 0 : i32
        %dma_start3A_160 = tpu.memref_slice %arg7[%mul3A_116, %dma_start3A_159] : memref<40x128xi32, #tpu.memory_space<vmem>> -> memref<1x128xi32, #tpu.memory_space<vmem>>
        %dma_start3A_161 = tpu.memref_squeeze %dma_start3A_160 : memref<1x128xi32, #tpu.memory_space<vmem>> -> memref<128xi32, #tpu.memory_space<vmem>>
        %dma_start3A_162 = arith.constant 0 : i32
        %dma_start3A_163 = arith.constant 0 : i32
        %dma_start3A_164 = tpu.memref_slice %arg10[%dma_start3A_162, %dma_start3A_163] : memref<10240x128xf32, #tpu.memory_space<vmem_shared>> -> memref<10240x128xf32, #tpu.memory_space<vmem_shared>>
        tpu.enqueue_indirect_dma source(%arg8 : memref<128x128xf32, #tpu.memory_space<vmem>>) target(%dma_start3A_164 : memref<10240x128xf32, #tpu.memory_space<vmem_shared>>) offsets(%dma_start3A_161 : memref<128xi32, #tpu.memory_space<vmem>>) semaphore(%run_scoped3A : memref<!tpu.dma_semaphore, #tpu.memory_space<semaphore_mem>>) {add = true}
        %dma_wait3A_165 = arith.constant 0 : i32
        %dma_wait3A_166 = tpu.memref_slice %arg7[%mul3A_116, %dma_wait3A_165] : memref<40x128xi32, #tpu.memory_space<vmem>> -> memref<1x128xi32, #tpu.memory_space<vmem>>
        %dma_wait3A_167 = tpu.memref_squeeze %dma_wait3A_166 : memref<1x128xi32, #tpu.memory_space<vmem>> -> memref<128xi32, #tpu.memory_space<vmem>>
        %dma_wait3A_168 = arith.constant 0 : i32
        %dma_wait3A_169 = arith.constant 0 : i32
        %dma_wait3A_170 = tpu.memref_slice %arg10[%dma_wait3A_168, %dma_wait3A_169] : memref<10240x128xf32, #tpu.memory_space<vmem_shared>> -> memref<10240x128xf32, #tpu.memory_space<vmem_shared>>
        tpu.wait_indirect_dma semaphore(%run_scoped3A : memref<!tpu.dma_semaphore, #tpu.memory_space<semaphore_mem>>) src(%arg8 : memref<128x128xf32, #tpu.memory_space<vmem>>) dst(%dma_wait3A_170 : memref<10240x128xf32, #tpu.memory_space<vmem_shared>>)
        tpu.yield
      }) : () -> ()
      %dma_wait3A_132 = arith.constant 0 : i32
      %dma_wait3A_133 = arith.constant 0 : i32
      %dma_wait3A_134 = tpu.memref_slice %arg6[%dma_wait3A_132, %dma_wait3A_133] : memref<40x128xi32, #tpu.memory_space<vmem>> -> memref<1x128xi32, #tpu.memory_space<vmem>>
      %dma_wait3A_135 = tpu.memref_squeeze %dma_wait3A_134 : memref<1x128xi32, #tpu.memory_space<vmem>> -> memref<128xi32, #tpu.memory_space<vmem>>
      %dma_wait3A_136 = arith.constant 0 : i32
      %dma_wait3A_137 = arith.constant 0 : i32
      %dma_wait3A_138 = tpu.memref_slice %arg2[%dma_wait3A_136, %dma_wait3A_137] : memref<10000x128xf32, #tpu.memory_space<hbm>> -> memref<10000x128xf32, #tpu.memory_space<hbm>>
      tpu.wait_indirect_dma semaphore(%arg12 : memref<!tpu.dma_semaphore, #tpu.memory_space<semaphore_mem>>) src(%dma_wait3A_138 : memref<10000x128xf32, #tpu.memory_space<hbm>>) dst(%arg9 : memref<128x128xf32, #tpu.memory_space<vmem>>)
      %add3A_139 = arith.constant 2 : i32
      %add3A_140 = arith.addi %mul3A_116, %add3A_139 : i32
      %jit3A = arith.constant 40 : i32
      %eq3A = arith.constant 0 : i32
      %eq3A_141 = arith.cmpi eq, %jit3A, %eq3A : i32
      %jit3A_142 = arith.constant 1 : i32
      %select_n3A = arith.select %eq3A_141, %jit3A_142, %jit3A : i32
      %rem3A = arith.remsi %add3A_140, %select_n3A : i32
      %ne3A = arith.constant 0 : i32
      %ne3A_143 = arith.cmpi ne, %rem3A, %ne3A : i32
      %lt3A = arith.constant 0 : i32
      %lt3A_144 = arith.cmpi slt, %rem3A, %lt3A : i32
      %lt3A_145 = arith.constant 0 : i32
      %lt3A_146 = arith.cmpi slt, %select_n3A, %lt3A_145 : i32
      %ne3A_147 = arith.xori %lt3A_144, %lt3A_146 : i1
      %and3A = arith.andi %ne3A_147, %ne3A_143 : i1
      %add3A_148 = arith.addi %rem3A, %select_n3A : i32
      %select_n3A_149 = arith.select %and3A, %add3A_148, %rem3A : i32
      %dma_start3A_150 = arith.constant 0 : i32
      %dma_start3A_151 = tpu.memref_slice %arg6[%select_n3A_149, %dma_start3A_150] : memref<40x128xi32, #tpu.memory_space<vmem>> -> memref<1x128xi32, #tpu.memory_space<vmem>>
      %dma_start3A_152 = tpu.memref_squeeze %dma_start3A_151 : memref<1x128xi32, #tpu.memory_space<vmem>> -> memref<128xi32, #tpu.memory_space<vmem>>
      %dma_start3A_153 = arith.constant 0 : i32
      %dma_start3A_154 = arith.constant 0 : i32
      %dma_start3A_155 = tpu.memref_slice %arg2[%dma_start3A_153, %dma_start3A_154] : memref<10000x128xf32, #tpu.memory_space<hbm>> -> memref<10000x128xf32, #tpu.memory_space<hbm>>
      tpu.enqueue_indirect_dma source(%dma_start3A_155 : memref<10000x128xf32, #tpu.memory_space<hbm>>) target(%arg8 : memref<128x128xf32, #tpu.memory_space<vmem>>) offsets(%dma_start3A_152 : memref<128xi32, #tpu.memory_space<vmem>>) semaphore(%arg11 : memref<!tpu.dma_semaphore, #tpu.memory_space<semaphore_mem>>)
      %add3A_156 = arith.constant 1 : i32
      %add3A_157 = arith.addi %mul3A_116, %add3A_156 : i32
      "tpu.region"() ({
        %run_scoped3A = tpu.sem_alloc : memref<!tpu.dma_semaphore, #tpu.memory_space<semaphore_mem>>
        %dma_start3A_159 = arith.constant 0 : i32
        %dma_start3A_160 = tpu.memref_slice %arg7[%add3A_157, %dma_start3A_159] : memref<40x128xi32, #tpu.memory_space<vmem>> -> memref<1x128xi32, #tpu.memory_space<vmem>>
        %dma_start3A_161 = tpu.memref_squeeze %dma_start3A_160 : memref<1x128xi32, #tpu.memory_space<vmem>> -> memref<128xi32, #tpu.memory_space<vmem>>
        %dma_start3A_162 = arith.constant 0 : i32
        %dma_start3A_163 = arith.constant 0 : i32
        %dma_start3A_164 = tpu.memref_slice %arg10[%dma_start3A_162, %dma_start3A_163] : memref<10240x128xf32, #tpu.memory_space<vmem_shared>> -> memref<10240x128xf32, #tpu.memory_space<vmem_shared>>
        tpu.enqueue_indirect_dma source(%arg9 : memref<128x128xf32, #tpu.memory_space<vmem>>) target(%dma_start3A_164 : memref<10240x128xf32, #tpu.memory_space<vmem_shared>>) offsets(%dma_start3A_161 : memref<128xi32, #tpu.memory_space<vmem>>) semaphore(%run_scoped3A : memref<!tpu.dma_semaphore, #tpu.memory_space<semaphore_mem>>) {add = true}
        %dma_wait3A_165 = arith.constant 0 : i32
        %dma_wait3A_166 = tpu.memref_slice %arg7[%add3A_157, %dma_wait3A_165] : memref<40x128xi32, #tpu.memory_space<vmem>> -> memref<1x128xi32, #tpu.memory_space<vmem>>
        %dma_wait3A_167 = tpu.memref_squeeze %dma_wait3A_166 : memref<1x128xi32, #tpu.memory_space<vmem>> -> memref<128xi32, #tpu.memory_space<vmem>>
        %dma_wait3A_168 = arith.constant 0 : i32
        %dma_wait3A_169 = arith.constant 0 : i32
        %dma_wait3A_170 = tpu.memref_slice %arg10[%dma_wait3A_168, %dma_wait3A_169] : memref<10240x128xf32, #tpu.memory_space<vmem_shared>> -> memref<10240x128xf32, #tpu.memory_space<vmem_shared>>
        tpu.wait_indirect_dma semaphore(%run_scoped3A : memref<!tpu.dma_semaphore, #tpu.memory_space<semaphore_mem>>) src(%arg9 : memref<128x128xf32, #tpu.memory_space<vmem>>) dst(%dma_wait3A_170 : memref<10240x128xf32, #tpu.memory_space<vmem_shared>>)
        tpu.yield
      }) : () -> ()
      %scan3A_158 = arith.constant 0 : i32
      scf.yield %scan3A_158 : i32
    }
    %scan3A_104 = arith.constant 20 : i32
    %dma_wait3A_105 = arith.constant 0 : i32
    %dma_wait3A_106 = arith.constant 0 : i32
    %dma_wait3A_107 = tpu.memref_slice %arg6[%dma_wait3A_105, %dma_wait3A_106] : memref<40x128xi32, #tpu.memory_space<vmem>> -> memref<1x128xi32, #tpu.memory_space<vmem>>
    %dma_wait3A_108 = tpu.memref_squeeze %dma_wait3A_107 : memref<1x128xi32, #tpu.memory_space<vmem>> -> memref<128xi32, #tpu.memory_space<vmem>>
    %dma_wait3A_109 = arith.constant 0 : i32
    %dma_wait3A_110 = arith.constant 0 : i32
    %dma_wait3A_111 = tpu.memref_slice %arg2[%dma_wait3A_109, %dma_wait3A_110] : memref<10000x128xf32, #tpu.memory_space<hbm>> -> memref<10000x128xf32, #tpu.memory_space<hbm>>
    tpu.wait_indirect_dma semaphore(%arg11 : memref<!tpu.dma_semaphore, #tpu.memory_space<semaphore_mem>>) src(%dma_wait3A_111 : memref<10000x128xf32, #tpu.memory_space<hbm>>) dst(%arg8 : memref<128x128xf32, #tpu.memory_space<vmem>>)
    %barrier3A_112 = arith.constant 0 : index
    tpu.barrier barrier_id(%barrier3A_112)
    "tpu.region"() ({
      %run_scoped3A = tpu.sem_alloc : memref<!tpu.dma_semaphore, #tpu.memory_space<semaphore_mem>>
      %dma_start3A_113 = arith.constant 0 : i32
      %dma_start3A_114 = tpu.memref_slice %arg5[%arg0, %mul3A_9, %dma_start3A_113] : memref<2x10240x128xf32, #tpu.memory_space<hbm>> -> memref<1x640x128xf32, #tpu.memory_space<hbm>>
      %dma_start3A_115 = tpu.memref_squeeze %dma_start3A_114 : memref<1x640x128xf32, #tpu.memory_space<hbm>> -> memref<640x128xf32, #tpu.memory_space<hbm>>
      %dma_start3A_116 = arith.constant 0 : i32
      %dma_start3A_117 = tpu.memref_slice %arg10[%mul3A_9, %dma_start3A_116] : memref<10240x128xf32, #tpu.memory_space<vmem_shared>> -> memref<640x128xf32, #tpu.memory_space<vmem_shared>>
      tpu.enqueue_dma source(%dma_start3A_117 : memref<640x128xf32, #tpu.memory_space<vmem_shared>>) target(%dma_start3A_115 : memref<640x128xf32, #tpu.memory_space<hbm>>) target_semaphore(%run_scoped3A : memref<!tpu.dma_semaphore, #tpu.memory_space<semaphore_mem>>)
      %dma_wait3A_118 = arith.constant 0 : i32
      %dma_wait3A_119 = tpu.memref_slice %arg5[%arg0, %mul3A_9, %dma_wait3A_118] : memref<2x10240x128xf32, #tpu.memory_space<hbm>> -> memref<1x640x128xf32, #tpu.memory_space<hbm>>
      %dma_wait3A_120 = tpu.memref_squeeze %dma_wait3A_119 : memref<1x640x128xf32, #tpu.memory_space<hbm>> -> memref<640x128xf32, #tpu.memory_space<hbm>>
      %dma_wait3A_121 = arith.constant 0 : i32
      %dma_wait3A_122 = tpu.memref_slice %arg10[%mul3A_9, %dma_wait3A_121] : memref<10240x128xf32, #tpu.memory_space<vmem_shared>> -> memref<640x128xf32, #tpu.memory_space<vmem_shared>>
      tpu.wait_dma2 semaphore(%run_scoped3A : memref<!tpu.dma_semaphore, #tpu.memory_space<semaphore_mem>>) src(%dma_wait3A_122 : memref<640x128xf32, #tpu.memory_space<vmem_shared>>) dst(%dma_wait3A_120 : memref<640x128xf32, #tpu.memory_space<hbm>>)
      tpu.yield
    }) : () -> ()
    return
  }
}

#map = affine_map<(d0, d1) -> (0, 0)>
#map1 = affine_map<(d0, d1) -> (0, 0, 0)>
module attributes {stable_mosaic.version = 14 : i64} {
  func.func @_sc_deg(%arg0: i32, %arg1: i32, %arg2: memref<2560x128xi32, #tpu.memory_space<hbm>>, %arg3: memref<2x10240x128xf32, #tpu.memory_space<hbm>>, %arg4: memref<80x128xi32, #tpu.memory_space<vmem>>, %arg5: memref<10240xf32, #tpu.memory_space<vmem>>, %arg6: memref<16x640xf32, #tpu.memory_space<vmem>>, %arg7: memref<640xf32, #tpu.memory_space<vmem>>, %arg8: memref<128x128xf32, #tpu.memory_space<vmem>>, %arg9: memref<16x10240xf32, #tpu.memory_space<vmem_shared>>, %arg10: memref<!tpu.dma_semaphore, #tpu.memory_space<semaphore_mem>>) attributes {dimension_semantics = [#tpu.dimension_semantics<core_parallel>, #tpu.dimension_semantics<subcore_parallel>], iteration_bounds = array<i64: 2, 16>, scalar_prefetch = 0 : i64, scratch_operands = 7 : i64, tpu.core_type = #tpu.core_type<sc_vector_subcore>, window_params = [{transform_indices = #map}, {transform_indices = #map1}]} {
    %mul3A = arith.constant 16 : i32
    %mul3A_0 = arith.muli %arg0, %mul3A : i32
    %add3A = arith.addi %mul3A_0, %arg1 : i32
    %mul3A_1 = arith.constant 80 : i32
    %mul3A_2 = arith.muli %add3A, %mul3A_1 : i32
    "tpu.region"() ({
      %run_scoped3A = tpu.sem_alloc : memref<!tpu.dma_semaphore, #tpu.memory_space<semaphore_mem>>
      %dma_start3A = arith.constant 0 : i32
      %dma_start3A_73 = tpu.memref_slice %arg2[%mul3A_2, %dma_start3A] : memref<2560x128xi32, #tpu.memory_space<hbm>> -> memref<80x128xi32, #tpu.memory_space<hbm>>
      %dma_start3A_74 = arith.constant 0 : i32
      %dma_start3A_75 = tpu.memref_slice %arg2[%mul3A_2, %dma_start3A_74] : memref<2560x128xi32, #tpu.memory_space<hbm>> -> memref<80x128xi32, #tpu.memory_space<hbm>>
      tpu.enqueue_dma source(%dma_start3A_75 : memref<80x128xi32, #tpu.memory_space<hbm>>) target(%arg4 : memref<80x128xi32, #tpu.memory_space<vmem>>) target_semaphore(%run_scoped3A : memref<!tpu.dma_semaphore, #tpu.memory_space<semaphore_mem>>)
      %dma_wait3A = arith.constant 0 : i32
      %dma_wait3A_76 = tpu.memref_slice %arg2[%mul3A_2, %dma_wait3A] : memref<2560x128xi32, #tpu.memory_space<hbm>> -> memref<80x128xi32, #tpu.memory_space<hbm>>
      %dma_wait3A_77 = arith.constant 0 : i32
      %dma_wait3A_78 = tpu.memref_slice %arg2[%mul3A_2, %dma_wait3A_77] : memref<2560x128xi32, #tpu.memory_space<hbm>> -> memref<80x128xi32, #tpu.memory_space<hbm>>
      tpu.wait_dma2 semaphore(%run_scoped3A : memref<!tpu.dma_semaphore, #tpu.memory_space<semaphore_mem>>) src(%dma_wait3A_78 : memref<80x128xi32, #tpu.memory_space<hbm>>) dst(%arg4 : memref<80x128xi32, #tpu.memory_space<vmem>>)
      tpu.yield
    }) : () -> ()
    %broadcast_in_dim3A = arith.constant 0.000000e+00 : f32
    %broadcast_in_dim3A_3 = vector.broadcast %broadcast_in_dim3A : f32 to vector<16xf32>
    %scan3A = arith.constant 0 : i32
    %scan3A_4 = arith.constant 0 : i32
    %scan3A_5 = arith.constant 640 : i32
    %scan3A_6 = arith.addi %scan3A_4, %scan3A_5 : i32
    %scan3A_7 = arith.constant 1 : i32
    %scan3A_8 = scf.for %scan3A_73 = %scan3A_4 to %scan3A_6 step %scan3A_7 iter_args(%scan3A_74 = %scan3A) -> (i32)  : i32 {
      %mul3A_75 = arith.constant 16 : i32
      %mul3A_76 = arith.muli %scan3A_73, %mul3A_75 : i32
      %swap3A = arith.index_cast %mul3A_76 : i32 to index
      %swap3A_77 = tpu.vector_load %arg5[%swap3A] {strides = array<i32>} : memref<10240xf32, #tpu.memory_space<vmem>>, vector<16xf32>,
      tpu.vector_store %arg5[%swap3A], %broadcast_in_dim3A_3 {strides = array<i32>} : memref<10240xf32, #tpu.memory_space<vmem>>, vector<16xf32>,
      %scan3A_78 = arith.constant 0 : i32
      scf.yield %scan3A_78 : i32
    }
    %scan3A_9 = arith.constant 640 : i32
    %broadcast_in_dim3A_10 = arith.constant 1.000000e+00 : f32
    %broadcast_in_dim3A_11 = vector.broadcast %broadcast_in_dim3A_10 : f32 to vector<16xf32>
    %scan3A_12 = arith.constant 0 : i32
    %scan3A_13 = arith.constant 0 : i32
    %scan3A_14 = arith.constant 640 : i32
    %scan3A_15 = arith.addi %scan3A_13, %scan3A_14 : i32
    %scan3A_16 = arith.constant 1 : i32
    %scan3A_17 = scf.for %scan3A_73 = %scan3A_13 to %scan3A_15 step %scan3A_16 iter_args(%scan3A_74 = %scan3A_12) -> (i32)  : i32 {
      %jit3A = arith.constant 8 : i32
      %div3A = arith.divsi %scan3A_73, %jit3A : i32
      %sign3A = arith.constant 0 : i32
      %sign3A_75 = arith.cmpi sgt, %scan3A_73, %sign3A : i32
      %sign3A_76 = arith.extui %sign3A_75 : i1 to i32
      %sign3A_77 = arith.constant 0 : i32
      %sign3A_78 = arith.cmpi slt, %scan3A_73, %sign3A_77 : i32
      %sign3A_79 = arith.extui %sign3A_78 : i1 to i32
      %sign3A_80 = arith.subi %sign3A_76, %sign3A_79 : i32
      %sign3A_81 = arith.constant 0 : i32
      %sign3A_82 = arith.cmpi sgt, %jit3A, %sign3A_81 : i32
      %sign3A_83 = arith.extui %sign3A_82 : i1 to i32
      %sign3A_84 = arith.constant 0 : i32
      %sign3A_85 = arith.cmpi slt, %jit3A, %sign3A_84 : i32
      %sign3A_86 = arith.extui %sign3A_85 : i1 to i32
      %sign3A_87 = arith.subi %sign3A_83, %sign3A_86 : i32
      %ne3A = arith.cmpi ne, %sign3A_80, %sign3A_87 : i32
      %rem3A = arith.remsi %scan3A_73, %jit3A : i32
      %ne3A_88 = arith.constant 0 : i32
      %ne3A_89 = arith.cmpi ne, %rem3A, %ne3A_88 : i32
      %and3A = arith.andi %ne3A, %ne3A_89 : i1
      %sub3A = arith.constant 1 : i32
      %sub3A_90 = arith.subi %div3A, %sub3A : i32
      %select_n3A = arith.select %and3A, %sub3A_90, %div3A : i32
      %rem3A_91 = arith.constant 8 : i32
      %rem3A_92 = arith.remsi %scan3A_73, %rem3A_91 : i32
      %mul3A_93 = arith.constant 16 : i32
      %mul3A_94 = arith.muli %rem3A_92, %mul3A_93 : i32
      %get3A = arith.index_cast %select_n3A : i32 to index
      %get3A_95 = arith.index_cast %mul3A_94 : i32 to index
      %get3A_96 = tpu.vector_load %arg4[%get3A, %get3A_95] {strides = array<i32>} : memref<80x128xi32, #tpu.memory_space<vmem>>, vector<16xi32>,
      tpu.vector_store_idx %arg5[%get3A_96], %broadcast_in_dim3A_11 {add = true} : memref<10240xf32, #tpu.memory_space<vmem>>[vector<16xi32>], vector<16xf32>,
      %scan3A_97 = arith.constant 0 : i32
      scf.yield %scan3A_97 : i32
    }
    %scan3A_18 = arith.constant 640 : i32
    "tpu.region"() ({
      %run_scoped3A = tpu.sem_alloc : memref<!tpu.dma_semaphore, #tpu.memory_space<semaphore_mem>>
      %dma_start3A = arith.constant 0 : i32
      %dma_start3A_73 = tpu.memref_slice %arg9[%arg1, %dma_start3A] : memref<16x10240xf32, #tpu.memory_space<vmem_shared>> -> memref<1x10240xf32, #tpu.memory_space<vmem_shared>>
      %dma_start3A_74 = tpu.memref_squeeze %dma_start3A_73 : memref<1x10240xf32, #tpu.memory_space<vmem_shared>> -> memref<10240xf32, #tpu.memory_space<vmem_shared>>
      %dma_start3A_75 = arith.constant 0 : i32
      %dma_start3A_76 = tpu.memref_slice %arg9[%arg1, %dma_start3A_75] : memref<16x10240xf32, #tpu.memory_space<vmem_shared>> -> memref<1x10240xf32, #tpu.memory_space<vmem_shared>>
      %dma_start3A_77 = tpu.memref_squeeze %dma_start3A_76 : memref<1x10240xf32, #tpu.memory_space<vmem_shared>> -> memref<10240xf32, #tpu.memory_space<vmem_shared>>
      tpu.enqueue_dma source(%arg5 : memref<10240xf32, #tpu.memory_space<vmem>>) target(%dma_start3A_77 : memref<10240xf32, #tpu.memory_space<vmem_shared>>) target_semaphore(%run_scoped3A : memref<!tpu.dma_semaphore, #tpu.memory_space<semaphore_mem>>)
      %dma_wait3A = arith.constant 0 : i32
      %dma_wait3A_78 = tpu.memref_slice %arg9[%arg1, %dma_wait3A] : memref<16x10240xf32, #tpu.memory_space<vmem_shared>> -> memref<1x10240xf32, #tpu.memory_space<vmem_shared>>
      %dma_wait3A_79 = tpu.memref_squeeze %dma_wait3A_78 : memref<1x10240xf32, #tpu.memory_space<vmem_shared>> -> memref<10240xf32, #tpu.memory_space<vmem_shared>>
      %dma_wait3A_80 = arith.constant 0 : i32
      %dma_wait3A_81 = tpu.memref_slice %arg9[%arg1, %dma_wait3A_80] : memref<16x10240xf32, #tpu.memory_space<vmem_shared>> -> memref<1x10240xf32, #tpu.memory_space<vmem_shared>>
      %dma_wait3A_82 = tpu.memref_squeeze %dma_wait3A_81 : memref<1x10240xf32, #tpu.memory_space<vmem_shared>> -> memref<10240xf32, #tpu.memory_space<vmem_shared>>
      tpu.wait_dma2 semaphore(%run_scoped3A : memref<!tpu.dma_semaphore, #tpu.memory_space<semaphore_mem>>) src(%arg5 : memref<10240xf32, #tpu.memory_space<vmem>>) dst(%dma_wait3A_82 : memref<10240xf32, #tpu.memory_space<vmem_shared>>)
      tpu.yield
    }) : () -> ()
    %barrier3A = arith.constant 0 : index
    tpu.barrier barrier_id(%barrier3A)
    %mul3A_19 = arith.constant 640 : i32
    %mul3A_20 = arith.muli %arg1, %mul3A_19 : i32
    "tpu.region"() ({
      %run_scoped3A = tpu.sem_alloc : memref<!tpu.dma_semaphore, #tpu.memory_space<semaphore_mem>>
      %dma_start3A = arith.constant 0 : i32
      %dma_start3A_73 = tpu.memref_slice %arg9[%dma_start3A, %mul3A_20] : memref<16x10240xf32, #tpu.memory_space<vmem_shared>> -> memref<16x640xf32, #tpu.memory_space<vmem_shared>>
      %dma_start3A_74 = arith.constant 0 : i32
      %dma_start3A_75 = tpu.memref_slice %arg9[%dma_start3A_74, %mul3A_20] : memref<16x10240xf32, #tpu.memory_space<vmem_shared>> -> memref<16x640xf32, #tpu.memory_space<vmem_shared>>
      tpu.enqueue_dma source(%dma_start3A_75 : memref<16x640xf32, #tpu.memory_space<vmem_shared>>) target(%arg6 : memref<16x640xf32, #tpu.memory_space<vmem>>) target_semaphore(%run_scoped3A : memref<!tpu.dma_semaphore, #tpu.memory_space<semaphore_mem>>)
      %dma_wait3A = arith.constant 0 : i32
      %dma_wait3A_76 = tpu.memref_slice %arg9[%dma_wait3A, %mul3A_20] : memref<16x10240xf32, #tpu.memory_space<vmem_shared>> -> memref<16x640xf32, #tpu.memory_space<vmem_shared>>
      %dma_wait3A_77 = arith.constant 0 : i32
      %dma_wait3A_78 = tpu.memref_slice %arg9[%dma_wait3A_77, %mul3A_20] : memref<16x10240xf32, #tpu.memory_space<vmem_shared>> -> memref<16x640xf32, #tpu.memory_space<vmem_shared>>
      tpu.wait_dma2 semaphore(%run_scoped3A : memref<!tpu.dma_semaphore, #tpu.memory_space<semaphore_mem>>) src(%dma_wait3A_78 : memref<16x640xf32, #tpu.memory_space<vmem_shared>>) dst(%arg6 : memref<16x640xf32, #tpu.memory_space<vmem>>)
      tpu.yield
    }) : () -> ()
    %scan3A_21 = arith.constant 0 : i32
    %scan3A_22 = arith.constant 0 : i32
    %scan3A_23 = arith.constant 40 : i32
    %scan3A_24 = arith.addi %scan3A_22, %scan3A_23 : i32
    %scan3A_25 = arith.constant 1 : i32
    %scan3A_26 = scf.for %scan3A_73 = %scan3A_22 to %scan3A_24 step %scan3A_25 iter_args(%scan3A_74 = %scan3A_21) -> (i32)  : i32 {
      %mul3A_75 = arith.constant 16 : i32
      %mul3A_76 = arith.muli %scan3A_73, %mul3A_75 : i32
      %get3A = arith.constant 0 : i32
      %get3A_77 = arith.index_cast %get3A : i32 to index
      %get3A_78 = arith.index_cast %mul3A_76 : i32 to index
      %get3A_79 = tpu.vector_load %arg6[%get3A_77, %get3A_78] {strides = array<i32>} : memref<16x640xf32, #tpu.memory_space<vmem>>, vector<16xf32>,
      %scan3A_80 = arith.constant 1 : i32
      %scan3A_81 = arith.constant 15 : i32
      %scan3A_82 = arith.addi %scan3A_80, %scan3A_81 : i32
      %scan3A_83 = arith.constant 1 : i32
      %scan3A_84 = scf.for %scan3A_90 = %scan3A_80 to %scan3A_82 step %scan3A_83 iter_args(%scan3A_91 = %get3A_79) -> (vector<16xf32>)  : i32 {
        %mul3A_92 = arith.constant 16 : i32
        %mul3A_93 = arith.muli %scan3A_73, %mul3A_92 : i32
        %get3A_94 = arith.index_cast %scan3A_90 : i32 to index
        %get3A_95 = arith.index_cast %mul3A_93 : i32 to index
        %get3A_96 = tpu.vector_load %arg6[%get3A_94, %get3A_95] {strides = array<i32>} : memref<16x640xf32, #tpu.memory_space<vmem>>, vector<16xf32>,
        %add3A_97 = arith.addf %scan3A_91, %get3A_96 : vector<16xf32>
        scf.yield %add3A_97 : vector<16xf32>
      }
      %scan3A_85 = arith.constant 15 : i32
      %mul3A_86 = arith.constant 16 : i32
      %mul3A_87 = arith.muli %scan3A_73, %mul3A_86 : i32
      %swap3A = arith.index_cast %mul3A_87 : i32 to index
      %swap3A_88 = tpu.vector_load %arg7[%swap3A] {strides = array<i32>} : memref<640xf32, #tpu.memory_space<vmem>>, vector<16xf32>,
      tpu.vector_store %arg7[%swap3A], %scan3A_84 {strides = array<i32>} : memref<640xf32, #tpu.memory_space<vmem>>, vector<16xf32>,
      %scan3A_89 = arith.constant 0 : i32
      scf.yield %scan3A_89 : i32
    }
    %scan3A_27 = arith.constant 40 : i32
    %iota3A = tpu.iota {dimensions = array<i32: 0>} : vector<16xi32>
    %scan3A_28 = arith.constant 0 : i32
    %scan3A_29 = arith.constant 0 : i32
    %scan3A_30 = arith.constant 128 : i32
    %scan3A_31 = arith.addi %scan3A_29, %scan3A_30 : i32
    %scan3A_32 = arith.constant 1 : i32
    %scan3A_33 = scf.for %scan3A_73 = %scan3A_29 to %scan3A_31 step %scan3A_32 iter_args(%scan3A_74 = %scan3A_28) -> (i32)  : i32 {
      %add3A_75 = arith.constant 0 : i32
      %add3A_76 = arith.addi %add3A_75, %scan3A_73 : i32
      %broadcast_in_dim3A_77 = vector.broadcast %add3A_76 : i32 to vector<16xi32>
      %gather3A = tpu.vector_load_idx %arg7[%broadcast_in_dim3A_77] : memref<640xf32, #tpu.memory_space<vmem>>[vector<16xi32>], vector<16xf32>,
      %broadcast_in_dim3A_78 = vector.broadcast %scan3A_73 : i32 to vector<16xi32>
      %scan3A_79 = arith.constant 0 : i32
      %scan3A_80 = arith.constant 0 : i32
      %scan3A_81 = arith.constant 8 : i32
      %scan3A_82 = arith.addi %scan3A_80, %scan3A_81 : i32
      %scan3A_83 = arith.constant 1 : i32
      %scan3A_84 = scf.for %scan3A_86 = %scan3A_80 to %scan3A_82 step %scan3A_83 iter_args(%scan3A_87 = %scan3A_79) -> (i32)  : i32 {
        %mul3A_88 = arith.constant 16 : i32
        %mul3A_89 = arith.muli %scan3A_86, %mul3A_88 : i32
        %add3A_90 = vector.broadcast %mul3A_89 : i32 to vector<16xi32>
        %add3A_91 = arith.addi %iota3A, %add3A_90 : vector<16xi32>
        tpu.vector_store_idx %arg8[%broadcast_in_dim3A_78, %add3A_91], %gather3A : memref<128x128xf32, #tpu.memory_space<vmem>>[vector<16xi32>, vector<16xi32>], vector<16xf32>,
        %scan3A_92 = arith.constant 0 : i32
        scf.yield %scan3A_92 : i32
      }
      %scan3A_85 = arith.constant 8 : i32
      scf.yield %scan3A_84 : i32
    }
    %scan3A_34 = arith.constant 128 : i32
    %add3A_35 = arith.constant 0 : i32
    %add3A_36 = arith.addi %mul3A_20, %add3A_35 : i32
    "tpu.region"() ({
      %run_scoped3A = tpu.sem_alloc : memref<!tpu.dma_semaphore, #tpu.memory_space<semaphore_mem>>
      %dma_start3A = arith.constant 0 : i32
      %dma_start3A_73 = tpu.memref_slice %arg3[%arg0, %add3A_36, %dma_start3A] : memref<2x10240x128xf32, #tpu.memory_space<hbm>> -> memref<1x128x128xf32, #tpu.memory_space<hbm>>
      %dma_start3A_74 = tpu.memref_squeeze %dma_start3A_73 : memref<1x128x128xf32, #tpu.memory_space<hbm>> -> memref<128x128xf32, #tpu.memory_space<hbm>>
      %dma_start3A_75 = arith.constant 0 : i32
      %dma_start3A_76 = tpu.memref_slice %arg3[%arg0, %add3A_36, %dma_start3A_75] : memref<2x10240x128xf32, #tpu.memory_space<hbm>> -> memref<1x128x128xf32, #tpu.memory_space<hbm>>
      %dma_start3A_77 = tpu.memref_squeeze %dma_start3A_76 : memref<1x128x128xf32, #tpu.memory_space<hbm>> -> memref<128x128xf32, #tpu.memory_space<hbm>>
      tpu.enqueue_dma source(%arg8 : memref<128x128xf32, #tpu.memory_space<vmem>>) target(%dma_start3A_77 : memref<128x128xf32, #tpu.memory_space<hbm>>) target_semaphore(%run_scoped3A : memref<!tpu.dma_semaphore, #tpu.memory_space<semaphore_mem>>)
      %dma_wait3A = arith.constant 0 : i32
      %dma_wait3A_78 = tpu.memref_slice %arg3[%arg0, %add3A_36, %dma_wait3A] : memref<2x10240x128xf32, #tpu.memory_space<hbm>> -> memref<1x128x128xf32, #tpu.memory_space<hbm>>
      %dma_wait3A_79 = tpu.memref_squeeze %dma_wait3A_78 : memref<1x128x128xf32, #tpu.memory_space<hbm>> -> memref<128x128xf32, #tpu.memory_space<hbm>>
      %dma_wait3A_80 = arith.constant 0 : i32
      %dma_wait3A_81 = tpu.memref_slice %arg3[%arg0, %add3A_36, %dma_wait3A_80] : memref<2x10240x128xf32, #tpu.memory_space<hbm>> -> memref<1x128x128xf32, #tpu.memory_space<hbm>>
      %dma_wait3A_82 = tpu.memref_squeeze %dma_wait3A_81 : memref<1x128x128xf32, #tpu.memory_space<hbm>> -> memref<128x128xf32, #tpu.memory_space<hbm>>
      tpu.wait_dma2 semaphore(%run_scoped3A : memref<!tpu.dma_semaphore, #tpu.memory_space<semaphore_mem>>) src(%arg8 : memref<128x128xf32, #tpu.memory_space<vmem>>) dst(%dma_wait3A_82 : memref<128x128xf32, #tpu.memory_space<hbm>>)
      tpu.yield
    }) : () -> ()
    %scan3A_37 = arith.constant 0 : i32
    %scan3A_38 = arith.constant 0 : i32
    %scan3A_39 = arith.constant 128 : i32
    %scan3A_40 = arith.addi %scan3A_38, %scan3A_39 : i32
    %scan3A_41 = arith.constant 1 : i32
    %scan3A_42 = scf.for %scan3A_73 = %scan3A_38 to %scan3A_40 step %scan3A_41 iter_args(%scan3A_74 = %scan3A_37) -> (i32)  : i32 {
      %add3A_75 = arith.constant 128 : i32
      %add3A_76 = arith.addi %add3A_75, %scan3A_73 : i32
      %broadcast_in_dim3A_77 = vector.broadcast %add3A_76 : i32 to vector<16xi32>
      %gather3A = tpu.vector_load_idx %arg7[%broadcast_in_dim3A_77] : memref<640xf32, #tpu.memory_space<vmem>>[vector<16xi32>], vector<16xf32>,
      %broadcast_in_dim3A_78 = vector.broadcast %scan3A_73 : i32 to vector<16xi32>
      %scan3A_79 = arith.constant 0 : i32
      %scan3A_80 = arith.constant 0 : i32
      %scan3A_81 = arith.constant 8 : i32
      %scan3A_82 = arith.addi %scan3A_80, %scan3A_81 : i32
      %scan3A_83 = arith.constant 1 : i32
      %scan3A_84 = scf.for %scan3A_86 = %scan3A_80 to %scan3A_82 step %scan3A_83 iter_args(%scan3A_87 = %scan3A_79) -> (i32)  : i32 {
        %mul3A_88 = arith.constant 16 : i32
        %mul3A_89 = arith.muli %scan3A_86, %mul3A_88 : i32
        %add3A_90 = vector.broadcast %mul3A_89 : i32 to vector<16xi32>
        %add3A_91 = arith.addi %iota3A, %add3A_90 : vector<16xi32>
        tpu.vector_store_idx %arg8[%broadcast_in_dim3A_78, %add3A_91], %gather3A : memref<128x128xf32, #tpu.memory_space<vmem>>[vector<16xi32>, vector<16xi32>], vector<16xf32>,
        %scan3A_92 = arith.constant 0 : i32
        scf.yield %scan3A_92 : i32
      }
      %scan3A_85 = arith.constant 8 : i32
      scf.yield %scan3A_84 : i32
    }
    %scan3A_43 = arith.constant 128 : i32
    %add3A_44 = arith.constant 128 : i32
    %add3A_45 = arith.addi %mul3A_20, %add3A_44 : i32
    "tpu.region"() ({
      %run_scoped3A = tpu.sem_alloc : memref<!tpu.dma_semaphore, #tpu.memory_space<semaphore_mem>>
      %dma_start3A = arith.constant 0 : i32
      %dma_start3A_73 = tpu.memref_slice %arg3[%arg0, %add3A_45, %dma_start3A] : memref<2x10240x128xf32, #tpu.memory_space<hbm>> -> memref<1x128x128xf32, #tpu.memory_space<hbm>>
      %dma_start3A_74 = tpu.memref_squeeze %dma_start3A_73 : memref<1x128x128xf32, #tpu.memory_space<hbm>> -> memref<128x128xf32, #tpu.memory_space<hbm>>
      %dma_start3A_75 = arith.constant 0 : i32
      %dma_start3A_76 = tpu.memref_slice %arg3[%arg0, %add3A_45, %dma_start3A_75] : memref<2x10240x128xf32, #tpu.memory_space<hbm>> -> memref<1x128x128xf32, #tpu.memory_space<hbm>>
      %dma_start3A_77 = tpu.memref_squeeze %dma_start3A_76 : memref<1x128x128xf32, #tpu.memory_space<hbm>> -> memref<128x128xf32, #tpu.memory_space<hbm>>
      tpu.enqueue_dma source(%arg8 : memref<128x128xf32, #tpu.memory_space<vmem>>) target(%dma_start3A_77 : memref<128x128xf32, #tpu.memory_space<hbm>>) target_semaphore(%run_scoped3A : memref<!tpu.dma_semaphore, #tpu.memory_space<semaphore_mem>>)
      %dma_wait3A = arith.constant 0 : i32
      %dma_wait3A_78 = tpu.memref_slice %arg3[%arg0, %add3A_45, %dma_wait3A] : memref<2x10240x128xf32, #tpu.memory_space<hbm>> -> memref<1x128x128xf32, #tpu.memory_space<hbm>>
      %dma_wait3A_79 = tpu.memref_squeeze %dma_wait3A_78 : memref<1x128x128xf32, #tpu.memory_space<hbm>> -> memref<128x128xf32, #tpu.memory_space<hbm>>
      %dma_wait3A_80 = arith.constant 0 : i32
      %dma_wait3A_81 = tpu.memref_slice %arg3[%arg0, %add3A_45, %dma_wait3A_80] : memref<2x10240x128xf32, #tpu.memory_space<hbm>> -> memref<1x128x128xf32, #tpu.memory_space<hbm>>
      %dma_wait3A_82 = tpu.memref_squeeze %dma_wait3A_81 : memref<1x128x128xf32, #tpu.memory_space<hbm>> -> memref<128x128xf32, #tpu.memory_space<hbm>>
      tpu.wait_dma2 semaphore(%run_scoped3A : memref<!tpu.dma_semaphore, #tpu.memory_space<semaphore_mem>>) src(%arg8 : memref<128x128xf32, #tpu.memory_space<vmem>>) dst(%dma_wait3A_82 : memref<128x128xf32, #tpu.memory_space<hbm>>)
      tpu.yield
    }) : () -> ()
    %scan3A_46 = arith.constant 0 : i32
    %scan3A_47 = arith.constant 0 : i32
    %scan3A_48 = arith.constant 128 : i32
    %scan3A_49 = arith.addi %scan3A_47, %scan3A_48 : i32
    %scan3A_50 = arith.constant 1 : i32
    %scan3A_51 = scf.for %scan3A_73 = %scan3A_47 to %scan3A_49 step %scan3A_50 iter_args(%scan3A_74 = %scan3A_46) -> (i32)  : i32 {
      %add3A_75 = arith.constant 256 : i32
      %add3A_76 = arith.addi %add3A_75, %scan3A_73 : i32
      %broadcast_in_dim3A_77 = vector.broadcast %add3A_76 : i32 to vector<16xi32>
      %gather3A = tpu.vector_load_idx %arg7[%broadcast_in_dim3A_77] : memref<640xf32, #tpu.memory_space<vmem>>[vector<16xi32>], vector<16xf32>,
      %broadcast_in_dim3A_78 = vector.broadcast %scan3A_73 : i32 to vector<16xi32>
      %scan3A_79 = arith.constant 0 : i32
      %scan3A_80 = arith.constant 0 : i32
      %scan3A_81 = arith.constant 8 : i32
      %scan3A_82 = arith.addi %scan3A_80, %scan3A_81 : i32
      %scan3A_83 = arith.constant 1 : i32
      %scan3A_84 = scf.for %scan3A_86 = %scan3A_80 to %scan3A_82 step %scan3A_83 iter_args(%scan3A_87 = %scan3A_79) -> (i32)  : i32 {
        %mul3A_88 = arith.constant 16 : i32
        %mul3A_89 = arith.muli %scan3A_86, %mul3A_88 : i32
        %add3A_90 = vector.broadcast %mul3A_89 : i32 to vector<16xi32>
        %add3A_91 = arith.addi %iota3A, %add3A_90 : vector<16xi32>
        tpu.vector_store_idx %arg8[%broadcast_in_dim3A_78, %add3A_91], %gather3A : memref<128x128xf32, #tpu.memory_space<vmem>>[vector<16xi32>, vector<16xi32>], vector<16xf32>,
        %scan3A_92 = arith.constant 0 : i32
        scf.yield %scan3A_92 : i32
      }
      %scan3A_85 = arith.constant 8 : i32
      scf.yield %scan3A_84 : i32
    }
    %scan3A_52 = arith.constant 128 : i32
    %add3A_53 = arith.constant 256 : i32
    %add3A_54 = arith.addi %mul3A_20, %add3A_53 : i32
    "tpu.region"() ({
      %run_scoped3A = tpu.sem_alloc : memref<!tpu.dma_semaphore, #tpu.memory_space<semaphore_mem>>
      %dma_start3A = arith.constant 0 : i32
      %dma_start3A_73 = tpu.memref_slice %arg3[%arg0, %add3A_54, %dma_start3A] : memref<2x10240x128xf32, #tpu.memory_space<hbm>> -> memref<1x128x128xf32, #tpu.memory_space<hbm>>
      %dma_start3A_74 = tpu.memref_squeeze %dma_start3A_73 : memref<1x128x128xf32, #tpu.memory_space<hbm>> -> memref<128x128xf32, #tpu.memory_space<hbm>>
      %dma_start3A_75 = arith.constant 0 : i32
      %dma_start3A_76 = tpu.memref_slice %arg3[%arg0, %add3A_54, %dma_start3A_75] : memref<2x10240x128xf32, #tpu.memory_space<hbm>> -> memref<1x128x128xf32, #tpu.memory_space<hbm>>
      %dma_start3A_77 = tpu.memref_squeeze %dma_start3A_76 : memref<1x128x128xf32, #tpu.memory_space<hbm>> -> memref<128x128xf32, #tpu.memory_space<hbm>>
      tpu.enqueue_dma source(%arg8 : memref<128x128xf32, #tpu.memory_space<vmem>>) target(%dma_start3A_77 : memref<128x128xf32, #tpu.memory_space<hbm>>) target_semaphore(%run_scoped3A : memref<!tpu.dma_semaphore, #tpu.memory_space<semaphore_mem>>)
      %dma_wait3A = arith.constant 0 : i32
      %dma_wait3A_78 = tpu.memref_slice %arg3[%arg0, %add3A_54, %dma_wait3A] : memref<2x10240x128xf32, #tpu.memory_space<hbm>> -> memref<1x128x128xf32, #tpu.memory_space<hbm>>
      %dma_wait3A_79 = tpu.memref_squeeze %dma_wait3A_78 : memref<1x128x128xf32, #tpu.memory_space<hbm>> -> memref<128x128xf32, #tpu.memory_space<hbm>>
      %dma_wait3A_80 = arith.constant 0 : i32
      %dma_wait3A_81 = tpu.memref_slice %arg3[%arg0, %add3A_54, %dma_wait3A_80] : memref<2x10240x128xf32, #tpu.memory_space<hbm>> -> memref<1x128x128xf32, #tpu.memory_space<hbm>>
      %dma_wait3A_82 = tpu.memref_squeeze %dma_wait3A_81 : memref<1x128x128xf32, #tpu.memory_space<hbm>> -> memref<128x128xf32, #tpu.memory_space<hbm>>
      tpu.wait_dma2 semaphore(%run_scoped3A : memref<!tpu.dma_semaphore, #tpu.memory_space<semaphore_mem>>) src(%arg8 : memref<128x128xf32, #tpu.memory_space<vmem>>) dst(%dma_wait3A_82 : memref<128x128xf32, #tpu.memory_space<hbm>>)
      tpu.yield
    }) : () -> ()
    %scan3A_55 = arith.constant 0 : i32
    %scan3A_56 = arith.constant 0 : i32
    %scan3A_57 = arith.constant 128 : i32
    %scan3A_58 = arith.addi %scan3A_56, %scan3A_57 : i32
    %scan3A_59 = arith.constant 1 : i32
    %scan3A_60 = scf.for %scan3A_73 = %scan3A_56 to %scan3A_58 step %scan3A_59 iter_args(%scan3A_74 = %scan3A_55) -> (i32)  : i32 {
      %add3A_75 = arith.constant 384 : i32
      %add3A_76 = arith.addi %add3A_75, %scan3A_73 : i32
      %broadcast_in_dim3A_77 = vector.broadcast %add3A_76 : i32 to vector<16xi32>
      %gather3A = tpu.vector_load_idx %arg7[%broadcast_in_dim3A_77] : memref<640xf32, #tpu.memory_space<vmem>>[vector<16xi32>], vector<16xf32>,
      %broadcast_in_dim3A_78 = vector.broadcast %scan3A_73 : i32 to vector<16xi32>
      %scan3A_79 = arith.constant 0 : i32
      %scan3A_80 = arith.constant 0 : i32
      %scan3A_81 = arith.constant 8 : i32
      %scan3A_82 = arith.addi %scan3A_80, %scan3A_81 : i32
      %scan3A_83 = arith.constant 1 : i32
      %scan3A_84 = scf.for %scan3A_86 = %scan3A_80 to %scan3A_82 step %scan3A_83 iter_args(%scan3A_87 = %scan3A_79) -> (i32)  : i32 {
        %mul3A_88 = arith.constant 16 : i32
        %mul3A_89 = arith.muli %scan3A_86, %mul3A_88 : i32
        %add3A_90 = vector.broadcast %mul3A_89 : i32 to vector<16xi32>
        %add3A_91 = arith.addi %iota3A, %add3A_90 : vector<16xi32>
        tpu.vector_store_idx %arg8[%broadcast_in_dim3A_78, %add3A_91], %gather3A : memref<128x128xf32, #tpu.memory_space<vmem>>[vector<16xi32>, vector<16xi32>], vector<16xf32>,
        %scan3A_92 = arith.constant 0 : i32
        scf.yield %scan3A_92 : i32
      }
      %scan3A_85 = arith.constant 8 : i32
      scf.yield %scan3A_84 : i32
    }
    %scan3A_61 = arith.constant 128 : i32
    %add3A_62 = arith.constant 384 : i32
    %add3A_63 = arith.addi %mul3A_20, %add3A_62 : i32
    "tpu.region"() ({
      %run_scoped3A = tpu.sem_alloc : memref<!tpu.dma_semaphore, #tpu.memory_space<semaphore_mem>>
      %dma_start3A = arith.constant 0 : i32
      %dma_start3A_73 = tpu.memref_slice %arg3[%arg0, %add3A_63, %dma_start3A] : memref<2x10240x128xf32, #tpu.memory_space<hbm>> -> memref<1x128x128xf32, #tpu.memory_space<hbm>>
      %dma_start3A_74 = tpu.memref_squeeze %dma_start3A_73 : memref<1x128x128xf32, #tpu.memory_space<hbm>> -> memref<128x128xf32, #tpu.memory_space<hbm>>
      %dma_start3A_75 = arith.constant 0 : i32
      %dma_start3A_76 = tpu.memref_slice %arg3[%arg0, %add3A_63, %dma_start3A_75] : memref<2x10240x128xf32, #tpu.memory_space<hbm>> -> memref<1x128x128xf32, #tpu.memory_space<hbm>>
      %dma_start3A_77 = tpu.memref_squeeze %dma_start3A_76 : memref<1x128x128xf32, #tpu.memory_space<hbm>> -> memref<128x128xf32, #tpu.memory_space<hbm>>
      tpu.enqueue_dma source(%arg8 : memref<128x128xf32, #tpu.memory_space<vmem>>) target(%dma_start3A_77 : memref<128x128xf32, #tpu.memory_space<hbm>>) target_semaphore(%run_scoped3A : memref<!tpu.dma_semaphore, #tpu.memory_space<semaphore_mem>>)
      %dma_wait3A = arith.constant 0 : i32
      %dma_wait3A_78 = tpu.memref_slice %arg3[%arg0, %add3A_63, %dma_wait3A] : memref<2x10240x128xf32, #tpu.memory_space<hbm>> -> memref<1x128x128xf32, #tpu.memory_space<hbm>>
      %dma_wait3A_79 = tpu.memref_squeeze %dma_wait3A_78 : memref<1x128x128xf32, #tpu.memory_space<hbm>> -> memref<128x128xf32, #tpu.memory_space<hbm>>
      %dma_wait3A_80 = arith.constant 0 : i32
      %dma_wait3A_81 = tpu.memref_slice %arg3[%arg0, %add3A_63, %dma_wait3A_80] : memref<2x10240x128xf32, #tpu.memory_space<hbm>> -> memref<1x128x128xf32, #tpu.memory_space<hbm>>
      %dma_wait3A_82 = tpu.memref_squeeze %dma_wait3A_81 : memref<1x128x128xf32, #tpu.memory_space<hbm>> -> memref<128x128xf32, #tpu.memory_space<hbm>>
      tpu.wait_dma2 semaphore(%run_scoped3A : memref<!tpu.dma_semaphore, #tpu.memory_space<semaphore_mem>>) src(%arg8 : memref<128x128xf32, #tpu.memory_space<vmem>>) dst(%dma_wait3A_82 : memref<128x128xf32, #tpu.memory_space<hbm>>)
      tpu.yield
    }) : () -> ()
    %scan3A_64 = arith.constant 0 : i32
    %scan3A_65 = arith.constant 0 : i32
    %scan3A_66 = arith.constant 128 : i32
    %scan3A_67 = arith.addi %scan3A_65, %scan3A_66 : i32
    %scan3A_68 = arith.constant 1 : i32
    %scan3A_69 = scf.for %scan3A_73 = %scan3A_65 to %scan3A_67 step %scan3A_68 iter_args(%scan3A_74 = %scan3A_64) -> (i32)  : i32 {
      %add3A_75 = arith.constant 512 : i32
      %add3A_76 = arith.addi %add3A_75, %scan3A_73 : i32
      %broadcast_in_dim3A_77 = vector.broadcast %add3A_76 : i32 to vector<16xi32>
      %gather3A = tpu.vector_load_idx %arg7[%broadcast_in_dim3A_77] : memref<640xf32, #tpu.memory_space<vmem>>[vector<16xi32>], vector<16xf32>,
      %broadcast_in_dim3A_78 = vector.broadcast %scan3A_73 : i32 to vector<16xi32>
      %scan3A_79 = arith.constant 0 : i32
      %scan3A_80 = arith.constant 0 : i32
      %scan3A_81 = arith.constant 8 : i32
      %scan3A_82 = arith.addi %scan3A_80, %scan3A_81 : i32
      %scan3A_83 = arith.constant 1 : i32
      %scan3A_84 = scf.for %scan3A_86 = %scan3A_80 to %scan3A_82 step %scan3A_83 iter_args(%scan3A_87 = %scan3A_79) -> (i32)  : i32 {
        %mul3A_88 = arith.constant 16 : i32
        %mul3A_89 = arith.muli %scan3A_86, %mul3A_88 : i32
        %add3A_90 = vector.broadcast %mul3A_89 : i32 to vector<16xi32>
        %add3A_91 = arith.addi %iota3A, %add3A_90 : vector<16xi32>
        tpu.vector_store_idx %arg8[%broadcast_in_dim3A_78, %add3A_91], %gather3A : memref<128x128xf32, #tpu.memory_space<vmem>>[vector<16xi32>, vector<16xi32>], vector<16xf32>,
        %scan3A_92 = arith.constant 0 : i32
        scf.yield %scan3A_92 : i32
      }
      %scan3A_85 = arith.constant 8 : i32
      scf.yield %scan3A_84 : i32
    }
    %scan3A_70 = arith.constant 128 : i32
    %add3A_71 = arith.constant 512 : i32
    %add3A_72 = arith.addi %mul3A_20, %add3A_71 : i32
    "tpu.region"() ({
      %run_scoped3A = tpu.sem_alloc : memref<!tpu.dma_semaphore, #tpu.memory_space<semaphore_mem>>
      %dma_start3A = arith.constant 0 : i32
      %dma_start3A_73 = tpu.memref_slice %arg3[%arg0, %add3A_72, %dma_start3A] : memref<2x10240x128xf32, #tpu.memory_space<hbm>> -> memref<1x128x128xf32, #tpu.memory_space<hbm>>
      %dma_start3A_74 = tpu.memref_squeeze %dma_start3A_73 : memref<1x128x128xf32, #tpu.memory_space<hbm>> -> memref<128x128xf32, #tpu.memory_space<hbm>>
      %dma_start3A_75 = arith.constant 0 : i32
      %dma_start3A_76 = tpu.memref_slice %arg3[%arg0, %add3A_72, %dma_start3A_75] : memref<2x10240x128xf32, #tpu.memory_space<hbm>> -> memref<1x128x128xf32, #tpu.memory_space<hbm>>
      %dma_start3A_77 = tpu.memref_squeeze %dma_start3A_76 : memref<1x128x128xf32, #tpu.memory_space<hbm>> -> memref<128x128xf32, #tpu.memory_space<hbm>>
      tpu.enqueue_dma source(%arg8 : memref<128x128xf32, #tpu.memory_space<vmem>>) target(%dma_start3A_77 : memref<128x128xf32, #tpu.memory_space<hbm>>) target_semaphore(%run_scoped3A : memref<!tpu.dma_semaphore, #tpu.memory_space<semaphore_mem>>)
      %dma_wait3A = arith.constant 0 : i32
      %dma_wait3A_78 = tpu.memref_slice %arg3[%arg0, %add3A_72, %dma_wait3A] : memref<2x10240x128xf32, #tpu.memory_space<hbm>> -> memref<1x128x128xf32, #tpu.memory_space<hbm>>
      %dma_wait3A_79 = tpu.memref_squeeze %dma_wait3A_78 : memref<1x128x128xf32, #tpu.memory_space<hbm>> -> memref<128x128xf32, #tpu.memory_space<hbm>>
      %dma_wait3A_80 = arith.constant 0 : i32
      %dma_wait3A_81 = tpu.memref_slice %arg3[%arg0, %add3A_72, %dma_wait3A_80] : memref<2x10240x128xf32, #tpu.memory_space<hbm>> -> memref<1x128x128xf32, #tpu.memory_space<hbm>>
      %dma_wait3A_82 = tpu.memref_squeeze %dma_wait3A_81 : memref<1x128x128xf32, #tpu.memory_space<hbm>> -> memref<128x128xf32, #tpu.memory_space<hbm>>
      tpu.wait_dma2 semaphore(%run_scoped3A : memref<!tpu.dma_semaphore, #tpu.memory_space<semaphore_mem>>) src(%arg8 : memref<128x128xf32, #tpu.memory_space<vmem>>) dst(%dma_wait3A_82 : memref<128x128xf32, #tpu.memory_space<hbm>>)
      tpu.yield
    }) : () -> ()
    return
  }
}

#map = affine_map<(d0, d1) -> (0, 0)>
#map1 = affine_map<(d0, d1) -> (0, 0, 0)>
module attributes {stable_mosaic.version = 14 : i64} {
  func.func @_sc_agg(%arg0: i32, %arg1: i32, %arg2: memref<10000x128xf32, #tpu.memory_space<hbm>>, %arg3: memref<2560x128xi32, #tpu.memory_space<hbm>>, %arg4: memref<2560x128xi32, #tpu.memory_space<hbm>>, %arg5: memref<2x10240x128xf32, #tpu.memory_space<hbm>>, %arg6: memref<40x128xi32, #tpu.memory_space<vmem>>, %arg7: memref<40x128xi32, #tpu.memory_space<vmem>>, %arg8: memref<128x128xf32, #tpu.memory_space<vmem>>, %arg9: memref<128x128xf32, #tpu.memory_space<vmem>>, %arg10: memref<10240x128xf32, #tpu.memory_space<vmem_shared>>, %arg11: memref<!tpu.dma_semaphore, #tpu.memory_space<semaphore_mem>>, %arg12: memref<!tpu.dma_semaphore, #tpu.memory_space<semaphore_mem>>) attributes {dimension_semantics = [#tpu.dimension_semantics<core_parallel>, #tpu.dimension_semantics<subcore_parallel>], iteration_bounds = array<i64: 2, 16>, scalar_prefetch = 0 : i64, scratch_operands = 7 : i64, tpu.core_type = #tpu.core_type<sc_vector_subcore>, window_params = [{transform_indices = #map}, {transform_indices = #map}, {transform_indices = #map}, {transform_indices = #map1}]} {
    %mul3A = arith.constant 16 : i32
    %mul3A_0 = arith.muli %arg0, %mul3A : i32
    %add3A = arith.addi %mul3A_0, %arg1 : i32
    %broadcast_in_dim3A = arith.constant 0.000000e+00 : f32
    %broadcast_in_dim3A_1 = vector.broadcast %broadcast_in_dim3A : f32 to vector<16xf32>
    %scan3A = arith.constant 0 : i32
    %scan3A_2 = arith.constant 0 : i32
    %scan3A_3 = arith.constant 128 : i32
    %scan3A_4 = arith.addi %scan3A_2, %scan3A_3 : i32
    %scan3A_5 = arith.constant 1 : i32
    %scan3A_6 = scf.for %scan3A_113 = %scan3A_2 to %scan3A_4 step %scan3A_5 iter_args(%scan3A_114 = %scan3A) -> (i32)  : i32 {
      %scan3A_115 = arith.constant 0 : i32
      %scan3A_116 = arith.constant 0 : i32
      %scan3A_117 = arith.constant 8 : i32
      %scan3A_118 = arith.addi %scan3A_116, %scan3A_117 : i32
      %scan3A_119 = arith.constant 1 : i32
      %scan3A_120 = scf.for %scan3A_122 = %scan3A_116 to %scan3A_118 step %scan3A_119 iter_args(%scan3A_123 = %scan3A_115) -> (i32)  : i32 {
        %mul3A_124 = arith.constant 16 : i32
        %mul3A_125 = arith.muli %scan3A_122, %mul3A_124 : i32
        %swap3A = arith.index_cast %scan3A_113 : i32 to index
        %swap3A_126 = arith.index_cast %mul3A_125 : i32 to index
        %swap3A_127 = tpu.vector_load %arg8[%swap3A, %swap3A_126] {strides = array<i32>} : memref<128x128xf32, #tpu.memory_space<vmem>>, vector<1x16xf32>,
        %swap3A_128 = vector.shape_cast %swap3A_127 : vector<1x16xf32> to vector<16xf32>
        %swap3A_129 = vector.shape_cast %broadcast_in_dim3A_1 : vector<16xf32> to vector<1x16xf32>
        tpu.vector_store %arg8[%swap3A, %swap3A_126], %swap3A_129 {strides = array<i32>} : memref<128x128xf32, #tpu.memory_space<vmem>>, vector<1x16xf32>,
        %scan3A_130 = arith.constant 0 : i32
        scf.yield %scan3A_130 : i32
      }
      %scan3A_121 = arith.constant 8 : i32
      scf.yield %scan3A_120 : i32
    }
    %scan3A_7 = arith.constant 128 : i32
    %mul3A_8 = arith.constant 640 : i32
    %mul3A_9 = arith.muli %arg1, %mul3A_8 : i32
    %add3A_10 = arith.constant 0 : i32
    %add3A_11 = arith.addi %mul3A_9, %add3A_10 : i32
    %dma_start3A = arith.constant 0 : i32
    %dma_start3A_12 = tpu.memref_slice %arg10[%add3A_11, %dma_start3A] : memref<10240x128xf32, #tpu.memory_space<vmem_shared>> -> memref<128x128xf32, #tpu.memory_space<vmem_shared>>
    %dma_start3A_13 = arith.constant 0 : i32
    %dma_start3A_14 = tpu.memref_slice %arg10[%add3A_11, %dma_start3A_13] : memref<10240x128xf32, #tpu.memory_space<vmem_shared>> -> memref<128x128xf32, #tpu.memory_space<vmem_shared>>
    tpu.enqueue_dma source(%arg8 : memref<128x128xf32, #tpu.memory_space<vmem>>) target(%dma_start3A_14 : memref<128x128xf32, #tpu.memory_space<vmem_shared>>) target_semaphore(%arg11 : memref<!tpu.dma_semaphore, #tpu.memory_space<semaphore_mem>>)
    %add3A_15 = arith.constant 128 : i32
    %add3A_16 = arith.addi %mul3A_9, %add3A_15 : i32
    %dma_start3A_17 = arith.constant 0 : i32
    %dma_start3A_18 = tpu.memref_slice %arg10[%add3A_16, %dma_start3A_17] : memref<10240x128xf32, #tpu.memory_space<vmem_shared>> -> memref<128x128xf32, #tpu.memory_space<vmem_shared>>
    %dma_start3A_19 = arith.constant 0 : i32
    %dma_start3A_20 = tpu.memref_slice %arg10[%add3A_16, %dma_start3A_19] : memref<10240x128xf32, #tpu.memory_space<vmem_shared>> -> memref<128x128xf32, #tpu.memory_space<vmem_shared>>
    tpu.enqueue_dma source(%arg8 : memref<128x128xf32, #tpu.memory_space<vmem>>) target(%dma_start3A_20 : memref<128x128xf32, #tpu.memory_space<vmem_shared>>) target_semaphore(%arg11 : memref<!tpu.dma_semaphore, #tpu.memory_space<semaphore_mem>>)
    %add3A_21 = arith.constant 256 : i32
    %add3A_22 = arith.addi %mul3A_9, %add3A_21 : i32
    %dma_start3A_23 = arith.constant 0 : i32
    %dma_start3A_24 = tpu.memref_slice %arg10[%add3A_22, %dma_start3A_23] : memref<10240x128xf32, #tpu.memory_space<vmem_shared>> -> memref<128x128xf32, #tpu.memory_space<vmem_shared>>
    %dma_start3A_25 = arith.constant 0 : i32
    %dma_start3A_26 = tpu.memref_slice %arg10[%add3A_22, %dma_start3A_25] : memref<10240x128xf32, #tpu.memory_space<vmem_shared>> -> memref<128x128xf32, #tpu.memory_space<vmem_shared>>
    tpu.enqueue_dma source(%arg8 : memref<128x128xf32, #tpu.memory_space<vmem>>) target(%dma_start3A_26 : memref<128x128xf32, #tpu.memory_space<vmem_shared>>) target_semaphore(%arg11 : memref<!tpu.dma_semaphore, #tpu.memory_space<semaphore_mem>>)
    %add3A_27 = arith.constant 384 : i32
    %add3A_28 = arith.addi %mul3A_9, %add3A_27 : i32
    %dma_start3A_29 = arith.constant 0 : i32
    %dma_start3A_30 = tpu.memref_slice %arg10[%add3A_28, %dma_start3A_29] : memref<10240x128xf32, #tpu.memory_space<vmem_shared>> -> memref<128x128xf32, #tpu.memory_space<vmem_shared>>
    %dma_start3A_31 = arith.constant 0 : i32
    %dma_start3A_32 = tpu.memref_slice %arg10[%add3A_28, %dma_start3A_31] : memref<10240x128xf32, #tpu.memory_space<vmem_shared>> -> memref<128x128xf32, #tpu.memory_space<vmem_shared>>
    tpu.enqueue_dma source(%arg8 : memref<128x128xf32, #tpu.memory_space<vmem>>) target(%dma_start3A_32 : memref<128x128xf32, #tpu.memory_space<vmem_shared>>) target_semaphore(%arg11 : memref<!tpu.dma_semaphore, #tpu.memory_space<semaphore_mem>>)
    %add3A_33 = arith.constant 512 : i32
    %add3A_34 = arith.addi %mul3A_9, %add3A_33 : i32
    %dma_start3A_35 = arith.constant 0 : i32
    %dma_start3A_36 = tpu.memref_slice %arg10[%add3A_34, %dma_start3A_35] : memref<10240x128xf32, #tpu.memory_space<vmem_shared>> -> memref<128x128xf32, #tpu.memory_space<vmem_shared>>
    %dma_start3A_37 = arith.constant 0 : i32
    %dma_start3A_38 = tpu.memref_slice %arg10[%add3A_34, %dma_start3A_37] : memref<10240x128xf32, #tpu.memory_space<vmem_shared>> -> memref<128x128xf32, #tpu.memory_space<vmem_shared>>
    tpu.enqueue_dma source(%arg8 : memref<128x128xf32, #tpu.memory_space<vmem>>) target(%dma_start3A_38 : memref<128x128xf32, #tpu.memory_space<vmem_shared>>) target_semaphore(%arg11 : memref<!tpu.dma_semaphore, #tpu.memory_space<semaphore_mem>>)
    %mul3A_39 = arith.constant 80 : i32
    %mul3A_40 = arith.muli %add3A, %mul3A_39 : i32
    "tpu.region"() ({
      %run_scoped3A = tpu.sem_alloc : memref<!tpu.dma_semaphore, #tpu.memory_space<semaphore_mem>>
      %dma_start3A_113 = arith.constant 0 : i32
      %dma_start3A_114 = tpu.memref_slice %arg3[%mul3A_40, %dma_start3A_113] : memref<2560x128xi32, #tpu.memory_space<hbm>> -> memref<40x128xi32, #tpu.memory_space<hbm>>
      %dma_start3A_115 = arith.constant 0 : i32
      %dma_start3A_116 = tpu.memref_slice %arg3[%mul3A_40, %dma_start3A_115] : memref<2560x128xi32, #tpu.memory_space<hbm>> -> memref<40x128xi32, #tpu.memory_space<hbm>>
      tpu.enqueue_dma source(%dma_start3A_116 : memref<40x128xi32, #tpu.memory_space<hbm>>) target(%arg6 : memref<40x128xi32, #tpu.memory_space<vmem>>) target_semaphore(%run_scoped3A : memref<!tpu.dma_semaphore, #tpu.memory_space<semaphore_mem>>)
      %dma_wait3A_117 = arith.constant 0 : i32
      %dma_wait3A_118 = tpu.memref_slice %arg3[%mul3A_40, %dma_wait3A_117] : memref<2560x128xi32, #tpu.memory_space<hbm>> -> memref<40x128xi32, #tpu.memory_space<hbm>>
      %dma_wait3A_119 = arith.constant 0 : i32
      %dma_wait3A_120 = tpu.memref_slice %arg3[%mul3A_40, %dma_wait3A_119] : memref<2560x128xi32, #tpu.memory_space<hbm>> -> memref<40x128xi32, #tpu.memory_space<hbm>>
      tpu.wait_dma2 semaphore(%run_scoped3A : memref<!tpu.dma_semaphore, #tpu.memory_space<semaphore_mem>>) src(%dma_wait3A_120 : memref<40x128xi32, #tpu.memory_space<hbm>>) dst(%arg6 : memref<40x128xi32, #tpu.memory_space<vmem>>)
      tpu.yield
    }) : () -> ()
    %mul3A_41 = arith.constant 80 : i32
    %mul3A_42 = arith.muli %add3A, %mul3A_41 : i32
    "tpu.region"() ({
      %run_scoped3A = tpu.sem_alloc : memref<!tpu.dma_semaphore, #tpu.memory_space<semaphore_mem>>
      %dma_start3A_113 = arith.constant 0 : i32
      %dma_start3A_114 = tpu.memref_slice %arg4[%mul3A_42, %dma_start3A_113] : memref<2560x128xi32, #tpu.memory_space<hbm>> -> memref<40x128xi32, #tpu.memory_space<hbm>>
      %dma_start3A_115 = arith.constant 0 : i32
      %dma_start3A_116 = tpu.memref_slice %arg4[%mul3A_42, %dma_start3A_115] : memref<2560x128xi32, #tpu.memory_space<hbm>> -> memref<40x128xi32, #tpu.memory_space<hbm>>
      tpu.enqueue_dma source(%dma_start3A_116 : memref<40x128xi32, #tpu.memory_space<hbm>>) target(%arg7 : memref<40x128xi32, #tpu.memory_space<vmem>>) target_semaphore(%run_scoped3A : memref<!tpu.dma_semaphore, #tpu.memory_space<semaphore_mem>>)
      %dma_wait3A_117 = arith.constant 0 : i32
      %dma_wait3A_118 = tpu.memref_slice %arg4[%mul3A_42, %dma_wait3A_117] : memref<2560x128xi32, #tpu.memory_space<hbm>> -> memref<40x128xi32, #tpu.memory_space<hbm>>
      %dma_wait3A_119 = arith.constant 0 : i32
      %dma_wait3A_120 = tpu.memref_slice %arg4[%mul3A_42, %dma_wait3A_119] : memref<2560x128xi32, #tpu.memory_space<hbm>> -> memref<40x128xi32, #tpu.memory_space<hbm>>
      tpu.wait_dma2 semaphore(%run_scoped3A : memref<!tpu.dma_semaphore, #tpu.memory_space<semaphore_mem>>) src(%dma_wait3A_120 : memref<40x128xi32, #tpu.memory_space<hbm>>) dst(%arg7 : memref<40x128xi32, #tpu.memory_space<vmem>>)
      tpu.yield
    }) : () -> ()
    %dma_wait3A = arith.constant 0 : i32
    %dma_wait3A_43 = tpu.memref_slice %arg10[%mul3A_9, %dma_wait3A] : memref<10240x128xf32, #tpu.memory_space<vmem_shared>> -> memref<128x128xf32, #tpu.memory_space<vmem_shared>>
    %dma_wait3A_44 = arith.constant 0 : i32
    %dma_wait3A_45 = tpu.memref_slice %arg10[%mul3A_9, %dma_wait3A_44] : memref<10240x128xf32, #tpu.memory_space<vmem_shared>> -> memref<128x128xf32, #tpu.memory_space<vmem_shared>>
    tpu.wait_dma2 semaphore(%arg11 : memref<!tpu.dma_semaphore, #tpu.memory_space<semaphore_mem>>) src(%arg8 : memref<128x128xf32, #tpu.memory_space<vmem>>) dst(%dma_wait3A_45 : memref<128x128xf32, #tpu.memory_space<vmem_shared>>)
    %dma_wait3A_46 = arith.constant 0 : i32
    %dma_wait3A_47 = tpu.memref_slice %arg10[%mul3A_9, %dma_wait3A_46] : memref<10240x128xf32, #tpu.memory_space<vmem_shared>> -> memref<128x128xf32, #tpu.memory_space<vmem_shared>>
    %dma_wait3A_48 = arith.constant 0 : i32
    %dma_wait3A_49 = tpu.memref_slice %arg10[%mul3A_9, %dma_wait3A_48] : memref<10240x128xf32, #tpu.memory_space<vmem_shared>> -> memref<128x128xf32, #tpu.memory_space<vmem_shared>>
    tpu.wait_dma2 semaphore(%arg11 : memref<!tpu.dma_semaphore, #tpu.memory_space<semaphore_mem>>) src(%arg8 : memref<128x128xf32, #tpu.memory_space<vmem>>) dst(%dma_wait3A_49 : memref<128x128xf32, #tpu.memory_space<vmem_shared>>)
    %dma_wait3A_50 = arith.constant 0 : i32
    %dma_wait3A_51 = tpu.memref_slice %arg10[%mul3A_9, %dma_wait3A_50] : memref<10240x128xf32, #tpu.memory_space<vmem_shared>> -> memref<128x128xf32, #tpu.memory_space<vmem_shared>>
    %dma_wait3A_52 = arith.constant 0 : i32
    %dma_wait3A_53 = tpu.memref_slice %arg10[%mul3A_9, %dma_wait3A_52] : memref<10240x128xf32, #tpu.memory_space<vmem_shared>> -> memref<128x128xf32, #tpu.memory_space<vmem_shared>>
    tpu.wait_dma2 semaphore(%arg11 : memref<!tpu.dma_semaphore, #tpu.memory_space<semaphore_mem>>) src(%arg8 : memref<128x128xf32, #tpu.memory_space<vmem>>) dst(%dma_wait3A_53 : memref<128x128xf32, #tpu.memory_space<vmem_shared>>)
    %dma_wait3A_54 = arith.constant 0 : i32
    %dma_wait3A_55 = tpu.memref_slice %arg10[%mul3A_9, %dma_wait3A_54] : memref<10240x128xf32, #tpu.memory_space<vmem_shared>> -> memref<128x128xf32, #tpu.memory_space<vmem_shared>>
    %dma_wait3A_56 = arith.constant 0 : i32
    %dma_wait3A_57 = tpu.memref_slice %arg10[%mul3A_9, %dma_wait3A_56] : memref<10240x128xf32, #tpu.memory_space<vmem_shared>> -> memref<128x128xf32, #tpu.memory_space<vmem_shared>>
    tpu.wait_dma2 semaphore(%arg11 : memref<!tpu.dma_semaphore, #tpu.memory_space<semaphore_mem>>) src(%arg8 : memref<128x128xf32, #tpu.memory_space<vmem>>) dst(%dma_wait3A_57 : memref<128x128xf32, #tpu.memory_space<vmem_shared>>)
    %dma_wait3A_58 = arith.constant 0 : i32
    %dma_wait3A_59 = tpu.memref_slice %arg10[%mul3A_9, %dma_wait3A_58] : memref<10240x128xf32, #tpu.memory_space<vmem_shared>> -> memref<128x128xf32, #tpu.memory_space<vmem_shared>>
    %dma_wait3A_60 = arith.constant 0 : i32
    %dma_wait3A_61 = tpu.memref_slice %arg10[%mul3A_9, %dma_wait3A_60] : memref<10240x128xf32, #tpu.memory_space<vmem_shared>> -> memref<128x128xf32, #tpu.memory_space<vmem_shared>>
    tpu.wait_dma2 semaphore(%arg11 : memref<!tpu.dma_semaphore, #tpu.memory_space<semaphore_mem>>) src(%arg8 : memref<128x128xf32, #tpu.memory_space<vmem>>) dst(%dma_wait3A_61 : memref<128x128xf32, #tpu.memory_space<vmem_shared>>)
    %barrier3A = arith.constant 0 : index
    tpu.barrier barrier_id(%barrier3A)
    %dma_start3A_62 = arith.constant 0 : i32
    %dma_start3A_63 = arith.constant 0 : i32
    %dma_start3A_64 = tpu.memref_slice %arg6[%dma_start3A_62, %dma_start3A_63] : memref<40x128xi32, #tpu.memory_space<vmem>> -> memref<1x128xi32, #tpu.memory_space<vmem>>
    %dma_start3A_65 = tpu.memref_squeeze %dma_start3A_64 : memref<1x128xi32, #tpu.memory_space<vmem>> -> memref<128xi32, #tpu.memory_space<vmem>>
    %dma_start3A_66 = arith.constant 0 : i32
    %dma_start3A_67 = arith.constant 0 : i32
    %dma_start3A_68 = tpu.memref_slice %arg2[%dma_start3A_66, %dma_start3A_67] : memref<10000x128xf32, #tpu.memory_space<hbm>> -> memref<10000x128xf32, #tpu.memory_space<hbm>>
    tpu.enqueue_indirect_dma source(%dma_start3A_68 : memref<10000x128xf32, #tpu.memory_space<hbm>>) target(%arg8 : memref<128x128xf32, #tpu.memory_space<vmem>>) offsets(%dma_start3A_65 : memref<128xi32, #tpu.memory_space<vmem>>) semaphore(%arg11 : memref<!tpu.dma_semaphore, #tpu.memory_space<semaphore_mem>>)
    %scan3A_69 = arith.constant 0 : i32
    %scan3A_70 = arith.constant 0 : i32
    %scan3A_71 = arith.constant 20 : i32
    %scan3A_72 = arith.addi %scan3A_70, %scan3A_71 : i32
    %scan3A_73 = arith.constant 1 : i32
    %scan3A_74 = scf.for %scan3A_113 = %scan3A_70 to %scan3A_72 step %scan3A_73 iter_args(%scan3A_114 = %scan3A_69) -> (i32)  : i32 {
      %mul3A_115 = arith.constant 2 : i32
      %mul3A_116 = arith.muli %scan3A_113, %mul3A_115 : i32
      %dma_wait3A_117 = arith.constant 0 : i32
      %dma_wait3A_118 = arith.constant 0 : i32
      %dma_wait3A_119 = tpu.memref_slice %arg6[%dma_wait3A_117, %dma_wait3A_118] : memref<40x128xi32, #tpu.memory_space<vmem>> -> memref<1x128xi32, #tpu.memory_space<vmem>>
      %dma_wait3A_120 = tpu.memref_squeeze %dma_wait3A_119 : memref<1x128xi32, #tpu.memory_space<vmem>> -> memref<128xi32, #tpu.memory_space<vmem>>
      %dma_wait3A_121 = arith.constant 0 : i32
      %dma_wait3A_122 = arith.constant 0 : i32
      %dma_wait3A_123 = tpu.memref_slice %arg2[%dma_wait3A_121, %dma_wait3A_122] : memref<10000x128xf32, #tpu.memory_space<hbm>> -> memref<10000x128xf32, #tpu.memory_space<hbm>>
      tpu.wait_indirect_dma semaphore(%arg11 : memref<!tpu.dma_semaphore, #tpu.memory_space<semaphore_mem>>) src(%dma_wait3A_123 : memref<10000x128xf32, #tpu.memory_space<hbm>>) dst(%arg8 : memref<128x128xf32, #tpu.memory_space<vmem>>)
      %add3A_124 = arith.constant 1 : i32
      %add3A_125 = arith.addi %mul3A_116, %add3A_124 : i32
      %dma_start3A_126 = arith.constant 0 : i32
      %dma_start3A_127 = tpu.memref_slice %arg6[%add3A_125, %dma_start3A_126] : memref<40x128xi32, #tpu.memory_space<vmem>> -> memref<1x128xi32, #tpu.memory_space<vmem>>
      %dma_start3A_128 = tpu.memref_squeeze %dma_start3A_127 : memref<1x128xi32, #tpu.memory_space<vmem>> -> memref<128xi32, #tpu.memory_space<vmem>>
      %dma_start3A_129 = arith.constant 0 : i32
      %dma_start3A_130 = arith.constant 0 : i32
      %dma_start3A_131 = tpu.memref_slice %arg2[%dma_start3A_129, %dma_start3A_130] : memref<10000x128xf32, #tpu.memory_space<hbm>> -> memref<10000x128xf32, #tpu.memory_space<hbm>>
      tpu.enqueue_indirect_dma source(%dma_start3A_131 : memref<10000x128xf32, #tpu.memory_space<hbm>>) target(%arg9 : memref<128x128xf32, #tpu.memory_space<vmem>>) offsets(%dma_start3A_128 : memref<128xi32, #tpu.memory_space<vmem>>) semaphore(%arg12 : memref<!tpu.dma_semaphore, #tpu.memory_space<semaphore_mem>>)
      "tpu.region"() ({
        %run_scoped3A = tpu.sem_alloc : memref<!tpu.dma_semaphore, #tpu.memory_space<semaphore_mem>>
        %dma_start3A_159 = arith.constant 0 : i32
        %dma_start3A_160 = tpu.memref_slice %arg7[%mul3A_116, %dma_start3A_159] : memref<40x128xi32, #tpu.memory_space<vmem>> -> memref<1x128xi32, #tpu.memory_space<vmem>>
        %dma_start3A_161 = tpu.memref_squeeze %dma_start3A_160 : memref<1x128xi32, #tpu.memory_space<vmem>> -> memref<128xi32, #tpu.memory_space<vmem>>
        %dma_start3A_162 = arith.constant 0 : i32
        %dma_start3A_163 = arith.constant 0 : i32
        %dma_start3A_164 = tpu.memref_slice %arg10[%dma_start3A_162, %dma_start3A_163] : memref<10240x128xf32, #tpu.memory_space<vmem_shared>> -> memref<10240x128xf32, #tpu.memory_space<vmem_shared>>
        tpu.enqueue_indirect_dma source(%arg8 : memref<128x128xf32, #tpu.memory_space<vmem>>) target(%dma_start3A_164 : memref<10240x128xf32, #tpu.memory_space<vmem_shared>>) offsets(%dma_start3A_161 : memref<128xi32, #tpu.memory_space<vmem>>) semaphore(%run_scoped3A : memref<!tpu.dma_semaphore, #tpu.memory_space<semaphore_mem>>) {add = true}
        %dma_wait3A_165 = arith.constant 0 : i32
        %dma_wait3A_166 = tpu.memref_slice %arg7[%mul3A_116, %dma_wait3A_165] : memref<40x128xi32, #tpu.memory_space<vmem>> -> memref<1x128xi32, #tpu.memory_space<vmem>>
        %dma_wait3A_167 = tpu.memref_squeeze %dma_wait3A_166 : memref<1x128xi32, #tpu.memory_space<vmem>> -> memref<128xi32, #tpu.memory_space<vmem>>
        %dma_wait3A_168 = arith.constant 0 : i32
        %dma_wait3A_169 = arith.constant 0 : i32
        %dma_wait3A_170 = tpu.memref_slice %arg10[%dma_wait3A_168, %dma_wait3A_169] : memref<10240x128xf32, #tpu.memory_space<vmem_shared>> -> memref<10240x128xf32, #tpu.memory_space<vmem_shared>>
        tpu.wait_indirect_dma semaphore(%run_scoped3A : memref<!tpu.dma_semaphore, #tpu.memory_space<semaphore_mem>>) src(%arg8 : memref<128x128xf32, #tpu.memory_space<vmem>>) dst(%dma_wait3A_170 : memref<10240x128xf32, #tpu.memory_space<vmem_shared>>)
        tpu.yield
      }) : () -> ()
      %dma_wait3A_132 = arith.constant 0 : i32
      %dma_wait3A_133 = arith.constant 0 : i32
      %dma_wait3A_134 = tpu.memref_slice %arg6[%dma_wait3A_132, %dma_wait3A_133] : memref<40x128xi32, #tpu.memory_space<vmem>> -> memref<1x128xi32, #tpu.memory_space<vmem>>
      %dma_wait3A_135 = tpu.memref_squeeze %dma_wait3A_134 : memref<1x128xi32, #tpu.memory_space<vmem>> -> memref<128xi32, #tpu.memory_space<vmem>>
      %dma_wait3A_136 = arith.constant 0 : i32
      %dma_wait3A_137 = arith.constant 0 : i32
      %dma_wait3A_138 = tpu.memref_slice %arg2[%dma_wait3A_136, %dma_wait3A_137] : memref<10000x128xf32, #tpu.memory_space<hbm>> -> memref<10000x128xf32, #tpu.memory_space<hbm>>
      tpu.wait_indirect_dma semaphore(%arg12 : memref<!tpu.dma_semaphore, #tpu.memory_space<semaphore_mem>>) src(%dma_wait3A_138 : memref<10000x128xf32, #tpu.memory_space<hbm>>) dst(%arg9 : memref<128x128xf32, #tpu.memory_space<vmem>>)
      %add3A_139 = arith.constant 2 : i32
      %add3A_140 = arith.addi %mul3A_116, %add3A_139 : i32
      %jit3A = arith.constant 40 : i32
      %eq3A = arith.constant 0 : i32
      %eq3A_141 = arith.cmpi eq, %jit3A, %eq3A : i32
      %jit3A_142 = arith.constant 1 : i32
      %select_n3A = arith.select %eq3A_141, %jit3A_142, %jit3A : i32
      %rem3A = arith.remsi %add3A_140, %select_n3A : i32
      %ne3A = arith.constant 0 : i32
      %ne3A_143 = arith.cmpi ne, %rem3A, %ne3A : i32
      %lt3A = arith.constant 0 : i32
      %lt3A_144 = arith.cmpi slt, %rem3A, %lt3A : i32
      %lt3A_145 = arith.constant 0 : i32
      %lt3A_146 = arith.cmpi slt, %select_n3A, %lt3A_145 : i32
      %ne3A_147 = arith.xori %lt3A_144, %lt3A_146 : i1
      %and3A = arith.andi %ne3A_147, %ne3A_143 : i1
      %add3A_148 = arith.addi %rem3A, %select_n3A : i32
      %select_n3A_149 = arith.select %and3A, %add3A_148, %rem3A : i32
      %dma_start3A_150 = arith.constant 0 : i32
      %dma_start3A_151 = tpu.memref_slice %arg6[%select_n3A_149, %dma_start3A_150] : memref<40x128xi32, #tpu.memory_space<vmem>> -> memref<1x128xi32, #tpu.memory_space<vmem>>
      %dma_start3A_152 = tpu.memref_squeeze %dma_start3A_151 : memref<1x128xi32, #tpu.memory_space<vmem>> -> memref<128xi32, #tpu.memory_space<vmem>>
      %dma_start3A_153 = arith.constant 0 : i32
      %dma_start3A_154 = arith.constant 0 : i32
      %dma_start3A_155 = tpu.memref_slice %arg2[%dma_start3A_153, %dma_start3A_154] : memref<10000x128xf32, #tpu.memory_space<hbm>> -> memref<10000x128xf32, #tpu.memory_space<hbm>>
      tpu.enqueue_indirect_dma source(%dma_start3A_155 : memref<10000x128xf32, #tpu.memory_space<hbm>>) target(%arg8 : memref<128x128xf32, #tpu.memory_space<vmem>>) offsets(%dma_start3A_152 : memref<128xi32, #tpu.memory_space<vmem>>) semaphore(%arg11 : memref<!tpu.dma_semaphore, #tpu.memory_space<semaphore_mem>>)
      %add3A_156 = arith.constant 1 : i32
      %add3A_157 = arith.addi %mul3A_116, %add3A_156 : i32
      "tpu.region"() ({
        %run_scoped3A = tpu.sem_alloc : memref<!tpu.dma_semaphore, #tpu.memory_space<semaphore_mem>>
        %dma_start3A_159 = arith.constant 0 : i32
        %dma_start3A_160 = tpu.memref_slice %arg7[%add3A_157, %dma_start3A_159] : memref<40x128xi32, #tpu.memory_space<vmem>> -> memref<1x128xi32, #tpu.memory_space<vmem>>
        %dma_start3A_161 = tpu.memref_squeeze %dma_start3A_160 : memref<1x128xi32, #tpu.memory_space<vmem>> -> memref<128xi32, #tpu.memory_space<vmem>>
        %dma_start3A_162 = arith.constant 0 : i32
        %dma_start3A_163 = arith.constant 0 : i32
        %dma_start3A_164 = tpu.memref_slice %arg10[%dma_start3A_162, %dma_start3A_163] : memref<10240x128xf32, #tpu.memory_space<vmem_shared>> -> memref<10240x128xf32, #tpu.memory_space<vmem_shared>>
        tpu.enqueue_indirect_dma source(%arg9 : memref<128x128xf32, #tpu.memory_space<vmem>>) target(%dma_start3A_164 : memref<10240x128xf32, #tpu.memory_space<vmem_shared>>) offsets(%dma_start3A_161 : memref<128xi32, #tpu.memory_space<vmem>>) semaphore(%run_scoped3A : memref<!tpu.dma_semaphore, #tpu.memory_space<semaphore_mem>>) {add = true}
        %dma_wait3A_165 = arith.constant 0 : i32
        %dma_wait3A_166 = tpu.memref_slice %arg7[%add3A_157, %dma_wait3A_165] : memref<40x128xi32, #tpu.memory_space<vmem>> -> memref<1x128xi32, #tpu.memory_space<vmem>>
        %dma_wait3A_167 = tpu.memref_squeeze %dma_wait3A_166 : memref<1x128xi32, #tpu.memory_space<vmem>> -> memref<128xi32, #tpu.memory_space<vmem>>
        %dma_wait3A_168 = arith.constant 0 : i32
        %dma_wait3A_169 = arith.constant 0 : i32
        %dma_wait3A_170 = tpu.memref_slice %arg10[%dma_wait3A_168, %dma_wait3A_169] : memref<10240x128xf32, #tpu.memory_space<vmem_shared>> -> memref<10240x128xf32, #tpu.memory_space<vmem_shared>>
        tpu.wait_indirect_dma semaphore(%run_scoped3A : memref<!tpu.dma_semaphore, #tpu.memory_space<semaphore_mem>>) src(%arg9 : memref<128x128xf32, #tpu.memory_space<vmem>>) dst(%dma_wait3A_170 : memref<10240x128xf32, #tpu.memory_space<vmem_shared>>)
        tpu.yield
      }) : () -> ()
      %scan3A_158 = arith.constant 0 : i32
      scf.yield %scan3A_158 : i32
    }
    %scan3A_75 = arith.constant 20 : i32
    %dma_wait3A_76 = arith.constant 0 : i32
    %dma_wait3A_77 = arith.constant 0 : i32
    %dma_wait3A_78 = tpu.memref_slice %arg6[%dma_wait3A_76, %dma_wait3A_77] : memref<40x128xi32, #tpu.memory_space<vmem>> -> memref<1x128xi32, #tpu.memory_space<vmem>>
    %dma_wait3A_79 = tpu.memref_squeeze %dma_wait3A_78 : memref<1x128xi32, #tpu.memory_space<vmem>> -> memref<128xi32, #tpu.memory_space<vmem>>
    %dma_wait3A_80 = arith.constant 0 : i32
    %dma_wait3A_81 = arith.constant 0 : i32
    %dma_wait3A_82 = tpu.memref_slice %arg2[%dma_wait3A_80, %dma_wait3A_81] : memref<10000x128xf32, #tpu.memory_space<hbm>> -> memref<10000x128xf32, #tpu.memory_space<hbm>>
    tpu.wait_indirect_dma semaphore(%arg11 : memref<!tpu.dma_semaphore, #tpu.memory_space<semaphore_mem>>) src(%dma_wait3A_82 : memref<10000x128xf32, #tpu.memory_space<hbm>>) dst(%arg8 : memref<128x128xf32, #tpu.memory_space<vmem>>)
    %mul3A_83 = arith.constant 80 : i32
    %mul3A_84 = arith.muli %add3A, %mul3A_83 : i32
    %add3A_85 = arith.constant 40 : i32
    %add3A_86 = arith.addi %mul3A_84, %add3A_85 : i32
    "tpu.region"() ({
      %run_scoped3A = tpu.sem_alloc : memref<!tpu.dma_semaphore, #tpu.memory_space<semaphore_mem>>
      %dma_start3A_113 = arith.constant 0 : i32
      %dma_start3A_114 = tpu.memref_slice %arg3[%add3A_86, %dma_start3A_113] : memref<2560x128xi32, #tpu.memory_space<hbm>> -> memref<40x128xi32, #tpu.memory_space<hbm>>
      %dma_start3A_115 = arith.constant 0 : i32
      %dma_start3A_116 = tpu.memref_slice %arg3[%add3A_86, %dma_start3A_115] : memref<2560x128xi32, #tpu.memory_space<hbm>> -> memref<40x128xi32, #tpu.memory_space<hbm>>
      tpu.enqueue_dma source(%dma_start3A_116 : memref<40x128xi32, #tpu.memory_space<hbm>>) target(%arg6 : memref<40x128xi32, #tpu.memory_space<vmem>>) target_semaphore(%run_scoped3A : memref<!tpu.dma_semaphore, #tpu.memory_space<semaphore_mem>>)
      %dma_wait3A_117 = arith.constant 0 : i32
      %dma_wait3A_118 = tpu.memref_slice %arg3[%add3A_86, %dma_wait3A_117] : memref<2560x128xi32, #tpu.memory_space<hbm>> -> memref<40x128xi32, #tpu.memory_space<hbm>>
      %dma_wait3A_119 = arith.constant 0 : i32
      %dma_wait3A_120 = tpu.memref_slice %arg3[%add3A_86, %dma_wait3A_119] : memref<2560x128xi32, #tpu.memory_space<hbm>> -> memref<40x128xi32, #tpu.memory_space<hbm>>
      tpu.wait_dma2 semaphore(%run_scoped3A : memref<!tpu.dma_semaphore, #tpu.memory_space<semaphore_mem>>) src(%dma_wait3A_120 : memref<40x128xi32, #tpu.memory_space<hbm>>) dst(%arg6 : memref<40x128xi32, #tpu.memory_space<vmem>>)
      tpu.yield
    }) : () -> ()
    %mul3A_87 = arith.constant 80 : i32
    %mul3A_88 = arith.muli %add3A, %mul3A_87 : i32
    %add3A_89 = arith.constant 40 : i32
    %add3A_90 = arith.addi %mul3A_88, %add3A_89 : i32
    "tpu.region"() ({
      %run_scoped3A = tpu.sem_alloc : memref<!tpu.dma_semaphore, #tpu.memory_space<semaphore_mem>>
      %dma_start3A_113 = arith.constant 0 : i32
      %dma_start3A_114 = tpu.memref_slice %arg4[%add3A_90, %dma_start3A_113] : memref<2560x128xi32, #tpu.memory_space<hbm>> -> memref<40x128xi32, #tpu.memory_space<hbm>>
      %dma_start3A_115 = arith.constant 0 : i32
      %dma_start3A_116 = tpu.memref_slice %arg4[%add3A_90, %dma_start3A_115] : memref<2560x128xi32, #tpu.memory_space<hbm>> -> memref<40x128xi32, #tpu.memory_space<hbm>>
      tpu.enqueue_dma source(%dma_start3A_116 : memref<40x128xi32, #tpu.memory_space<hbm>>) target(%arg7 : memref<40x128xi32, #tpu.memory_space<vmem>>) target_semaphore(%run_scoped3A : memref<!tpu.dma_semaphore, #tpu.memory_space<semaphore_mem>>)
      %dma_wait3A_117 = arith.constant 0 : i32
      %dma_wait3A_118 = tpu.memref_slice %arg4[%add3A_90, %dma_wait3A_117] : memref<2560x128xi32, #tpu.memory_space<hbm>> -> memref<40x128xi32, #tpu.memory_space<hbm>>
      %dma_wait3A_119 = arith.constant 0 : i32
      %dma_wait3A_120 = tpu.memref_slice %arg4[%add3A_90, %dma_wait3A_119] : memref<2560x128xi32, #tpu.memory_space<hbm>> -> memref<40x128xi32, #tpu.memory_space<hbm>>
      tpu.wait_dma2 semaphore(%run_scoped3A : memref<!tpu.dma_semaphore, #tpu.memory_space<semaphore_mem>>) src(%dma_wait3A_120 : memref<40x128xi32, #tpu.memory_space<hbm>>) dst(%arg7 : memref<40x128xi32, #tpu.memory_space<vmem>>)
      tpu.yield
    }) : () -> ()
    %dma_start3A_91 = arith.constant 0 : i32
    %dma_start3A_92 = arith.constant 0 : i32
    %dma_start3A_93 = tpu.memref_slice %arg6[%dma_start3A_91, %dma_start3A_92] : memref<40x128xi32, #tpu.memory_space<vmem>> -> memref<1x128xi32, #tpu.memory_space<vmem>>
    %dma_start3A_94 = tpu.memref_squeeze %dma_start3A_93 : memref<1x128xi32, #tpu.memory_space<vmem>> -> memref<128xi32, #tpu.memory_space<vmem>>
    %dma_start3A_95 = arith.constant 0 : i32
    %dma_start3A_96 = arith.constant 0 : i32
    %dma_start3A_97 = tpu.memref_slice %arg2[%dma_start3A_95, %dma_start3A_96] : memref<10000x128xf32, #tpu.memory_space<hbm>> -> memref<10000x128xf32, #tpu.memory_space<hbm>>
    tpu.enqueue_indirect_dma source(%dma_start3A_97 : memref<10000x128xf32, #tpu.memory_space<hbm>>) target(%arg8 : memref<128x128xf32, #tpu.memory_space<vmem>>) offsets(%dma_start3A_94 : memref<128xi32, #tpu.memory_space<vmem>>) semaphore(%arg11 : memref<!tpu.dma_semaphore, #tpu.memory_space<semaphore_mem>>)
    %scan3A_98 = arith.constant 0 : i32
    %scan3A_99 = arith.constant 0 : i32
    %scan3A_100 = arith.constant 20 : i32
    %scan3A_101 = arith.addi %scan3A_99, %scan3A_100 : i32
    %scan3A_102 = arith.constant 1 : i32
    %scan3A_103 = scf.for %scan3A_113 = %scan3A_99 to %scan3A_101 step %scan3A_102 iter_args(%scan3A_114 = %scan3A_98) -> (i32)  : i32 {
      %mul3A_115 = arith.constant 2 : i32
      %mul3A_116 = arith.muli %scan3A_113, %mul3A_115 : i32
      %dma_wait3A_117 = arith.constant 0 : i32
      %dma_wait3A_118 = arith.constant 0 : i32
      %dma_wait3A_119 = tpu.memref_slice %arg6[%dma_wait3A_117, %dma_wait3A_118] : memref<40x128xi32, #tpu.memory_space<vmem>> -> memref<1x128xi32, #tpu.memory_space<vmem>>
      %dma_wait3A_120 = tpu.memref_squeeze %dma_wait3A_119 : memref<1x128xi32, #tpu.memory_space<vmem>> -> memref<128xi32, #tpu.memory_space<vmem>>
      %dma_wait3A_121 = arith.constant 0 : i32
      %dma_wait3A_122 = arith.constant 0 : i32
      %dma_wait3A_123 = tpu.memref_slice %arg2[%dma_wait3A_121, %dma_wait3A_122] : memref<10000x128xf32, #tpu.memory_space<hbm>> -> memref<10000x128xf32, #tpu.memory_space<hbm>>
      tpu.wait_indirect_dma semaphore(%arg11 : memref<!tpu.dma_semaphore, #tpu.memory_space<semaphore_mem>>) src(%dma_wait3A_123 : memref<10000x128xf32, #tpu.memory_space<hbm>>) dst(%arg8 : memref<128x128xf32, #tpu.memory_space<vmem>>)
      %add3A_124 = arith.constant 1 : i32
      %add3A_125 = arith.addi %mul3A_116, %add3A_124 : i32
      %dma_start3A_126 = arith.constant 0 : i32
      %dma_start3A_127 = tpu.memref_slice %arg6[%add3A_125, %dma_start3A_126] : memref<40x128xi32, #tpu.memory_space<vmem>> -> memref<1x128xi32, #tpu.memory_space<vmem>>
      %dma_start3A_128 = tpu.memref_squeeze %dma_start3A_127 : memref<1x128xi32, #tpu.memory_space<vmem>> -> memref<128xi32, #tpu.memory_space<vmem>>
      %dma_start3A_129 = arith.constant 0 : i32
      %dma_start3A_130 = arith.constant 0 : i32
      %dma_start3A_131 = tpu.memref_slice %arg2[%dma_start3A_129, %dma_start3A_130] : memref<10000x128xf32, #tpu.memory_space<hbm>> -> memref<10000x128xf32, #tpu.memory_space<hbm>>
      tpu.enqueue_indirect_dma source(%dma_start3A_131 : memref<10000x128xf32, #tpu.memory_space<hbm>>) target(%arg9 : memref<128x128xf32, #tpu.memory_space<vmem>>) offsets(%dma_start3A_128 : memref<128xi32, #tpu.memory_space<vmem>>) semaphore(%arg12 : memref<!tpu.dma_semaphore, #tpu.memory_space<semaphore_mem>>)
      "tpu.region"() ({
        %run_scoped3A = tpu.sem_alloc : memref<!tpu.dma_semaphore, #tpu.memory_space<semaphore_mem>>
        %dma_start3A_159 = arith.constant 0 : i32
        %dma_start3A_160 = tpu.memref_slice %arg7[%mul3A_116, %dma_start3A_159] : memref<40x128xi32, #tpu.memory_space<vmem>> -> memref<1x128xi32, #tpu.memory_space<vmem>>
        %dma_start3A_161 = tpu.memref_squeeze %dma_start3A_160 : memref<1x128xi32, #tpu.memory_space<vmem>> -> memref<128xi32, #tpu.memory_space<vmem>>
        %dma_start3A_162 = arith.constant 0 : i32
        %dma_start3A_163 = arith.constant 0 : i32
        %dma_start3A_164 = tpu.memref_slice %arg10[%dma_start3A_162, %dma_start3A_163] : memref<10240x128xf32, #tpu.memory_space<vmem_shared>> -> memref<10240x128xf32, #tpu.memory_space<vmem_shared>>
        tpu.enqueue_indirect_dma source(%arg8 : memref<128x128xf32, #tpu.memory_space<vmem>>) target(%dma_start3A_164 : memref<10240x128xf32, #tpu.memory_space<vmem_shared>>) offsets(%dma_start3A_161 : memref<128xi32, #tpu.memory_space<vmem>>) semaphore(%run_scoped3A : memref<!tpu.dma_semaphore, #tpu.memory_space<semaphore_mem>>) {add = true}
        %dma_wait3A_165 = arith.constant 0 : i32
        %dma_wait3A_166 = tpu.memref_slice %arg7[%mul3A_116, %dma_wait3A_165] : memref<40x128xi32, #tpu.memory_space<vmem>> -> memref<1x128xi32, #tpu.memory_space<vmem>>
        %dma_wait3A_167 = tpu.memref_squeeze %dma_wait3A_166 : memref<1x128xi32, #tpu.memory_space<vmem>> -> memref<128xi32, #tpu.memory_space<vmem>>
        %dma_wait3A_168 = arith.constant 0 : i32
        %dma_wait3A_169 = arith.constant 0 : i32
        %dma_wait3A_170 = tpu.memref_slice %arg10[%dma_wait3A_168, %dma_wait3A_169] : memref<10240x128xf32, #tpu.memory_space<vmem_shared>> -> memref<10240x128xf32, #tpu.memory_space<vmem_shared>>
        tpu.wait_indirect_dma semaphore(%run_scoped3A : memref<!tpu.dma_semaphore, #tpu.memory_space<semaphore_mem>>) src(%arg8 : memref<128x128xf32, #tpu.memory_space<vmem>>) dst(%dma_wait3A_170 : memref<10240x128xf32, #tpu.memory_space<vmem_shared>>)
        tpu.yield
      }) : () -> ()
      %dma_wait3A_132 = arith.constant 0 : i32
      %dma_wait3A_133 = arith.constant 0 : i32
      %dma_wait3A_134 = tpu.memref_slice %arg6[%dma_wait3A_132, %dma_wait3A_133] : memref<40x128xi32, #tpu.memory_space<vmem>> -> memref<1x128xi32, #tpu.memory_space<vmem>>
      %dma_wait3A_135 = tpu.memref_squeeze %dma_wait3A_134 : memref<1x128xi32, #tpu.memory_space<vmem>> -> memref<128xi32, #tpu.memory_space<vmem>>
      %dma_wait3A_136 = arith.constant 0 : i32
      %dma_wait3A_137 = arith.constant 0 : i32
      %dma_wait3A_138 = tpu.memref_slice %arg2[%dma_wait3A_136, %dma_wait3A_137] : memref<10000x128xf32, #tpu.memory_space<hbm>> -> memref<10000x128xf32, #tpu.memory_space<hbm>>
      tpu.wait_indirect_dma semaphore(%arg12 : memref<!tpu.dma_semaphore, #tpu.memory_space<semaphore_mem>>) src(%dma_wait3A_138 : memref<10000x128xf32, #tpu.memory_space<hbm>>) dst(%arg9 : memref<128x128xf32, #tpu.memory_space<vmem>>)
      %add3A_139 = arith.constant 2 : i32
      %add3A_140 = arith.addi %mul3A_116, %add3A_139 : i32
      %jit3A = arith.constant 40 : i32
      %eq3A = arith.constant 0 : i32
      %eq3A_141 = arith.cmpi eq, %jit3A, %eq3A : i32
      %jit3A_142 = arith.constant 1 : i32
      %select_n3A = arith.select %eq3A_141, %jit3A_142, %jit3A : i32
      %rem3A = arith.remsi %add3A_140, %select_n3A : i32
      %ne3A = arith.constant 0 : i32
      %ne3A_143 = arith.cmpi ne, %rem3A, %ne3A : i32
      %lt3A = arith.constant 0 : i32
      %lt3A_144 = arith.cmpi slt, %rem3A, %lt3A : i32
      %lt3A_145 = arith.constant 0 : i32
      %lt3A_146 = arith.cmpi slt, %select_n3A, %lt3A_145 : i32
      %ne3A_147 = arith.xori %lt3A_144, %lt3A_146 : i1
      %and3A = arith.andi %ne3A_147, %ne3A_143 : i1
      %add3A_148 = arith.addi %rem3A, %select_n3A : i32
      %select_n3A_149 = arith.select %and3A, %add3A_148, %rem3A : i32
      %dma_start3A_150 = arith.constant 0 : i32
      %dma_start3A_151 = tpu.memref_slice %arg6[%select_n3A_149, %dma_start3A_150] : memref<40x128xi32, #tpu.memory_space<vmem>> -> memref<1x128xi32, #tpu.memory_space<vmem>>
      %dma_start3A_152 = tpu.memref_squeeze %dma_start3A_151 : memref<1x128xi32, #tpu.memory_space<vmem>> -> memref<128xi32, #tpu.memory_space<vmem>>
      %dma_start3A_153 = arith.constant 0 : i32
      %dma_start3A_154 = arith.constant 0 : i32
      %dma_start3A_155 = tpu.memref_slice %arg2[%dma_start3A_153, %dma_start3A_154] : memref<10000x128xf32, #tpu.memory_space<hbm>> -> memref<10000x128xf32, #tpu.memory_space<hbm>>
      tpu.enqueue_indirect_dma source(%dma_start3A_155 : memref<10000x128xf32, #tpu.memory_space<hbm>>) target(%arg8 : memref<128x128xf32, #tpu.memory_space<vmem>>) offsets(%dma_start3A_152 : memref<128xi32, #tpu.memory_space<vmem>>) semaphore(%arg11 : memref<!tpu.dma_semaphore, #tpu.memory_space<semaphore_mem>>)
      %add3A_156 = arith.constant 1 : i32
      %add3A_157 = arith.addi %mul3A_116, %add3A_156 : i32
      "tpu.region"() ({
        %run_scoped3A = tpu.sem_alloc : memref<!tpu.dma_semaphore, #tpu.memory_space<semaphore_mem>>
        %dma_start3A_159 = arith.constant 0 : i32
        %dma_start3A_160 = tpu.memref_slice %arg7[%add3A_157, %dma_start3A_159] : memref<40x128xi32, #tpu.memory_space<vmem>> -> memref<1x128xi32, #tpu.memory_space<vmem>>
        %dma_start3A_161 = tpu.memref_squeeze %dma_start3A_160 : memref<1x128xi32, #tpu.memory_space<vmem>> -> memref<128xi32, #tpu.memory_space<vmem>>
        %dma_start3A_162 = arith.constant 0 : i32
        %dma_start3A_163 = arith.constant 0 : i32
        %dma_start3A_164 = tpu.memref_slice %arg10[%dma_start3A_162, %dma_start3A_163] : memref<10240x128xf32, #tpu.memory_space<vmem_shared>> -> memref<10240x128xf32, #tpu.memory_space<vmem_shared>>
        tpu.enqueue_indirect_dma source(%arg9 : memref<128x128xf32, #tpu.memory_space<vmem>>) target(%dma_start3A_164 : memref<10240x128xf32, #tpu.memory_space<vmem_shared>>) offsets(%dma_start3A_161 : memref<128xi32, #tpu.memory_space<vmem>>) semaphore(%run_scoped3A : memref<!tpu.dma_semaphore, #tpu.memory_space<semaphore_mem>>) {add = true}
        %dma_wait3A_165 = arith.constant 0 : i32
        %dma_wait3A_166 = tpu.memref_slice %arg7[%add3A_157, %dma_wait3A_165] : memref<40x128xi32, #tpu.memory_space<vmem>> -> memref<1x128xi32, #tpu.memory_space<vmem>>
        %dma_wait3A_167 = tpu.memref_squeeze %dma_wait3A_166 : memref<1x128xi32, #tpu.memory_space<vmem>> -> memref<128xi32, #tpu.memory_space<vmem>>
        %dma_wait3A_168 = arith.constant 0 : i32
        %dma_wait3A_169 = arith.constant 0 : i32
        %dma_wait3A_170 = tpu.memref_slice %arg10[%dma_wait3A_168, %dma_wait3A_169] : memref<10240x128xf32, #tpu.memory_space<vmem_shared>> -> memref<10240x128xf32, #tpu.memory_space<vmem_shared>>
        tpu.wait_indirect_dma semaphore(%run_scoped3A : memref<!tpu.dma_semaphore, #tpu.memory_space<semaphore_mem>>) src(%arg9 : memref<128x128xf32, #tpu.memory_space<vmem>>) dst(%dma_wait3A_170 : memref<10240x128xf32, #tpu.memory_space<vmem_shared>>)
        tpu.yield
      }) : () -> ()
      %scan3A_158 = arith.constant 0 : i32
      scf.yield %scan3A_158 : i32
    }
    %scan3A_104 = arith.constant 20 : i32
    %dma_wait3A_105 = arith.constant 0 : i32
    %dma_wait3A_106 = arith.constant 0 : i32
    %dma_wait3A_107 = tpu.memref_slice %arg6[%dma_wait3A_105, %dma_wait3A_106] : memref<40x128xi32, #tpu.memory_space<vmem>> -> memref<1x128xi32, #tpu.memory_space<vmem>>
    %dma_wait3A_108 = tpu.memref_squeeze %dma_wait3A_107 : memref<1x128xi32, #tpu.memory_space<vmem>> -> memref<128xi32, #tpu.memory_space<vmem>>
    %dma_wait3A_109 = arith.constant 0 : i32
    %dma_wait3A_110 = arith.constant 0 : i32
    %dma_wait3A_111 = tpu.memref_slice %arg2[%dma_wait3A_109, %dma_wait3A_110] : memref<10000x128xf32, #tpu.memory_space<hbm>> -> memref<10000x128xf32, #tpu.memory_space<hbm>>
    tpu.wait_indirect_dma semaphore(%arg11 : memref<!tpu.dma_semaphore, #tpu.memory_space<semaphore_mem>>) src(%dma_wait3A_111 : memref<10000x128xf32, #tpu.memory_space<hbm>>) dst(%arg8 : memref<128x128xf32, #tpu.memory_space<vmem>>)
    %barrier3A_112 = arith.constant 0 : index
    tpu.barrier barrier_id(%barrier3A_112)
    "tpu.region"() ({
      %run_scoped3A = tpu.sem_alloc : memref<!tpu.dma_semaphore, #tpu.memory_space<semaphore_mem>>
      %dma_start3A_113 = arith.constant 0 : i32
      %dma_start3A_114 = tpu.memref_slice %arg5[%arg0, %mul3A_9, %dma_start3A_113] : memref<2x10240x128xf32, #tpu.memory_space<hbm>> -> memref<1x640x128xf32, #tpu.memory_space<hbm>>
      %dma_start3A_115 = tpu.memref_squeeze %dma_start3A_114 : memref<1x640x128xf32, #tpu.memory_space<hbm>> -> memref<640x128xf32, #tpu.memory_space<hbm>>
      %dma_start3A_116 = arith.constant 0 : i32
      %dma_start3A_117 = tpu.memref_slice %arg10[%mul3A_9, %dma_start3A_116] : memref<10240x128xf32, #tpu.memory_space<vmem_shared>> -> memref<640x128xf32, #tpu.memory_space<vmem_shared>>
      tpu.enqueue_dma source(%dma_start3A_117 : memref<640x128xf32, #tpu.memory_space<vmem_shared>>) target(%dma_start3A_115 : memref<640x128xf32, #tpu.memory_space<hbm>>) target_semaphore(%run_scoped3A : memref<!tpu.dma_semaphore, #tpu.memory_space<semaphore_mem>>)
      %dma_wait3A_118 = arith.constant 0 : i32
      %dma_wait3A_119 = tpu.memref_slice %arg5[%arg0, %mul3A_9, %dma_wait3A_118] : memref<2x10240x128xf32, #tpu.memory_space<hbm>> -> memref<1x640x128xf32, #tpu.memory_space<hbm>>
      %dma_wait3A_120 = tpu.memref_squeeze %dma_wait3A_119 : memref<1x640x128xf32, #tpu.memory_space<hbm>> -> memref<640x128xf32, #tpu.memory_space<hbm>>
      %dma_wait3A_121 = arith.constant 0 : i32
      %dma_wait3A_122 = tpu.memref_slice %arg10[%mul3A_9, %dma_wait3A_121] : memref<10240x128xf32, #tpu.memory_space<vmem_shared>> -> memref<640x128xf32, #tpu.memory_space<vmem_shared>>
      tpu.wait_dma2 semaphore(%run_scoped3A : memref<!tpu.dma_semaphore, #tpu.memory_space<semaphore_mem>>) src(%dma_wait3A_122 : memref<640x128xf32, #tpu.memory_space<vmem_shared>>) dst(%dma_wait3A_120 : memref<640x128xf32, #tpu.memory_space<hbm>>)
      tpu.yield
    }) : () -> ()
    return
  }
}

#map = affine_map<(d0, d1) -> (0, 0)>
#map1 = affine_map<(d0, d1) -> (0, 0, 0)>
module attributes {stable_mosaic.version = 14 : i64} {
  func.func @_sc_agg(%arg0: i32, %arg1: i32, %arg2: memref<10000x128xf32, #tpu.memory_space<hbm>>, %arg3: memref<2560x128xi32, #tpu.memory_space<hbm>>, %arg4: memref<2560x128xi32, #tpu.memory_space<hbm>>, %arg5: memref<2x10240x128xf32, #tpu.memory_space<hbm>>, %arg6: memref<40x128xi32, #tpu.memory_space<vmem>>, %arg7: memref<40x128xi32, #tpu.memory_space<vmem>>, %arg8: memref<128x128xf32, #tpu.memory_space<vmem>>, %arg9: memref<128x128xf32, #tpu.memory_space<vmem>>, %arg10: memref<10240x128xf32, #tpu.memory_space<vmem_shared>>, %arg11: memref<!tpu.dma_semaphore, #tpu.memory_space<semaphore_mem>>, %arg12: memref<!tpu.dma_semaphore, #tpu.memory_space<semaphore_mem>>) attributes {dimension_semantics = [#tpu.dimension_semantics<core_parallel>, #tpu.dimension_semantics<subcore_parallel>], iteration_bounds = array<i64: 2, 16>, scalar_prefetch = 0 : i64, scratch_operands = 7 : i64, tpu.core_type = #tpu.core_type<sc_vector_subcore>, window_params = [{transform_indices = #map}, {transform_indices = #map}, {transform_indices = #map}, {transform_indices = #map1}]} {
    %mul3A = arith.constant 16 : i32
    %mul3A_0 = arith.muli %arg0, %mul3A : i32
    %add3A = arith.addi %mul3A_0, %arg1 : i32
    %broadcast_in_dim3A = arith.constant 0.000000e+00 : f32
    %broadcast_in_dim3A_1 = vector.broadcast %broadcast_in_dim3A : f32 to vector<16xf32>
    %scan3A = arith.constant 0 : i32
    %scan3A_2 = arith.constant 0 : i32
    %scan3A_3 = arith.constant 128 : i32
    %scan3A_4 = arith.addi %scan3A_2, %scan3A_3 : i32
    %scan3A_5 = arith.constant 1 : i32
    %scan3A_6 = scf.for %scan3A_113 = %scan3A_2 to %scan3A_4 step %scan3A_5 iter_args(%scan3A_114 = %scan3A) -> (i32)  : i32 {
      %scan3A_115 = arith.constant 0 : i32
      %scan3A_116 = arith.constant 0 : i32
      %scan3A_117 = arith.constant 8 : i32
      %scan3A_118 = arith.addi %scan3A_116, %scan3A_117 : i32
      %scan3A_119 = arith.constant 1 : i32
      %scan3A_120 = scf.for %scan3A_122 = %scan3A_116 to %scan3A_118 step %scan3A_119 iter_args(%scan3A_123 = %scan3A_115) -> (i32)  : i32 {
        %mul3A_124 = arith.constant 16 : i32
        %mul3A_125 = arith.muli %scan3A_122, %mul3A_124 : i32
        %swap3A = arith.index_cast %scan3A_113 : i32 to index
        %swap3A_126 = arith.index_cast %mul3A_125 : i32 to index
        %swap3A_127 = tpu.vector_load %arg8[%swap3A, %swap3A_126] {strides = array<i32>} : memref<128x128xf32, #tpu.memory_space<vmem>>, vector<1x16xf32>,
        %swap3A_128 = vector.shape_cast %swap3A_127 : vector<1x16xf32> to vector<16xf32>
        %swap3A_129 = vector.shape_cast %broadcast_in_dim3A_1 : vector<16xf32> to vector<1x16xf32>
        tpu.vector_store %arg8[%swap3A, %swap3A_126], %swap3A_129 {strides = array<i32>} : memref<128x128xf32, #tpu.memory_space<vmem>>, vector<1x16xf32>,
        %scan3A_130 = arith.constant 0 : i32
        scf.yield %scan3A_130 : i32
      }
      %scan3A_121 = arith.constant 8 : i32
      scf.yield %scan3A_120 : i32
    }
    %scan3A_7 = arith.constant 128 : i32
    %mul3A_8 = arith.constant 640 : i32
    %mul3A_9 = arith.muli %arg1, %mul3A_8 : i32
    %add3A_10 = arith.constant 0 : i32
    %add3A_11 = arith.addi %mul3A_9, %add3A_10 : i32
    %dma_start3A = arith.constant 0 : i32
    %dma_start3A_12 = tpu.memref_slice %arg10[%add3A_11, %dma_start3A] : memref<10240x128xf32, #tpu.memory_space<vmem_shared>> -> memref<128x128xf32, #tpu.memory_space<vmem_shared>>
    %dma_start3A_13 = arith.constant 0 : i32
    %dma_start3A_14 = tpu.memref_slice %arg10[%add3A_11, %dma_start3A_13] : memref<10240x128xf32, #tpu.memory_space<vmem_shared>> -> memref<128x128xf32, #tpu.memory_space<vmem_shared>>
    tpu.enqueue_dma source(%arg8 : memref<128x128xf32, #tpu.memory_space<vmem>>) target(%dma_start3A_14 : memref<128x128xf32, #tpu.memory_space<vmem_shared>>) target_semaphore(%arg11 : memref<!tpu.dma_semaphore, #tpu.memory_space<semaphore_mem>>)
    %add3A_15 = arith.constant 128 : i32
    %add3A_16 = arith.addi %mul3A_9, %add3A_15 : i32
    %dma_start3A_17 = arith.constant 0 : i32
    %dma_start3A_18 = tpu.memref_slice %arg10[%add3A_16, %dma_start3A_17] : memref<10240x128xf32, #tpu.memory_space<vmem_shared>> -> memref<128x128xf32, #tpu.memory_space<vmem_shared>>
    %dma_start3A_19 = arith.constant 0 : i32
    %dma_start3A_20 = tpu.memref_slice %arg10[%add3A_16, %dma_start3A_19] : memref<10240x128xf32, #tpu.memory_space<vmem_shared>> -> memref<128x128xf32, #tpu.memory_space<vmem_shared>>
    tpu.enqueue_dma source(%arg8 : memref<128x128xf32, #tpu.memory_space<vmem>>) target(%dma_start3A_20 : memref<128x128xf32, #tpu.memory_space<vmem_shared>>) target_semaphore(%arg11 : memref<!tpu.dma_semaphore, #tpu.memory_space<semaphore_mem>>)
    %add3A_21 = arith.constant 256 : i32
    %add3A_22 = arith.addi %mul3A_9, %add3A_21 : i32
    %dma_start3A_23 = arith.constant 0 : i32
    %dma_start3A_24 = tpu.memref_slice %arg10[%add3A_22, %dma_start3A_23] : memref<10240x128xf32, #tpu.memory_space<vmem_shared>> -> memref<128x128xf32, #tpu.memory_space<vmem_shared>>
    %dma_start3A_25 = arith.constant 0 : i32
    %dma_start3A_26 = tpu.memref_slice %arg10[%add3A_22, %dma_start3A_25] : memref<10240x128xf32, #tpu.memory_space<vmem_shared>> -> memref<128x128xf32, #tpu.memory_space<vmem_shared>>
    tpu.enqueue_dma source(%arg8 : memref<128x128xf32, #tpu.memory_space<vmem>>) target(%dma_start3A_26 : memref<128x128xf32, #tpu.memory_space<vmem_shared>>) target_semaphore(%arg11 : memref<!tpu.dma_semaphore, #tpu.memory_space<semaphore_mem>>)
    %add3A_27 = arith.constant 384 : i32
    %add3A_28 = arith.addi %mul3A_9, %add3A_27 : i32
    %dma_start3A_29 = arith.constant 0 : i32
    %dma_start3A_30 = tpu.memref_slice %arg10[%add3A_28, %dma_start3A_29] : memref<10240x128xf32, #tpu.memory_space<vmem_shared>> -> memref<128x128xf32, #tpu.memory_space<vmem_shared>>
    %dma_start3A_31 = arith.constant 0 : i32
    %dma_start3A_32 = tpu.memref_slice %arg10[%add3A_28, %dma_start3A_31] : memref<10240x128xf32, #tpu.memory_space<vmem_shared>> -> memref<128x128xf32, #tpu.memory_space<vmem_shared>>
    tpu.enqueue_dma source(%arg8 : memref<128x128xf32, #tpu.memory_space<vmem>>) target(%dma_start3A_32 : memref<128x128xf32, #tpu.memory_space<vmem_shared>>) target_semaphore(%arg11 : memref<!tpu.dma_semaphore, #tpu.memory_space<semaphore_mem>>)
    %add3A_33 = arith.constant 512 : i32
    %add3A_34 = arith.addi %mul3A_9, %add3A_33 : i32
    %dma_start3A_35 = arith.constant 0 : i32
    %dma_start3A_36 = tpu.memref_slice %arg10[%add3A_34, %dma_start3A_35] : memref<10240x128xf32, #tpu.memory_space<vmem_shared>> -> memref<128x128xf32, #tpu.memory_space<vmem_shared>>
    %dma_start3A_37 = arith.constant 0 : i32
    %dma_start3A_38 = tpu.memref_slice %arg10[%add3A_34, %dma_start3A_37] : memref<10240x128xf32, #tpu.memory_space<vmem_shared>> -> memref<128x128xf32, #tpu.memory_space<vmem_shared>>
    tpu.enqueue_dma source(%arg8 : memref<128x128xf32, #tpu.memory_space<vmem>>) target(%dma_start3A_38 : memref<128x128xf32, #tpu.memory_space<vmem_shared>>) target_semaphore(%arg11 : memref<!tpu.dma_semaphore, #tpu.memory_space<semaphore_mem>>)
    %mul3A_39 = arith.constant 80 : i32
    %mul3A_40 = arith.muli %add3A, %mul3A_39 : i32
    "tpu.region"() ({
      %run_scoped3A = tpu.sem_alloc : memref<!tpu.dma_semaphore, #tpu.memory_space<semaphore_mem>>
      %dma_start3A_113 = arith.constant 0 : i32
      %dma_start3A_114 = tpu.memref_slice %arg3[%mul3A_40, %dma_start3A_113] : memref<2560x128xi32, #tpu.memory_space<hbm>> -> memref<40x128xi32, #tpu.memory_space<hbm>>
      %dma_start3A_115 = arith.constant 0 : i32
      %dma_start3A_116 = tpu.memref_slice %arg3[%mul3A_40, %dma_start3A_115] : memref<2560x128xi32, #tpu.memory_space<hbm>> -> memref<40x128xi32, #tpu.memory_space<hbm>>
      tpu.enqueue_dma source(%dma_start3A_116 : memref<40x128xi32, #tpu.memory_space<hbm>>) target(%arg6 : memref<40x128xi32, #tpu.memory_space<vmem>>) target_semaphore(%run_scoped3A : memref<!tpu.dma_semaphore, #tpu.memory_space<semaphore_mem>>)
      %dma_wait3A_117 = arith.constant 0 : i32
      %dma_wait3A_118 = tpu.memref_slice %arg3[%mul3A_40, %dma_wait3A_117] : memref<2560x128xi32, #tpu.memory_space<hbm>> -> memref<40x128xi32, #tpu.memory_space<hbm>>
      %dma_wait3A_119 = arith.constant 0 : i32
      %dma_wait3A_120 = tpu.memref_slice %arg3[%mul3A_40, %dma_wait3A_119] : memref<2560x128xi32, #tpu.memory_space<hbm>> -> memref<40x128xi32, #tpu.memory_space<hbm>>
      tpu.wait_dma2 semaphore(%run_scoped3A : memref<!tpu.dma_semaphore, #tpu.memory_space<semaphore_mem>>) src(%dma_wait3A_120 : memref<40x128xi32, #tpu.memory_space<hbm>>) dst(%arg6 : memref<40x128xi32, #tpu.memory_space<vmem>>)
      tpu.yield
    }) : () -> ()
    %mul3A_41 = arith.constant 80 : i32
    %mul3A_42 = arith.muli %add3A, %mul3A_41 : i32
    "tpu.region"() ({
      %run_scoped3A = tpu.sem_alloc : memref<!tpu.dma_semaphore, #tpu.memory_space<semaphore_mem>>
      %dma_start3A_113 = arith.constant 0 : i32
      %dma_start3A_114 = tpu.memref_slice %arg4[%mul3A_42, %dma_start3A_113] : memref<2560x128xi32, #tpu.memory_space<hbm>> -> memref<40x128xi32, #tpu.memory_space<hbm>>
      %dma_start3A_115 = arith.constant 0 : i32
      %dma_start3A_116 = tpu.memref_slice %arg4[%mul3A_42, %dma_start3A_115] : memref<2560x128xi32, #tpu.memory_space<hbm>> -> memref<40x128xi32, #tpu.memory_space<hbm>>
      tpu.enqueue_dma source(%dma_start3A_116 : memref<40x128xi32, #tpu.memory_space<hbm>>) target(%arg7 : memref<40x128xi32, #tpu.memory_space<vmem>>) target_semaphore(%run_scoped3A : memref<!tpu.dma_semaphore, #tpu.memory_space<semaphore_mem>>)
      %dma_wait3A_117 = arith.constant 0 : i32
      %dma_wait3A_118 = tpu.memref_slice %arg4[%mul3A_42, %dma_wait3A_117] : memref<2560x128xi32, #tpu.memory_space<hbm>> -> memref<40x128xi32, #tpu.memory_space<hbm>>
      %dma_wait3A_119 = arith.constant 0 : i32
      %dma_wait3A_120 = tpu.memref_slice %arg4[%mul3A_42, %dma_wait3A_119] : memref<2560x128xi32, #tpu.memory_space<hbm>> -> memref<40x128xi32, #tpu.memory_space<hbm>>
      tpu.wait_dma2 semaphore(%run_scoped3A : memref<!tpu.dma_semaphore, #tpu.memory_space<semaphore_mem>>) src(%dma_wait3A_120 : memref<40x128xi32, #tpu.memory_space<hbm>>) dst(%arg7 : memref<40x128xi32, #tpu.memory_space<vmem>>)
      tpu.yield
    }) : () -> ()
    %dma_wait3A = arith.constant 0 : i32
    %dma_wait3A_43 = tpu.memref_slice %arg10[%mul3A_9, %dma_wait3A] : memref<10240x128xf32, #tpu.memory_space<vmem_shared>> -> memref<128x128xf32, #tpu.memory_space<vmem_shared>>
    %dma_wait3A_44 = arith.constant 0 : i32
    %dma_wait3A_45 = tpu.memref_slice %arg10[%mul3A_9, %dma_wait3A_44] : memref<10240x128xf32, #tpu.memory_space<vmem_shared>> -> memref<128x128xf32, #tpu.memory_space<vmem_shared>>
    tpu.wait_dma2 semaphore(%arg11 : memref<!tpu.dma_semaphore, #tpu.memory_space<semaphore_mem>>) src(%arg8 : memref<128x128xf32, #tpu.memory_space<vmem>>) dst(%dma_wait3A_45 : memref<128x128xf32, #tpu.memory_space<vmem_shared>>)
    %dma_wait3A_46 = arith.constant 0 : i32
    %dma_wait3A_47 = tpu.memref_slice %arg10[%mul3A_9, %dma_wait3A_46] : memref<10240x128xf32, #tpu.memory_space<vmem_shared>> -> memref<128x128xf32, #tpu.memory_space<vmem_shared>>
    %dma_wait3A_48 = arith.constant 0 : i32
    %dma_wait3A_49 = tpu.memref_slice %arg10[%mul3A_9, %dma_wait3A_48] : memref<10240x128xf32, #tpu.memory_space<vmem_shared>> -> memref<128x128xf32, #tpu.memory_space<vmem_shared>>
    tpu.wait_dma2 semaphore(%arg11 : memref<!tpu.dma_semaphore, #tpu.memory_space<semaphore_mem>>) src(%arg8 : memref<128x128xf32, #tpu.memory_space<vmem>>) dst(%dma_wait3A_49 : memref<128x128xf32, #tpu.memory_space<vmem_shared>>)
    %dma_wait3A_50 = arith.constant 0 : i32
    %dma_wait3A_51 = tpu.memref_slice %arg10[%mul3A_9, %dma_wait3A_50] : memref<10240x128xf32, #tpu.memory_space<vmem_shared>> -> memref<128x128xf32, #tpu.memory_space<vmem_shared>>
    %dma_wait3A_52 = arith.constant 0 : i32
    %dma_wait3A_53 = tpu.memref_slice %arg10[%mul3A_9, %dma_wait3A_52] : memref<10240x128xf32, #tpu.memory_space<vmem_shared>> -> memref<128x128xf32, #tpu.memory_space<vmem_shared>>
    tpu.wait_dma2 semaphore(%arg11 : memref<!tpu.dma_semaphore, #tpu.memory_space<semaphore_mem>>) src(%arg8 : memref<128x128xf32, #tpu.memory_space<vmem>>) dst(%dma_wait3A_53 : memref<128x128xf32, #tpu.memory_space<vmem_shared>>)
    %dma_wait3A_54 = arith.constant 0 : i32
    %dma_wait3A_55 = tpu.memref_slice %arg10[%mul3A_9, %dma_wait3A_54] : memref<10240x128xf32, #tpu.memory_space<vmem_shared>> -> memref<128x128xf32, #tpu.memory_space<vmem_shared>>
    %dma_wait3A_56 = arith.constant 0 : i32
    %dma_wait3A_57 = tpu.memref_slice %arg10[%mul3A_9, %dma_wait3A_56] : memref<10240x128xf32, #tpu.memory_space<vmem_shared>> -> memref<128x128xf32, #tpu.memory_space<vmem_shared>>
    tpu.wait_dma2 semaphore(%arg11 : memref<!tpu.dma_semaphore, #tpu.memory_space<semaphore_mem>>) src(%arg8 : memref<128x128xf32, #tpu.memory_space<vmem>>) dst(%dma_wait3A_57 : memref<128x128xf32, #tpu.memory_space<vmem_shared>>)
    %dma_wait3A_58 = arith.constant 0 : i32
    %dma_wait3A_59 = tpu.memref_slice %arg10[%mul3A_9, %dma_wait3A_58] : memref<10240x128xf32, #tpu.memory_space<vmem_shared>> -> memref<128x128xf32, #tpu.memory_space<vmem_shared>>
    %dma_wait3A_60 = arith.constant 0 : i32
    %dma_wait3A_61 = tpu.memref_slice %arg10[%mul3A_9, %dma_wait3A_60] : memref<10240x128xf32, #tpu.memory_space<vmem_shared>> -> memref<128x128xf32, #tpu.memory_space<vmem_shared>>
    tpu.wait_dma2 semaphore(%arg11 : memref<!tpu.dma_semaphore, #tpu.memory_space<semaphore_mem>>) src(%arg8 : memref<128x128xf32, #tpu.memory_space<vmem>>) dst(%dma_wait3A_61 : memref<128x128xf32, #tpu.memory_space<vmem_shared>>)
    %barrier3A = arith.constant 0 : index
    tpu.barrier barrier_id(%barrier3A)
    %dma_start3A_62 = arith.constant 0 : i32
    %dma_start3A_63 = arith.constant 0 : i32
    %dma_start3A_64 = tpu.memref_slice %arg6[%dma_start3A_62, %dma_start3A_63] : memref<40x128xi32, #tpu.memory_space<vmem>> -> memref<1x128xi32, #tpu.memory_space<vmem>>
    %dma_start3A_65 = tpu.memref_squeeze %dma_start3A_64 : memref<1x128xi32, #tpu.memory_space<vmem>> -> memref<128xi32, #tpu.memory_space<vmem>>
    %dma_start3A_66 = arith.constant 0 : i32
    %dma_start3A_67 = arith.constant 0 : i32
    %dma_start3A_68 = tpu.memref_slice %arg2[%dma_start3A_66, %dma_start3A_67] : memref<10000x128xf32, #tpu.memory_space<hbm>> -> memref<10000x128xf32, #tpu.memory_space<hbm>>
    tpu.enqueue_indirect_dma source(%dma_start3A_68 : memref<10000x128xf32, #tpu.memory_space<hbm>>) target(%arg8 : memref<128x128xf32, #tpu.memory_space<vmem>>) offsets(%dma_start3A_65 : memref<128xi32, #tpu.memory_space<vmem>>) semaphore(%arg11 : memref<!tpu.dma_semaphore, #tpu.memory_space<semaphore_mem>>)
    %scan3A_69 = arith.constant 0 : i32
    %scan3A_70 = arith.constant 0 : i32
    %scan3A_71 = arith.constant 20 : i32
    %scan3A_72 = arith.addi %scan3A_70, %scan3A_71 : i32
    %scan3A_73 = arith.constant 1 : i32
    %scan3A_74 = scf.for %scan3A_113 = %scan3A_70 to %scan3A_72 step %scan3A_73 iter_args(%scan3A_114 = %scan3A_69) -> (i32)  : i32 {
      %mul3A_115 = arith.constant 2 : i32
      %mul3A_116 = arith.muli %scan3A_113, %mul3A_115 : i32
      %dma_wait3A_117 = arith.constant 0 : i32
      %dma_wait3A_118 = arith.constant 0 : i32
      %dma_wait3A_119 = tpu.memref_slice %arg6[%dma_wait3A_117, %dma_wait3A_118] : memref<40x128xi32, #tpu.memory_space<vmem>> -> memref<1x128xi32, #tpu.memory_space<vmem>>
      %dma_wait3A_120 = tpu.memref_squeeze %dma_wait3A_119 : memref<1x128xi32, #tpu.memory_space<vmem>> -> memref<128xi32, #tpu.memory_space<vmem>>
      %dma_wait3A_121 = arith.constant 0 : i32
      %dma_wait3A_122 = arith.constant 0 : i32
      %dma_wait3A_123 = tpu.memref_slice %arg2[%dma_wait3A_121, %dma_wait3A_122] : memref<10000x128xf32, #tpu.memory_space<hbm>> -> memref<10000x128xf32, #tpu.memory_space<hbm>>
      tpu.wait_indirect_dma semaphore(%arg11 : memref<!tpu.dma_semaphore, #tpu.memory_space<semaphore_mem>>) src(%dma_wait3A_123 : memref<10000x128xf32, #tpu.memory_space<hbm>>) dst(%arg8 : memref<128x128xf32, #tpu.memory_space<vmem>>)
      %add3A_124 = arith.constant 1 : i32
      %add3A_125 = arith.addi %mul3A_116, %add3A_124 : i32
      %dma_start3A_126 = arith.constant 0 : i32
      %dma_start3A_127 = tpu.memref_slice %arg6[%add3A_125, %dma_start3A_126] : memref<40x128xi32, #tpu.memory_space<vmem>> -> memref<1x128xi32, #tpu.memory_space<vmem>>
      %dma_start3A_128 = tpu.memref_squeeze %dma_start3A_127 : memref<1x128xi32, #tpu.memory_space<vmem>> -> memref<128xi32, #tpu.memory_space<vmem>>
      %dma_start3A_129 = arith.constant 0 : i32
      %dma_start3A_130 = arith.constant 0 : i32
      %dma_start3A_131 = tpu.memref_slice %arg2[%dma_start3A_129, %dma_start3A_130] : memref<10000x128xf32, #tpu.memory_space<hbm>> -> memref<10000x128xf32, #tpu.memory_space<hbm>>
      tpu.enqueue_indirect_dma source(%dma_start3A_131 : memref<10000x128xf32, #tpu.memory_space<hbm>>) target(%arg9 : memref<128x128xf32, #tpu.memory_space<vmem>>) offsets(%dma_start3A_128 : memref<128xi32, #tpu.memory_space<vmem>>) semaphore(%arg12 : memref<!tpu.dma_semaphore, #tpu.memory_space<semaphore_mem>>)
      "tpu.region"() ({
        %run_scoped3A = tpu.sem_alloc : memref<!tpu.dma_semaphore, #tpu.memory_space<semaphore_mem>>
        %dma_start3A_159 = arith.constant 0 : i32
        %dma_start3A_160 = tpu.memref_slice %arg7[%mul3A_116, %dma_start3A_159] : memref<40x128xi32, #tpu.memory_space<vmem>> -> memref<1x128xi32, #tpu.memory_space<vmem>>
        %dma_start3A_161 = tpu.memref_squeeze %dma_start3A_160 : memref<1x128xi32, #tpu.memory_space<vmem>> -> memref<128xi32, #tpu.memory_space<vmem>>
        %dma_start3A_162 = arith.constant 0 : i32
        %dma_start3A_163 = arith.constant 0 : i32
        %dma_start3A_164 = tpu.memref_slice %arg10[%dma_start3A_162, %dma_start3A_163] : memref<10240x128xf32, #tpu.memory_space<vmem_shared>> -> memref<10240x128xf32, #tpu.memory_space<vmem_shared>>
        tpu.enqueue_indirect_dma source(%arg8 : memref<128x128xf32, #tpu.memory_space<vmem>>) target(%dma_start3A_164 : memref<10240x128xf32, #tpu.memory_space<vmem_shared>>) offsets(%dma_start3A_161 : memref<128xi32, #tpu.memory_space<vmem>>) semaphore(%run_scoped3A : memref<!tpu.dma_semaphore, #tpu.memory_space<semaphore_mem>>) {add = true}
        %dma_wait3A_165 = arith.constant 0 : i32
        %dma_wait3A_166 = tpu.memref_slice %arg7[%mul3A_116, %dma_wait3A_165] : memref<40x128xi32, #tpu.memory_space<vmem>> -> memref<1x128xi32, #tpu.memory_space<vmem>>
        %dma_wait3A_167 = tpu.memref_squeeze %dma_wait3A_166 : memref<1x128xi32, #tpu.memory_space<vmem>> -> memref<128xi32, #tpu.memory_space<vmem>>
        %dma_wait3A_168 = arith.constant 0 : i32
        %dma_wait3A_169 = arith.constant 0 : i32
        %dma_wait3A_170 = tpu.memref_slice %arg10[%dma_wait3A_168, %dma_wait3A_169] : memref<10240x128xf32, #tpu.memory_space<vmem_shared>> -> memref<10240x128xf32, #tpu.memory_space<vmem_shared>>
        tpu.wait_indirect_dma semaphore(%run_scoped3A : memref<!tpu.dma_semaphore, #tpu.memory_space<semaphore_mem>>) src(%arg8 : memref<128x128xf32, #tpu.memory_space<vmem>>) dst(%dma_wait3A_170 : memref<10240x128xf32, #tpu.memory_space<vmem_shared>>)
        tpu.yield
      }) : () -> ()
      %dma_wait3A_132 = arith.constant 0 : i32
      %dma_wait3A_133 = arith.constant 0 : i32
      %dma_wait3A_134 = tpu.memref_slice %arg6[%dma_wait3A_132, %dma_wait3A_133] : memref<40x128xi32, #tpu.memory_space<vmem>> -> memref<1x128xi32, #tpu.memory_space<vmem>>
      %dma_wait3A_135 = tpu.memref_squeeze %dma_wait3A_134 : memref<1x128xi32, #tpu.memory_space<vmem>> -> memref<128xi32, #tpu.memory_space<vmem>>
      %dma_wait3A_136 = arith.constant 0 : i32
      %dma_wait3A_137 = arith.constant 0 : i32
      %dma_wait3A_138 = tpu.memref_slice %arg2[%dma_wait3A_136, %dma_wait3A_137] : memref<10000x128xf32, #tpu.memory_space<hbm>> -> memref<10000x128xf32, #tpu.memory_space<hbm>>
      tpu.wait_indirect_dma semaphore(%arg12 : memref<!tpu.dma_semaphore, #tpu.memory_space<semaphore_mem>>) src(%dma_wait3A_138 : memref<10000x128xf32, #tpu.memory_space<hbm>>) dst(%arg9 : memref<128x128xf32, #tpu.memory_space<vmem>>)
      %add3A_139 = arith.constant 2 : i32
      %add3A_140 = arith.addi %mul3A_116, %add3A_139 : i32
      %jit3A = arith.constant 40 : i32
      %eq3A = arith.constant 0 : i32
      %eq3A_141 = arith.cmpi eq, %jit3A, %eq3A : i32
      %jit3A_142 = arith.constant 1 : i32
      %select_n3A = arith.select %eq3A_141, %jit3A_142, %jit3A : i32
      %rem3A = arith.remsi %add3A_140, %select_n3A : i32
      %ne3A = arith.constant 0 : i32
      %ne3A_143 = arith.cmpi ne, %rem3A, %ne3A : i32
      %lt3A = arith.constant 0 : i32
      %lt3A_144 = arith.cmpi slt, %rem3A, %lt3A : i32
      %lt3A_145 = arith.constant 0 : i32
      %lt3A_146 = arith.cmpi slt, %select_n3A, %lt3A_145 : i32
      %ne3A_147 = arith.xori %lt3A_144, %lt3A_146 : i1
      %and3A = arith.andi %ne3A_147, %ne3A_143 : i1
      %add3A_148 = arith.addi %rem3A, %select_n3A : i32
      %select_n3A_149 = arith.select %and3A, %add3A_148, %rem3A : i32
      %dma_start3A_150 = arith.constant 0 : i32
      %dma_start3A_151 = tpu.memref_slice %arg6[%select_n3A_149, %dma_start3A_150] : memref<40x128xi32, #tpu.memory_space<vmem>> -> memref<1x128xi32, #tpu.memory_space<vmem>>
      %dma_start3A_152 = tpu.memref_squeeze %dma_start3A_151 : memref<1x128xi32, #tpu.memory_space<vmem>> -> memref<128xi32, #tpu.memory_space<vmem>>
      %dma_start3A_153 = arith.constant 0 : i32
      %dma_start3A_154 = arith.constant 0 : i32
      %dma_start3A_155 = tpu.memref_slice %arg2[%dma_start3A_153, %dma_start3A_154] : memref<10000x128xf32, #tpu.memory_space<hbm>> -> memref<10000x128xf32, #tpu.memory_space<hbm>>
      tpu.enqueue_indirect_dma source(%dma_start3A_155 : memref<10000x128xf32, #tpu.memory_space<hbm>>) target(%arg8 : memref<128x128xf32, #tpu.memory_space<vmem>>) offsets(%dma_start3A_152 : memref<128xi32, #tpu.memory_space<vmem>>) semaphore(%arg11 : memref<!tpu.dma_semaphore, #tpu.memory_space<semaphore_mem>>)
      %add3A_156 = arith.constant 1 : i32
      %add3A_157 = arith.addi %mul3A_116, %add3A_156 : i32
      "tpu.region"() ({
        %run_scoped3A = tpu.sem_alloc : memref<!tpu.dma_semaphore, #tpu.memory_space<semaphore_mem>>
        %dma_start3A_159 = arith.constant 0 : i32
        %dma_start3A_160 = tpu.memref_slice %arg7[%add3A_157, %dma_start3A_159] : memref<40x128xi32, #tpu.memory_space<vmem>> -> memref<1x128xi32, #tpu.memory_space<vmem>>
        %dma_start3A_161 = tpu.memref_squeeze %dma_start3A_160 : memref<1x128xi32, #tpu.memory_space<vmem>> -> memref<128xi32, #tpu.memory_space<vmem>>
        %dma_start3A_162 = arith.constant 0 : i32
        %dma_start3A_163 = arith.constant 0 : i32
        %dma_start3A_164 = tpu.memref_slice %arg10[%dma_start3A_162, %dma_start3A_163] : memref<10240x128xf32, #tpu.memory_space<vmem_shared>> -> memref<10240x128xf32, #tpu.memory_space<vmem_shared>>
        tpu.enqueue_indirect_dma source(%arg9 : memref<128x128xf32, #tpu.memory_space<vmem>>) target(%dma_start3A_164 : memref<10240x128xf32, #tpu.memory_space<vmem_shared>>) offsets(%dma_start3A_161 : memref<128xi32, #tpu.memory_space<vmem>>) semaphore(%run_scoped3A : memref<!tpu.dma_semaphore, #tpu.memory_space<semaphore_mem>>) {add = true}
        %dma_wait3A_165 = arith.constant 0 : i32
        %dma_wait3A_166 = tpu.memref_slice %arg7[%add3A_157, %dma_wait3A_165] : memref<40x128xi32, #tpu.memory_space<vmem>> -> memref<1x128xi32, #tpu.memory_space<vmem>>
        %dma_wait3A_167 = tpu.memref_squeeze %dma_wait3A_166 : memref<1x128xi32, #tpu.memory_space<vmem>> -> memref<128xi32, #tpu.memory_space<vmem>>
        %dma_wait3A_168 = arith.constant 0 : i32
        %dma_wait3A_169 = arith.constant 0 : i32
        %dma_wait3A_170 = tpu.memref_slice %arg10[%dma_wait3A_168, %dma_wait3A_169] : memref<10240x128xf32, #tpu.memory_space<vmem_shared>> -> memref<10240x128xf32, #tpu.memory_space<vmem_shared>>
        tpu.wait_indirect_dma semaphore(%run_scoped3A : memref<!tpu.dma_semaphore, #tpu.memory_space<semaphore_mem>>) src(%arg9 : memref<128x128xf32, #tpu.memory_space<vmem>>) dst(%dma_wait3A_170 : memref<10240x128xf32, #tpu.memory_space<vmem_shared>>)
        tpu.yield
      }) : () -> ()
      %scan3A_158 = arith.constant 0 : i32
      scf.yield %scan3A_158 : i32
    }
    %scan3A_75 = arith.constant 20 : i32
    %dma_wait3A_76 = arith.constant 0 : i32
    %dma_wait3A_77 = arith.constant 0 : i32
    %dma_wait3A_78 = tpu.memref_slice %arg6[%dma_wait3A_76, %dma_wait3A_77] : memref<40x128xi32, #tpu.memory_space<vmem>> -> memref<1x128xi32, #tpu.memory_space<vmem>>
    %dma_wait3A_79 = tpu.memref_squeeze %dma_wait3A_78 : memref<1x128xi32, #tpu.memory_space<vmem>> -> memref<128xi32, #tpu.memory_space<vmem>>
    %dma_wait3A_80 = arith.constant 0 : i32
    %dma_wait3A_81 = arith.constant 0 : i32
    %dma_wait3A_82 = tpu.memref_slice %arg2[%dma_wait3A_80, %dma_wait3A_81] : memref<10000x128xf32, #tpu.memory_space<hbm>> -> memref<10000x128xf32, #tpu.memory_space<hbm>>
    tpu.wait_indirect_dma semaphore(%arg11 : memref<!tpu.dma_semaphore, #tpu.memory_space<semaphore_mem>>) src(%dma_wait3A_82 : memref<10000x128xf32, #tpu.memory_space<hbm>>) dst(%arg8 : memref<128x128xf32, #tpu.memory_space<vmem>>)
    %mul3A_83 = arith.constant 80 : i32
    %mul3A_84 = arith.muli %add3A, %mul3A_83 : i32
    %add3A_85 = arith.constant 40 : i32
    %add3A_86 = arith.addi %mul3A_84, %add3A_85 : i32
    "tpu.region"() ({
      %run_scoped3A = tpu.sem_alloc : memref<!tpu.dma_semaphore, #tpu.memory_space<semaphore_mem>>
      %dma_start3A_113 = arith.constant 0 : i32
      %dma_start3A_114 = tpu.memref_slice %arg3[%add3A_86, %dma_start3A_113] : memref<2560x128xi32, #tpu.memory_space<hbm>> -> memref<40x128xi32, #tpu.memory_space<hbm>>
      %dma_start3A_115 = arith.constant 0 : i32
      %dma_start3A_116 = tpu.memref_slice %arg3[%add3A_86, %dma_start3A_115] : memref<2560x128xi32, #tpu.memory_space<hbm>> -> memref<40x128xi32, #tpu.memory_space<hbm>>
      tpu.enqueue_dma source(%dma_start3A_116 : memref<40x128xi32, #tpu.memory_space<hbm>>) target(%arg6 : memref<40x128xi32, #tpu.memory_space<vmem>>) target_semaphore(%run_scoped3A : memref<!tpu.dma_semaphore, #tpu.memory_space<semaphore_mem>>)
      %dma_wait3A_117 = arith.constant 0 : i32
      %dma_wait3A_118 = tpu.memref_slice %arg3[%add3A_86, %dma_wait3A_117] : memref<2560x128xi32, #tpu.memory_space<hbm>> -> memref<40x128xi32, #tpu.memory_space<hbm>>
      %dma_wait3A_119 = arith.constant 0 : i32
      %dma_wait3A_120 = tpu.memref_slice %arg3[%add3A_86, %dma_wait3A_119] : memref<2560x128xi32, #tpu.memory_space<hbm>> -> memref<40x128xi32, #tpu.memory_space<hbm>>
      tpu.wait_dma2 semaphore(%run_scoped3A : memref<!tpu.dma_semaphore, #tpu.memory_space<semaphore_mem>>) src(%dma_wait3A_120 : memref<40x128xi32, #tpu.memory_space<hbm>>) dst(%arg6 : memref<40x128xi32, #tpu.memory_space<vmem>>)
      tpu.yield
    }) : () -> ()
    %mul3A_87 = arith.constant 80 : i32
    %mul3A_88 = arith.muli %add3A, %mul3A_87 : i32
    %add3A_89 = arith.constant 40 : i32
    %add3A_90 = arith.addi %mul3A_88, %add3A_89 : i32
    "tpu.region"() ({
      %run_scoped3A = tpu.sem_alloc : memref<!tpu.dma_semaphore, #tpu.memory_space<semaphore_mem>>
      %dma_start3A_113 = arith.constant 0 : i32
      %dma_start3A_114 = tpu.memref_slice %arg4[%add3A_90, %dma_start3A_113] : memref<2560x128xi32, #tpu.memory_space<hbm>> -> memref<40x128xi32, #tpu.memory_space<hbm>>
      %dma_start3A_115 = arith.constant 0 : i32
      %dma_start3A_116 = tpu.memref_slice %arg4[%add3A_90, %dma_start3A_115] : memref<2560x128xi32, #tpu.memory_space<hbm>> -> memref<40x128xi32, #tpu.memory_space<hbm>>
      tpu.enqueue_dma source(%dma_start3A_116 : memref<40x128xi32, #tpu.memory_space<hbm>>) target(%arg7 : memref<40x128xi32, #tpu.memory_space<vmem>>) target_semaphore(%run_scoped3A : memref<!tpu.dma_semaphore, #tpu.memory_space<semaphore_mem>>)
      %dma_wait3A_117 = arith.constant 0 : i32
      %dma_wait3A_118 = tpu.memref_slice %arg4[%add3A_90, %dma_wait3A_117] : memref<2560x128xi32, #tpu.memory_space<hbm>> -> memref<40x128xi32, #tpu.memory_space<hbm>>
      %dma_wait3A_119 = arith.constant 0 : i32
      %dma_wait3A_120 = tpu.memref_slice %arg4[%add3A_90, %dma_wait3A_119] : memref<2560x128xi32, #tpu.memory_space<hbm>> -> memref<40x128xi32, #tpu.memory_space<hbm>>
      tpu.wait_dma2 semaphore(%run_scoped3A : memref<!tpu.dma_semaphore, #tpu.memory_space<semaphore_mem>>) src(%dma_wait3A_120 : memref<40x128xi32, #tpu.memory_space<hbm>>) dst(%arg7 : memref<40x128xi32, #tpu.memory_space<vmem>>)
      tpu.yield
    }) : () -> ()
    %dma_start3A_91 = arith.constant 0 : i32
    %dma_start3A_92 = arith.constant 0 : i32
    %dma_start3A_93 = tpu.memref_slice %arg6[%dma_start3A_91, %dma_start3A_92] : memref<40x128xi32, #tpu.memory_space<vmem>> -> memref<1x128xi32, #tpu.memory_space<vmem>>
    %dma_start3A_94 = tpu.memref_squeeze %dma_start3A_93 : memref<1x128xi32, #tpu.memory_space<vmem>> -> memref<128xi32, #tpu.memory_space<vmem>>
    %dma_start3A_95 = arith.constant 0 : i32
    %dma_start3A_96 = arith.constant 0 : i32
    %dma_start3A_97 = tpu.memref_slice %arg2[%dma_start3A_95, %dma_start3A_96] : memref<10000x128xf32, #tpu.memory_space<hbm>> -> memref<10000x128xf32, #tpu.memory_space<hbm>>
    tpu.enqueue_indirect_dma source(%dma_start3A_97 : memref<10000x128xf32, #tpu.memory_space<hbm>>) target(%arg8 : memref<128x128xf32, #tpu.memory_space<vmem>>) offsets(%dma_start3A_94 : memref<128xi32, #tpu.memory_space<vmem>>) semaphore(%arg11 : memref<!tpu.dma_semaphore, #tpu.memory_space<semaphore_mem>>)
    %scan3A_98 = arith.constant 0 : i32
    %scan3A_99 = arith.constant 0 : i32
    %scan3A_100 = arith.constant 20 : i32
    %scan3A_101 = arith.addi %scan3A_99, %scan3A_100 : i32
    %scan3A_102 = arith.constant 1 : i32
    %scan3A_103 = scf.for %scan3A_113 = %scan3A_99 to %scan3A_101 step %scan3A_102 iter_args(%scan3A_114 = %scan3A_98) -> (i32)  : i32 {
      %mul3A_115 = arith.constant 2 : i32
      %mul3A_116 = arith.muli %scan3A_113, %mul3A_115 : i32
      %dma_wait3A_117 = arith.constant 0 : i32
      %dma_wait3A_118 = arith.constant 0 : i32
      %dma_wait3A_119 = tpu.memref_slice %arg6[%dma_wait3A_117, %dma_wait3A_118] : memref<40x128xi32, #tpu.memory_space<vmem>> -> memref<1x128xi32, #tpu.memory_space<vmem>>
      %dma_wait3A_120 = tpu.memref_squeeze %dma_wait3A_119 : memref<1x128xi32, #tpu.memory_space<vmem>> -> memref<128xi32, #tpu.memory_space<vmem>>
      %dma_wait3A_121 = arith.constant 0 : i32
      %dma_wait3A_122 = arith.constant 0 : i32
      %dma_wait3A_123 = tpu.memref_slice %arg2[%dma_wait3A_121, %dma_wait3A_122] : memref<10000x128xf32, #tpu.memory_space<hbm>> -> memref<10000x128xf32, #tpu.memory_space<hbm>>
      tpu.wait_indirect_dma semaphore(%arg11 : memref<!tpu.dma_semaphore, #tpu.memory_space<semaphore_mem>>) src(%dma_wait3A_123 : memref<10000x128xf32, #tpu.memory_space<hbm>>) dst(%arg8 : memref<128x128xf32, #tpu.memory_space<vmem>>)
      %add3A_124 = arith.constant 1 : i32
      %add3A_125 = arith.addi %mul3A_116, %add3A_124 : i32
      %dma_start3A_126 = arith.constant 0 : i32
      %dma_start3A_127 = tpu.memref_slice %arg6[%add3A_125, %dma_start3A_126] : memref<40x128xi32, #tpu.memory_space<vmem>> -> memref<1x128xi32, #tpu.memory_space<vmem>>
      %dma_start3A_128 = tpu.memref_squeeze %dma_start3A_127 : memref<1x128xi32, #tpu.memory_space<vmem>> -> memref<128xi32, #tpu.memory_space<vmem>>
      %dma_start3A_129 = arith.constant 0 : i32
      %dma_start3A_130 = arith.constant 0 : i32
      %dma_start3A_131 = tpu.memref_slice %arg2[%dma_start3A_129, %dma_start3A_130] : memref<10000x128xf32, #tpu.memory_space<hbm>> -> memref<10000x128xf32, #tpu.memory_space<hbm>>
      tpu.enqueue_indirect_dma source(%dma_start3A_131 : memref<10000x128xf32, #tpu.memory_space<hbm>>) target(%arg9 : memref<128x128xf32, #tpu.memory_space<vmem>>) offsets(%dma_start3A_128 : memref<128xi32, #tpu.memory_space<vmem>>) semaphore(%arg12 : memref<!tpu.dma_semaphore, #tpu.memory_space<semaphore_mem>>)
      "tpu.region"() ({
        %run_scoped3A = tpu.sem_alloc : memref<!tpu.dma_semaphore, #tpu.memory_space<semaphore_mem>>
        %dma_start3A_159 = arith.constant 0 : i32
        %dma_start3A_160 = tpu.memref_slice %arg7[%mul3A_116, %dma_start3A_159] : memref<40x128xi32, #tpu.memory_space<vmem>> -> memref<1x128xi32, #tpu.memory_space<vmem>>
        %dma_start3A_161 = tpu.memref_squeeze %dma_start3A_160 : memref<1x128xi32, #tpu.memory_space<vmem>> -> memref<128xi32, #tpu.memory_space<vmem>>
        %dma_start3A_162 = arith.constant 0 : i32
        %dma_start3A_163 = arith.constant 0 : i32
        %dma_start3A_164 = tpu.memref_slice %arg10[%dma_start3A_162, %dma_start3A_163] : memref<10240x128xf32, #tpu.memory_space<vmem_shared>> -> memref<10240x128xf32, #tpu.memory_space<vmem_shared>>
        tpu.enqueue_indirect_dma source(%arg8 : memref<128x128xf32, #tpu.memory_space<vmem>>) target(%dma_start3A_164 : memref<10240x128xf32, #tpu.memory_space<vmem_shared>>) offsets(%dma_start3A_161 : memref<128xi32, #tpu.memory_space<vmem>>) semaphore(%run_scoped3A : memref<!tpu.dma_semaphore, #tpu.memory_space<semaphore_mem>>) {add = true}
        %dma_wait3A_165 = arith.constant 0 : i32
        %dma_wait3A_166 = tpu.memref_slice %arg7[%mul3A_116, %dma_wait3A_165] : memref<40x128xi32, #tpu.memory_space<vmem>> -> memref<1x128xi32, #tpu.memory_space<vmem>>
        %dma_wait3A_167 = tpu.memref_squeeze %dma_wait3A_166 : memref<1x128xi32, #tpu.memory_space<vmem>> -> memref<128xi32, #tpu.memory_space<vmem>>
        %dma_wait3A_168 = arith.constant 0 : i32
        %dma_wait3A_169 = arith.constant 0 : i32
        %dma_wait3A_170 = tpu.memref_slice %arg10[%dma_wait3A_168, %dma_wait3A_169] : memref<10240x128xf32, #tpu.memory_space<vmem_shared>> -> memref<10240x128xf32, #tpu.memory_space<vmem_shared>>
        tpu.wait_indirect_dma semaphore(%run_scoped3A : memref<!tpu.dma_semaphore, #tpu.memory_space<semaphore_mem>>) src(%arg8 : memref<128x128xf32, #tpu.memory_space<vmem>>) dst(%dma_wait3A_170 : memref<10240x128xf32, #tpu.memory_space<vmem_shared>>)
        tpu.yield
      }) : () -> ()
      %dma_wait3A_132 = arith.constant 0 : i32
      %dma_wait3A_133 = arith.constant 0 : i32
      %dma_wait3A_134 = tpu.memref_slice %arg6[%dma_wait3A_132, %dma_wait3A_133] : memref<40x128xi32, #tpu.memory_space<vmem>> -> memref<1x128xi32, #tpu.memory_space<vmem>>
      %dma_wait3A_135 = tpu.memref_squeeze %dma_wait3A_134 : memref<1x128xi32, #tpu.memory_space<vmem>> -> memref<128xi32, #tpu.memory_space<vmem>>
      %dma_wait3A_136 = arith.constant 0 : i32
      %dma_wait3A_137 = arith.constant 0 : i32
      %dma_wait3A_138 = tpu.memref_slice %arg2[%dma_wait3A_136, %dma_wait3A_137] : memref<10000x128xf32, #tpu.memory_space<hbm>> -> memref<10000x128xf32, #tpu.memory_space<hbm>>
      tpu.wait_indirect_dma semaphore(%arg12 : memref<!tpu.dma_semaphore, #tpu.memory_space<semaphore_mem>>) src(%dma_wait3A_138 : memref<10000x128xf32, #tpu.memory_space<hbm>>) dst(%arg9 : memref<128x128xf32, #tpu.memory_space<vmem>>)
      %add3A_139 = arith.constant 2 : i32
      %add3A_140 = arith.addi %mul3A_116, %add3A_139 : i32
      %jit3A = arith.constant 40 : i32
      %eq3A = arith.constant 0 : i32
      %eq3A_141 = arith.cmpi eq, %jit3A, %eq3A : i32
      %jit3A_142 = arith.constant 1 : i32
      %select_n3A = arith.select %eq3A_141, %jit3A_142, %jit3A : i32
      %rem3A = arith.remsi %add3A_140, %select_n3A : i32
      %ne3A = arith.constant 0 : i32
      %ne3A_143 = arith.cmpi ne, %rem3A, %ne3A : i32
      %lt3A = arith.constant 0 : i32
      %lt3A_144 = arith.cmpi slt, %rem3A, %lt3A : i32
      %lt3A_145 = arith.constant 0 : i32
      %lt3A_146 = arith.cmpi slt, %select_n3A, %lt3A_145 : i32
      %ne3A_147 = arith.xori %lt3A_144, %lt3A_146 : i1
      %and3A = arith.andi %ne3A_147, %ne3A_143 : i1
      %add3A_148 = arith.addi %rem3A, %select_n3A : i32
      %select_n3A_149 = arith.select %and3A, %add3A_148, %rem3A : i32
      %dma_start3A_150 = arith.constant 0 : i32
      %dma_start3A_151 = tpu.memref_slice %arg6[%select_n3A_149, %dma_start3A_150] : memref<40x128xi32, #tpu.memory_space<vmem>> -> memref<1x128xi32, #tpu.memory_space<vmem>>
      %dma_start3A_152 = tpu.memref_squeeze %dma_start3A_151 : memref<1x128xi32, #tpu.memory_space<vmem>> -> memref<128xi32, #tpu.memory_space<vmem>>
      %dma_start3A_153 = arith.constant 0 : i32
      %dma_start3A_154 = arith.constant 0 : i32
      %dma_start3A_155 = tpu.memref_slice %arg2[%dma_start3A_153, %dma_start3A_154] : memref<10000x128xf32, #tpu.memory_space<hbm>> -> memref<10000x128xf32, #tpu.memory_space<hbm>>
      tpu.enqueue_indirect_dma source(%dma_start3A_155 : memref<10000x128xf32, #tpu.memory_space<hbm>>) target(%arg8 : memref<128x128xf32, #tpu.memory_space<vmem>>) offsets(%dma_start3A_152 : memref<128xi32, #tpu.memory_space<vmem>>) semaphore(%arg11 : memref<!tpu.dma_semaphore, #tpu.memory_space<semaphore_mem>>)
      %add3A_156 = arith.constant 1 : i32
      %add3A_157 = arith.addi %mul3A_116, %add3A_156 : i32
      "tpu.region"() ({
        %run_scoped3A = tpu.sem_alloc : memref<!tpu.dma_semaphore, #tpu.memory_space<semaphore_mem>>
        %dma_start3A_159 = arith.constant 0 : i32
        %dma_start3A_160 = tpu.memref_slice %arg7[%add3A_157, %dma_start3A_159] : memref<40x128xi32, #tpu.memory_space<vmem>> -> memref<1x128xi32, #tpu.memory_space<vmem>>
        %dma_start3A_161 = tpu.memref_squeeze %dma_start3A_160 : memref<1x128xi32, #tpu.memory_space<vmem>> -> memref<128xi32, #tpu.memory_space<vmem>>
        %dma_start3A_162 = arith.constant 0 : i32
        %dma_start3A_163 = arith.constant 0 : i32
        %dma_start3A_164 = tpu.memref_slice %arg10[%dma_start3A_162, %dma_start3A_163] : memref<10240x128xf32, #tpu.memory_space<vmem_shared>> -> memref<10240x128xf32, #tpu.memory_space<vmem_shared>>
        tpu.enqueue_indirect_dma source(%arg9 : memref<128x128xf32, #tpu.memory_space<vmem>>) target(%dma_start3A_164 : memref<10240x128xf32, #tpu.memory_space<vmem_shared>>) offsets(%dma_start3A_161 : memref<128xi32, #tpu.memory_space<vmem>>) semaphore(%run_scoped3A : memref<!tpu.dma_semaphore, #tpu.memory_space<semaphore_mem>>) {add = true}
        %dma_wait3A_165 = arith.constant 0 : i32
        %dma_wait3A_166 = tpu.memref_slice %arg7[%add3A_157, %dma_wait3A_165] : memref<40x128xi32, #tpu.memory_space<vmem>> -> memref<1x128xi32, #tpu.memory_space<vmem>>
        %dma_wait3A_167 = tpu.memref_squeeze %dma_wait3A_166 : memref<1x128xi32, #tpu.memory_space<vmem>> -> memref<128xi32, #tpu.memory_space<vmem>>
        %dma_wait3A_168 = arith.constant 0 : i32
        %dma_wait3A_169 = arith.constant 0 : i32
        %dma_wait3A_170 = tpu.memref_slice %arg10[%dma_wait3A_168, %dma_wait3A_169] : memref<10240x128xf32, #tpu.memory_space<vmem_shared>> -> memref<10240x128xf32, #tpu.memory_space<vmem_shared>>
        tpu.wait_indirect_dma semaphore(%run_scoped3A : memref<!tpu.dma_semaphore, #tpu.memory_space<semaphore_mem>>) src(%arg9 : memref<128x128xf32, #tpu.memory_space<vmem>>) dst(%dma_wait3A_170 : memref<10240x128xf32, #tpu.memory_space<vmem_shared>>)
        tpu.yield
      }) : () -> ()
      %scan3A_158 = arith.constant 0 : i32
      scf.yield %scan3A_158 : i32
    }
    %scan3A_104 = arith.constant 20 : i32
    %dma_wait3A_105 = arith.constant 0 : i32
    %dma_wait3A_106 = arith.constant 0 : i32
    %dma_wait3A_107 = tpu.memref_slice %arg6[%dma_wait3A_105, %dma_wait3A_106] : memref<40x128xi32, #tpu.memory_space<vmem>> -> memref<1x128xi32, #tpu.memory_space<vmem>>
    %dma_wait3A_108 = tpu.memref_squeeze %dma_wait3A_107 : memref<1x128xi32, #tpu.memory_space<vmem>> -> memref<128xi32, #tpu.memory_space<vmem>>
    %dma_wait3A_109 = arith.constant 0 : i32
    %dma_wait3A_110 = arith.constant 0 : i32
    %dma_wait3A_111 = tpu.memref_slice %arg2[%dma_wait3A_109, %dma_wait3A_110] : memref<10000x128xf32, #tpu.memory_space<hbm>> -> memref<10000x128xf32, #tpu.memory_space<hbm>>
    tpu.wait_indirect_dma semaphore(%arg11 : memref<!tpu.dma_semaphore, #tpu.memory_space<semaphore_mem>>) src(%dma_wait3A_111 : memref<10000x128xf32, #tpu.memory_space<hbm>>) dst(%arg8 : memref<128x128xf32, #tpu.memory_space<vmem>>)
    %barrier3A_112 = arith.constant 0 : index
    tpu.barrier barrier_id(%barrier3A_112)
    "tpu.region"() ({
      %run_scoped3A = tpu.sem_alloc : memref<!tpu.dma_semaphore, #tpu.memory_space<semaphore_mem>>
      %dma_start3A_113 = arith.constant 0 : i32
      %dma_start3A_114 = tpu.memref_slice %arg5[%arg0, %mul3A_9, %dma_start3A_113] : memref<2x10240x128xf32, #tpu.memory_space<hbm>> -> memref<1x640x128xf32, #tpu.memory_space<hbm>>
      %dma_start3A_115 = tpu.memref_squeeze %dma_start3A_114 : memref<1x640x128xf32, #tpu.memory_space<hbm>> -> memref<640x128xf32, #tpu.memory_space<hbm>>
      %dma_start3A_116 = arith.constant 0 : i32
      %dma_start3A_117 = tpu.memref_slice %arg10[%mul3A_9, %dma_start3A_116] : memref<10240x128xf32, #tpu.memory_space<vmem_shared>> -> memref<640x128xf32, #tpu.memory_space<vmem_shared>>
      tpu.enqueue_dma source(%dma_start3A_117 : memref<640x128xf32, #tpu.memory_space<vmem_shared>>) target(%dma_start3A_115 : memref<640x128xf32, #tpu.memory_space<hbm>>) target_semaphore(%run_scoped3A : memref<!tpu.dma_semaphore, #tpu.memory_space<semaphore_mem>>)
      %dma_wait3A_118 = arith.constant 0 : i32
      %dma_wait3A_119 = tpu.memref_slice %arg5[%arg0, %mul3A_9, %dma_wait3A_118] : memref<2x10240x128xf32, #tpu.memory_space<hbm>> -> memref<1x640x128xf32, #tpu.memory_space<hbm>>
      %dma_wait3A_120 = tpu.memref_squeeze %dma_wait3A_119 : memref<1x640x128xf32, #tpu.memory_space<hbm>> -> memref<640x128xf32, #tpu.memory_space<hbm>>
      %dma_wait3A_121 = arith.constant 0 : i32
      %dma_wait3A_122 = tpu.memref_slice %arg10[%mul3A_9, %dma_wait3A_121] : memref<10240x128xf32, #tpu.memory_space<vmem_shared>> -> memref<640x128xf32, #tpu.memory_space<vmem_shared>>
      tpu.wait_dma2 semaphore(%run_scoped3A : memref<!tpu.dma_semaphore, #tpu.memory_space<semaphore_mem>>) src(%dma_wait3A_122 : memref<640x128xf32, #tpu.memory_space<vmem_shared>>) dst(%dma_wait3A_120 : memref<640x128xf32, #tpu.memory_space<hbm>>)
      tpu.yield
    }) : () -> ()
    return
  }
}

module attributes {stable_mosaic.version = 14 : i64} {
  func.func @_combine_body(%arg0: i32, %arg1: memref<1000x128xf32, #tpu.memory_space<vmem>>, %arg2: memref<1x1000x128xf32, #tpu.memory_space<vmem>>, %arg3: memref<1x1000x128xf32, #tpu.memory_space<vmem>>, %arg4: memref<1x1000x128xf32, #tpu.memory_space<vmem>>, %arg5: memref<1x1000x128xf32, #tpu.memory_space<vmem>>, %arg6: memref<128x128xf32, #tpu.memory_space<vmem>>, %arg7: memref<128x128xf32, #tpu.memory_space<vmem>>, %arg8: memref<1x128xf32, #tpu.memory_space<vmem>>, %arg9: memref<1000x128xf32, #tpu.memory_space<vmem>>) attributes {dimension_semantics = [#tpu.dimension_semantics<arbitrary>], iteration_bounds = array<i64: 10>, scalar_prefetch = 0 : i64, scratch_operands = 0 : i64, tpu.core_type = #tpu.core_type<tc>, window_params = [{transform_indices = @transform_0, window_bounds = array<i64: 1000, 128>}, {transform_indices = @transform_1, window_bounds = array<i64: 1, 1000, 128>}, {transform_indices = @transform_2, window_bounds = array<i64: 1, 1000, 128>}, {transform_indices = @transform_3, window_bounds = array<i64: 1, 1000, 128>}, {transform_indices = @transform_4, window_bounds = array<i64: 1, 1000, 128>}, {pipeline_mode = #tpu.pipeline_mode<synchronous>, transform_indices = @transform_5, window_bounds = array<i64: 128, 128>}, {pipeline_mode = #tpu.pipeline_mode<synchronous>, transform_indices = @transform_6, window_bounds = array<i64: 128, 128>}, {pipeline_mode = #tpu.pipeline_mode<synchronous>, transform_indices = @transform_7, window_bounds = array<i64: 1, 128>}, {transform_indices = @transform_8, window_bounds = array<i64: 1000, 128>}]} {
    %get3A = arith.constant 0 : index
    %get3A_0 = arith.constant 0 : index
    %get3A_1 = arith.constant 0 : index
    %get3A_2 = vector.load %arg4[%get3A, %get3A_0, %get3A_1] : memref<1x1000x128xf32, #tpu.memory_space<vmem>>, vector<1x1000x1xf32>
    %get3A_3 = vector.shape_cast %get3A_2 : vector<1x1000x1xf32> to vector<1000x1xf32>
    %get3A_4 = arith.constant 0 : index
    %get3A_5 = arith.constant 0 : index
    %get3A_6 = arith.constant 0 : index
    %get3A_7 = vector.load %arg5[%get3A_4, %get3A_5, %get3A_6] : memref<1x1000x128xf32, #tpu.memory_space<vmem>>, vector<1x1000x1xf32>
    %get3A_8 = vector.shape_cast %get3A_7 : vector<1x1000x1xf32> to vector<1000x1xf32>
    %add3A = arith.addf %get3A_3, %get3A_8 : vector<1000x1xf32>
    %max3A = arith.constant 1.000000e+00 : f32
    %max3A_9 = vector.broadcast %max3A : f32 to vector<1000x1xf32>
    %max3A_10 = arith.maximumf %add3A, %max3A_9 : vector<1000x1xf32>
    %get3A_11 = arith.constant 0 : index
    %get3A_12 = arith.constant 0 : index
    %get3A_13 = arith.constant 0 : index
    %get3A_14 = vector.load %arg2[%get3A_11, %get3A_12, %get3A_13] : memref<1x1000x128xf32, #tpu.memory_space<vmem>>, vector<1x1000x128xf32>
    %get3A_15 = vector.shape_cast %get3A_14 : vector<1x1000x128xf32> to vector<1000x128xf32>
    %get3A_16 = arith.constant 0 : index
    %get3A_17 = arith.constant 0 : index
    %get3A_18 = arith.constant 0 : index
    %get3A_19 = vector.load %arg3[%get3A_16, %get3A_17, %get3A_18] : memref<1x1000x128xf32, #tpu.memory_space<vmem>>, vector<1x1000x128xf32>
    %get3A_20 = vector.shape_cast %get3A_19 : vector<1x1000x128xf32> to vector<1000x128xf32>
    %add3A_21 = arith.addf %get3A_15, %get3A_20 : vector<1000x128xf32>
    %div3A = vector.broadcast %max3A_10 : vector<1000x1xf32> to vector<1000x128xf32>
    %div3A_22 = arith.divf %add3A_21, %div3A : vector<1000x128xf32>
    %get3A_23 = arith.constant 0 : index
    %get3A_24 = arith.constant 0 : index
    %get3A_25 = vector.load %arg1[%get3A_23, %get3A_24] : memref<1000x128xf32, #tpu.memory_space<vmem>>, vector<1000x128xf32>
    %get3A_26 = arith.constant 0 : index
    %get3A_27 = arith.constant 0 : index
    %get3A_28 = vector.load %arg6[%get3A_26, %get3A_27] : memref<128x128xf32, #tpu.memory_space<vmem>>, vector<128x128xf32>
    %dot_general3A = arith.constant dense<0.000000e+00> : vector<1000x128xf32>
    %dot_general3A_29 = tpu.matmul %get3A_25, %get3A_28, %dot_general3A {dimension_numbers = #tpu.dot_dimension_numbers<[1], [0], [0], [1], [0, 0, 1, 1], [], []>, transpose_lhs_hint = false} : vector<1000x128xf32>, vector<128x128xf32>, vector<1000x128xf32> -> vector<1000x128xf32>
    %get3A_30 = arith.constant 0 : index
    %get3A_31 = arith.constant 0 : index
    %get3A_32 = vector.load %arg7[%get3A_30, %get3A_31] : memref<128x128xf32, #tpu.memory_space<vmem>>, vector<128x128xf32>
    %dot_general3A_33 = arith.constant dense<0.000000e+00> : vector<1000x128xf32>
    %dot_general3A_34 = tpu.matmul %div3A_22, %get3A_32, %dot_general3A_33 {dimension_numbers = #tpu.dot_dimension_numbers<[1], [0], [0], [1], [0, 0, 1, 1], [], []>, transpose_lhs_hint = false} : vector<1000x128xf32>, vector<128x128xf32>, vector<1000x128xf32> -> vector<1000x128xf32>
    %add3A_35 = arith.addf %dot_general3A_29, %dot_general3A_34 : vector<1000x128xf32>
    %get3A_36 = arith.constant 0 : index
    %get3A_37 = arith.constant 0 : index
    %get3A_38 = vector.load %arg8[%get3A_36, %get3A_37] : memref<1x128xf32, #tpu.memory_space<vmem>>, vector<1x128xf32>
    %add3A_39 = vector.broadcast %get3A_38 : vector<1x128xf32> to vector<1000x128xf32>
    %add3A_40 = arith.addf %add3A_35, %add3A_39 : vector<1000x128xf32>
    %max3A_41 = arith.constant 0.000000e+00 : f32
    %max3A_42 = vector.broadcast %max3A_41 : f32 to vector<1000x128xf32>
    %max3A_43 = arith.maximumf %add3A_40, %max3A_42 : vector<1000x128xf32>
    %swap3A = arith.constant 0 : index
    %swap3A_44 = arith.constant 0 : index
    %swap3A_45 = vector.load %arg9[%swap3A, %swap3A_44] : memref<1000x128xf32, #tpu.memory_space<vmem>>, vector<1000x128xf32>
    tpu.vector_store %arg9[%swap3A, %swap3A_44], %max3A_43 {strides = array<i32>} : memref<1000x128xf32, #tpu.memory_space<vmem>>, vector<1000x128xf32>,
    return
  }
  func.func @transform_0(%arg0: i32) -> (i32, i32) {
    %c0_i32 = arith.constant 0 : i32
    %c0_i32_0 = arith.constant 0 : i32
    return %arg0, %c0_i32 : i32, i32
  }
  func.func @transform_1(%arg0: i32) -> (i32, i32, i32) {
    %c0_i32 = arith.constant 0 : i32
    %c0_i32_0 = arith.constant 0 : i32
    %c0_i32_1 = arith.constant 0 : i32
    return %c0_i32, %arg0, %c0_i32_0 : i32, i32, i32
  }
  func.func @transform_2(%arg0: i32) -> (i32, i32, i32) {
    %c1_i32 = arith.constant 1 : i32
    %c0_i32 = arith.constant 0 : i32
    %c0_i32_0 = arith.constant 0 : i32
    return %c1_i32, %arg0, %c0_i32 : i32, i32, i32
  }
  func.func @transform_3(%arg0: i32) -> (i32, i32, i32) {
    %c0_i32 = arith.constant 0 : i32
    %c0_i32_0 = arith.constant 0 : i32
    %c0_i32_1 = arith.constant 0 : i32
    return %c0_i32, %arg0, %c0_i32_0 : i32, i32, i32
  }
  func.func @transform_4(%arg0: i32) -> (i32, i32, i32) {
    %c1_i32 = arith.constant 1 : i32
    %c0_i32 = arith.constant 0 : i32
    %c0_i32_0 = arith.constant 0 : i32
    return %c1_i32, %arg0, %c0_i32 : i32, i32, i32
  }
  func.func @transform_5(%arg0: i32) -> (i32, i32) {
    %c0_i32 = arith.constant 0 : i32
    %c0_i32_0 = arith.constant 0 : i32
    %c0_i32_1 = arith.constant 0 : i32
    return %c0_i32, %c0_i32_0 : i32, i32
  }
  func.func @transform_6(%arg0: i32) -> (i32, i32) {
    %c0_i32 = arith.constant 0 : i32
    %c0_i32_0 = arith.constant 0 : i32
    %c0_i32_1 = arith.constant 0 : i32
    return %c0_i32, %c0_i32_0 : i32, i32
  }
  func.func @transform_7(%arg0: i32) -> (i32, i32) {
    %c0_i32 = arith.constant 0 : i32
    %c0_i32_0 = arith.constant 0 : i32
    %c0_i32_1 = arith.constant 0 : i32
    return %c0_i32, %c0_i32_0 : i32, i32
  }
  func.func @transform_8(%arg0: i32) -> (i32, i32) {
    %c0_i32 = arith.constant 0 : i32
    %c0_i32_0 = arith.constant 0 : i32
    return %arg0, %c0_i32 : i32, i32
  }
}

module attributes {stable_mosaic.version = 14 : i64} {
  func.func @_combine_body(%arg0: i32, %arg1: memref<1000x128xf32, #tpu.memory_space<vmem>>, %arg2: memref<1x1000x128xf32, #tpu.memory_space<vmem>>, %arg3: memref<1x1000x128xf32, #tpu.memory_space<vmem>>, %arg4: memref<1x1000x128xf32, #tpu.memory_space<vmem>>, %arg5: memref<1x1000x128xf32, #tpu.memory_space<vmem>>, %arg6: memref<128x128xf32, #tpu.memory_space<vmem>>, %arg7: memref<128x128xf32, #tpu.memory_space<vmem>>, %arg8: memref<1x128xf32, #tpu.memory_space<vmem>>, %arg9: memref<1000x128xf32, #tpu.memory_space<vmem>>) attributes {dimension_semantics = [#tpu.dimension_semantics<arbitrary>], iteration_bounds = array<i64: 10>, scalar_prefetch = 0 : i64, scratch_operands = 0 : i64, tpu.core_type = #tpu.core_type<tc>, window_params = [{transform_indices = @transform_0, window_bounds = array<i64: 1000, 128>}, {transform_indices = @transform_1, window_bounds = array<i64: 1, 1000, 128>}, {transform_indices = @transform_2, window_bounds = array<i64: 1, 1000, 128>}, {transform_indices = @transform_3, window_bounds = array<i64: 1, 1000, 128>}, {transform_indices = @transform_4, window_bounds = array<i64: 1, 1000, 128>}, {pipeline_mode = #tpu.pipeline_mode<synchronous>, transform_indices = @transform_5, window_bounds = array<i64: 128, 128>}, {pipeline_mode = #tpu.pipeline_mode<synchronous>, transform_indices = @transform_6, window_bounds = array<i64: 128, 128>}, {pipeline_mode = #tpu.pipeline_mode<synchronous>, transform_indices = @transform_7, window_bounds = array<i64: 1, 128>}, {transform_indices = @transform_8, window_bounds = array<i64: 1000, 128>}]} {
    %get3A = arith.constant 0 : index
    %get3A_0 = arith.constant 0 : index
    %get3A_1 = arith.constant 0 : index
    %get3A_2 = vector.load %arg4[%get3A, %get3A_0, %get3A_1] : memref<1x1000x128xf32, #tpu.memory_space<vmem>>, vector<1x1000x1xf32>
    %get3A_3 = vector.shape_cast %get3A_2 : vector<1x1000x1xf32> to vector<1000x1xf32>
    %get3A_4 = arith.constant 0 : index
    %get3A_5 = arith.constant 0 : index
    %get3A_6 = arith.constant 0 : index
    %get3A_7 = vector.load %arg5[%get3A_4, %get3A_5, %get3A_6] : memref<1x1000x128xf32, #tpu.memory_space<vmem>>, vector<1x1000x1xf32>
    %get3A_8 = vector.shape_cast %get3A_7 : vector<1x1000x1xf32> to vector<1000x1xf32>
    %add3A = arith.addf %get3A_3, %get3A_8 : vector<1000x1xf32>
    %max3A = arith.constant 1.000000e+00 : f32
    %max3A_9 = vector.broadcast %max3A : f32 to vector<1000x1xf32>
    %max3A_10 = arith.maximumf %add3A, %max3A_9 : vector<1000x1xf32>
    %get3A_11 = arith.constant 0 : index
    %get3A_12 = arith.constant 0 : index
    %get3A_13 = arith.constant 0 : index
    %get3A_14 = vector.load %arg2[%get3A_11, %get3A_12, %get3A_13] : memref<1x1000x128xf32, #tpu.memory_space<vmem>>, vector<1x1000x128xf32>
    %get3A_15 = vector.shape_cast %get3A_14 : vector<1x1000x128xf32> to vector<1000x128xf32>
    %get3A_16 = arith.constant 0 : index
    %get3A_17 = arith.constant 0 : index
    %get3A_18 = arith.constant 0 : index
    %get3A_19 = vector.load %arg3[%get3A_16, %get3A_17, %get3A_18] : memref<1x1000x128xf32, #tpu.memory_space<vmem>>, vector<1x1000x128xf32>
    %get3A_20 = vector.shape_cast %get3A_19 : vector<1x1000x128xf32> to vector<1000x128xf32>
    %add3A_21 = arith.addf %get3A_15, %get3A_20 : vector<1000x128xf32>
    %div3A = vector.broadcast %max3A_10 : vector<1000x1xf32> to vector<1000x128xf32>
    %div3A_22 = arith.divf %add3A_21, %div3A : vector<1000x128xf32>
    %get3A_23 = arith.constant 0 : index
    %get3A_24 = arith.constant 0 : index
    %get3A_25 = vector.load %arg1[%get3A_23, %get3A_24] : memref<1000x128xf32, #tpu.memory_space<vmem>>, vector<1000x128xf32>
    %get3A_26 = arith.constant 0 : index
    %get3A_27 = arith.constant 0 : index
    %get3A_28 = vector.load %arg6[%get3A_26, %get3A_27] : memref<128x128xf32, #tpu.memory_space<vmem>>, vector<128x128xf32>
    %dot_general3A = arith.constant dense<0.000000e+00> : vector<1000x128xf32>
    %dot_general3A_29 = tpu.matmul %get3A_25, %get3A_28, %dot_general3A {dimension_numbers = #tpu.dot_dimension_numbers<[1], [0], [0], [1], [0, 0, 1, 1], [], []>, transpose_lhs_hint = false} : vector<1000x128xf32>, vector<128x128xf32>, vector<1000x128xf32> -> vector<1000x128xf32>
    %get3A_30 = arith.constant 0 : index
    %get3A_31 = arith.constant 0 : index
    %get3A_32 = vector.load %arg7[%get3A_30, %get3A_31] : memref<128x128xf32, #tpu.memory_space<vmem>>, vector<128x128xf32>
    %dot_general3A_33 = arith.constant dense<0.000000e+00> : vector<1000x128xf32>
    %dot_general3A_34 = tpu.matmul %div3A_22, %get3A_32, %dot_general3A_33 {dimension_numbers = #tpu.dot_dimension_numbers<[1], [0], [0], [1], [0, 0, 1, 1], [], []>, transpose_lhs_hint = false} : vector<1000x128xf32>, vector<128x128xf32>, vector<1000x128xf32> -> vector<1000x128xf32>
    %add3A_35 = arith.addf %dot_general3A_29, %dot_general3A_34 : vector<1000x128xf32>
    %get3A_36 = arith.constant 0 : index
    %get3A_37 = arith.constant 0 : index
    %get3A_38 = vector.load %arg8[%get3A_36, %get3A_37] : memref<1x128xf32, #tpu.memory_space<vmem>>, vector<1x128xf32>
    %add3A_39 = vector.broadcast %get3A_38 : vector<1x128xf32> to vector<1000x128xf32>
    %add3A_40 = arith.addf %add3A_35, %add3A_39 : vector<1000x128xf32>
    %swap3A = arith.constant 0 : index
    %swap3A_41 = arith.constant 0 : index
    %swap3A_42 = vector.load %arg9[%swap3A, %swap3A_41] : memref<1000x128xf32, #tpu.memory_space<vmem>>, vector<1000x128xf32>
    tpu.vector_store %arg9[%swap3A, %swap3A_41], %add3A_40 {strides = array<i32>} : memref<1000x128xf32, #tpu.memory_space<vmem>>, vector<1000x128xf32>,
    return
  }
  func.func @transform_0(%arg0: i32) -> (i32, i32) {
    %c0_i32 = arith.constant 0 : i32
    %c0_i32_0 = arith.constant 0 : i32
    return %arg0, %c0_i32 : i32, i32
  }
  func.func @transform_1(%arg0: i32) -> (i32, i32, i32) {
    %c0_i32 = arith.constant 0 : i32
    %c0_i32_0 = arith.constant 0 : i32
    %c0_i32_1 = arith.constant 0 : i32
    return %c0_i32, %arg0, %c0_i32_0 : i32, i32, i32
  }
  func.func @transform_2(%arg0: i32) -> (i32, i32, i32) {
    %c1_i32 = arith.constant 1 : i32
    %c0_i32 = arith.constant 0 : i32
    %c0_i32_0 = arith.constant 0 : i32
    return %c1_i32, %arg0, %c0_i32 : i32, i32, i32
  }
  func.func @transform_3(%arg0: i32) -> (i32, i32, i32) {
    %c0_i32 = arith.constant 0 : i32
    %c0_i32_0 = arith.constant 0 : i32
    %c0_i32_1 = arith.constant 0 : i32
    return %c0_i32, %arg0, %c0_i32_0 : i32, i32, i32
  }
  func.func @transform_4(%arg0: i32) -> (i32, i32, i32) {
    %c1_i32 = arith.constant 1 : i32
    %c0_i32 = arith.constant 0 : i32
    %c0_i32_0 = arith.constant 0 : i32
    return %c1_i32, %arg0, %c0_i32 : i32, i32, i32
  }
  func.func @transform_5(%arg0: i32) -> (i32, i32) {
    %c0_i32 = arith.constant 0 : i32
    %c0_i32_0 = arith.constant 0 : i32
    %c0_i32_1 = arith.constant 0 : i32
    return %c0_i32, %c0_i32_0 : i32, i32
  }
  func.func @transform_6(%arg0: i32) -> (i32, i32) {
    %c0_i32 = arith.constant 0 : i32
    %c0_i32_0 = arith.constant 0 : i32
    %c0_i32_1 = arith.constant 0 : i32
    return %c0_i32, %c0_i32_0 : i32, i32
  }
  func.func @transform_7(%arg0: i32) -> (i32, i32) {
    %c0_i32 = arith.constant 0 : i32
    %c0_i32_0 = arith.constant 0 : i32
    %c0_i32_1 = arith.constant 0 : i32
    return %c0_i32, %c0_i32_0 : i32, i32
  }
  func.func @transform_8(%arg0: i32) -> (i32, i32) {
    %c0_i32 = arith.constant 0 : i32
    %c0_i32_0 = arith.constant 0 : i32
    return %arg0, %c0_i32 : i32, i32
  }
}

</mosaic_0001>

<sc_bundles>
// kernel: kernel.12.cloned.1.call-start
scs
__scs_entry_jumppad:
0x0: {  	(pc) =	sbr.rel $0x88, $3  }
0x1: {  	(tag) =	ssettag $0x0;
	lr =	simm.s32 $0x1  }
0x2: {  	[smem:$0x3F96] =	sst lr;
	_ =	strace $0xD0000000  }
0x3: {  	_ = 	snop  }
0x4: {  	_ = 	snop  }
0x5: {  	_ = 	snop  }
0x6: {  	_ = 	snop  }
0x7: {  	_ = 	snop  }
__scs_overlays_trampoline_lowered:
0x8: {  	[smem:$0x3FA5] =	sst s0  }
0x9: {  	[smem:$0x3FA6] =	sst s1  }
0xa: {  	[smem:$0x3FA7] =	sst s2  }
0xb: {  	[smem:$0x3FA8] =	sst s3  }
0xc: {  	[smem:$0x3FA9] =	sst s4  }
0xd: {  	[smem:$0x3FAA] =	sst s5  }
0xe: {  	[smem:$0x3FAB] =	sst s6  }
0xf: {  	[smem:$0x3FAC] =	sst s7  }
0x10: {  	[smem:$0x3FAD] =	sst s8  }
0x11: {  	[smem:$0x3FAE] =	sst s9;
	s0 =	simm.s32 @!p0 $0x0  }
0x12: {  	s1 =	sld [smem:$0x3F94];
	s0 =	simm.s32 @p0 $0x1  }
0x13: {  	[smem:$0x3FAF] =	sst s0;
	s0 =	simm.s32 @!p1 $0x0  }
0x14: {  	s2 =	sld [smem:$0x3F93];
	s0 =	simm.s32 @p1 $0x1  }
0x15: {  	[smem:$0x3FB0] =	sst s0;
	s0 =	simm.s32 @!p2 $0x0  }
0x16: {  	s3 =	sld [smem:$0x3FDB];
	s0 =	simm.s32 @p2 $0x1  }
0x17: {  	s4 =	simm.s32 $0x1BF5;
	[smem:$0x3FB2] =	sst s0  }
0x18: {  	s0 =	sld [smem:$0x3F95];
	_ =	swait.ge [sflag:s4], $0x0  }
0x19: {  	s7 =	sld [smem:$0x3F96]  }
0x1a: {  	s8 =	sadd.s32 $0xFFFFE003, lr  }
0x1b: {  	s9 =	sadd.s32 $0xFFFFFEF7, lr;
	s5 =	simm.s32 $0xFFFFFFFF;
	p2 =	slt.u32 s8, $0xFFFFF086  }
0x1c: {  	p1 =	slt.u32 s9, $0xF7A;
	s5 =	simm.s32 @!p2 $0x0  }
0x1d: {  	s5 =	simm.s32 @p1 $0x1;
	p0 =	seq.s32 s7, s2  }
0x1e: {  	s7 =	smul.u32 @!p0 $0xF7A, s2;
	p2 =	seq.s32 @!p0 s5, $0x0  }
0x1f: {  	s9 =	smul.u32 $0xF7A, s1;
	s8 =	simm.s32 @!p0 $0x1BF5;
	p2 =	por !p2, p0  }
0x20: {  	[sflag:s8] =	ssyncset.s32 @!p0 $0xFFFFF086;
	s6 =	sadd.s32 @!p0 s3, s7;
	s7 =	simm.s32 @!p0 $0x108  }
0x21: {  	s3 =	sadd.s32 s3, s9;
	s6 =	sadd.s32 @!p0 $0x88, s6;
	s7 =	simm.s32 @p2 $0x1082  }
0x22: {  	[simem:s7], [sflag:s8] =	dma.local @!p0 [hbm:s6], $0xF7A  }
0x23: {  	s9 =	sor.u32 $0xD0000000, s2;
	s6 =	simm.s32 $0x108;
	_ =	swait.ge @!p0 [sflag:s8], $0x0  }
0x24: {  	s3 =	sadd.s32 $0x88, s3;
	s6 =	simm.s32 @!p1 $0x1082;
	[sflag:s4] =	ssyncset.s32 $0xFFFFF086  }
0x25: {  	[simem:s6], [sflag:s4] =	dma.local [hbm:s3], $0xF7A  }
0x26: {  	[smem:$0x3F96] =	sst s1;
	(tag) =	ssettag s2;
	_ =	strace s9  }
0x27: {  	s1 =	sld [smem:$0x3FA6]  }
0x28: {  	s2 =	sld [smem:$0x3FA7]  }
0x29: {  	s4 =	sld [smem:$0x3FA9]  }
0x2a: {  	p0 =	seq.s32 s5, $0x0;
	s5 =	sld [smem:$0x3FAA]  }
0x2b: {  	s6 =	sld [smem:$0x3FAB]  }
0x2c: {  	s7 =	sld [smem:$0x3FAC]  }
0x2d: {  	s3 =	simm.s32 $0x108;
	s8 =	sld [smem:$0x3FAD]  }
0x2e: {  	s3 =	simm.s32 @!p0 $0x1082;
	s9 =	sld [smem:$0x3FAE]  }
0x2f: {  	lr =	sadd.s32 s0, s3;
	s0 =	sld [smem:$0x3FA5]  }
0x30: {  	s3 =	sld [smem:$0x3FA8]  }
0x31: {  	[smem:$0x3FB1] =	sst s10  }
0x32: {  	s10 =	sld [smem:$0x3FAF];
	_ =	sdelay $0x3  }
0x33: {  	p0 =	seq.s32 s10, $0x1;
	s10 =	sld [smem:$0x3FB1];
	_ =	sdelay $0x3  }
0x34: {  	[smem:$0x3FB1] =	sst s10  }
0x35: {  	s10 =	sld [smem:$0x3FB0];
	_ =	sdelay $0x3  }
0x36: {  	p1 =	seq.s32 s10, $0x1;
	s10 =	sld [smem:$0x3FB1];
	_ =	sdelay $0x3  }
0x37: {  	[smem:$0x3FB1] =	sst s10  }
0x38: {  	s10 =	sld [smem:$0x3FB2]  }
0x39: {  	_ = 	snop;
	(pc) =	sbr.ind lr, $3  }
0x3a: {  	_ = 	snop  }
0x3b: {  	_ = 	snop  }
0x3c: {  	p2 =	seq.s32 s10, $0x1;
	s10 =	sld [smem:$0x3FB1]  }
0x3d: {  	_ =	shalt  }
0x3e: {  	_ =	shalt  }
0x3f: {  	_ =	shalt  }
0x40: {  	_ =	shalt  }
0x41: {  	_ =	shalt  }
0x42: {  	_ =	shalt  }
0x43: {  	_ =	shalt  }
0x44: {  	_ =	shalt  }
0x45: {  	_ =	shalt  }
0x46: {  	_ =	shalt  }
0x47: {  	_ =	shalt  }
0x48: {  	_ =	shalt  }
0x49: {  	_ =	shalt  }
0x4a: {  	_ =	shalt  }
0x4b: {  	_ =	shalt  }
0x4c: {  	_ =	shalt  }
0x4d: {  	_ =	shalt  }
0x4e: {  	_ =	shalt  }
0x4f: {  	_ =	shalt  }
0x50: {  	_ =	shalt  }
0x51: {  	_ =	shalt  }
0x52: {  	_ =	shalt  }
0x53: {  	_ =	shalt  }
0x54: {  	_ =	shalt  }
0x55: {  	_ =	shalt  }
0x56: {  	_ =	shalt  }
0x57: {  	_ =	shalt  }
0x58: {  	_ =	shalt  }
0x59: {  	_ =	shalt  }
0x5a: {  	_ =	shalt  }
0x5b: {  	_ =	shalt  }
0x5c: {  	_ =	shalt  }
0x5d: {  	_ =	shalt  }
0x5e: {  	_ =	shalt  }
0x5f: {  	_ =	shalt  }
0x60: {  	_ =	shalt  }
0x61: {  	_ =	shalt  }
0x62: {  	_ =	shalt  }
0x63: {  	_ =	shalt  }
0x64: {  	_ =	shalt  }
0x65: {  	_ =	shalt  }
0x66: {  	_ =	shalt  }
0x67: {  	_ =	shalt  }
0x68: {  	_ =	shalt  }
0x69: {  	_ =	shalt  }
0x6a: {  	_ =	shalt  }
0x6b: {  	_ =	shalt  }
0x6c: {  	_ =	shalt  }
0x6d: {  	_ =	shalt  }
0x6e: {  	_ =	shalt  }
0x6f: {  	_ =	shalt  }
0x70: {  	_ =	shalt  }
0x71: {  	_ =	shalt  }
0x72: {  	_ =	shalt  }
0x73: {  	_ =	shalt  }
0x74: {  	_ =	shalt  }
0x75: {  	_ =	shalt  }
0x76: {  	_ =	shalt  }
0x77: {  	_ =	shalt  }
0x78: {  	_ =	shalt  }
0x79: {  	_ =	shalt  }
0x7a: {  	_ =	shalt  }
0x7b: {  	_ =	shalt  }
0x7c: {  	_ =	shalt  }
0x7d: {  	_ =	shalt  }
0x7e: {  	_ =	shalt  }
0x7f: {  	_ =	shalt  }
0x80: {  	_ =	shalt  }
0x81: {  	_ =	shalt  }
0x82: {  	_ =	shalt  }
0x83: {  	_ =	shalt  }
0x84: {  	_ =	shalt  }
0x85: {  	_ =	shalt  }
0x86: {  	_ =	shalt  }
0x87: {  	_ =	shalt  }
.Lfunc_end0:
.L_simem_size_0:
called_computation.1_lowered:
.L_overlay_start_0:
0x88: {  	s2 =	sld [smem:$0x3FD9]  }
0x89: {  	s3 =	sld [smem:$0x3FFE];
	_ =	sdelay $0x1  }
0x8a: {  	s1 =	srdreg.scid  }
0x8b: {  	s0 =	sand.u32 $0x1, s1  }
0x8c: {  	s17 =	sshll.u32 s0, $0xA;
	s2 =	sadd.s32 s3, s2  }
0x8d: {  	s2 =	sadd.s32 s2, s17  }
0x8e: {  	[smem:$0x3FBD] =	sst s2  }
0x8f: {  	_ = 	snop  }
0x90: {  	s2 =	sld [smem:$0x3FC9];
	(tm) =	ssettm $0x1  }
0x91: {  	s18 =	sld [smem:$0x3FFB];
	_ =	sdelay $0x3  }
0x92: {  	_ =	strace s18  }
0x93: {  	s3 =	sld [smem:$0x3FFC];
	_ =	sdelay $0x3  }
0x94: {  	_ =	strace s3  }
0x95: {  	s3 =	sld [smem:$0x3FFD];
	_ =	sdelay $0x3  }
0x96: {  	_ =	strace s3  }
0x97: {  	_ =	strace $0x8FFFFFFF  }
0x98: {  	s19 =	sld [smem:$0x3FDB];
	_ =	sdelay $0x1  }
0x99: {  	s4 =	simm.s32 $_scs_section_size  }
0x9a: {  	s5 =	simm.s32 $_size__tile_overlayer_lowered;
	s6 =	simm.s32 $_tile_overlayer_lowered  }
0x9b: {  	s22 =	simm.s32 $0x1BFF;
	s21 =	sshll.u32 s6, $0x1;
	s3 =	sadd.s32 s4, s19  }
0x9c: {  	s7 =	simm.s32 $0x0;
	s20 =	sshll.u32 s5, $0x1;
	s5 =	sadd.s32 s21, s3  }
0x9d: {  	[timem:s7], [sflag:s22] =	dma.local [hbm:s5], s20  }
0x9e: {  	_ =	swait.ge [sflag:s22], s20  }
0x9f: {  	s4 =	ssub.s32 $0x0, s20;
	[sflag:s22] =	ssyncset.done $0x0  }
0xa0: {  	[sflag:s22] =	ssyncadd.s32 s4;
	_ =	sdelay $0x1  }
0xa1: {  	s23 =	simm.s32 $0x1B8B  }
0xa2: {  	_ =	swait.ge [sflag:s23], $0x1  }
0xa3: {  	[sflag:s23] =	ssyncset.done $0x0  }
0xa4: {  	s25 =	simm.s32 $0x1B8E;
	s24 =	sld [smem:$0x3FFE];
	[sflag:s23] =	ssyncadd.s32 $0xFFFFFFFF  }
0xa5: {  	s26 =	simm.s32 $execute0_lowered;
	[smem:$0x3FD2] =	sst s25  }
0xa6: {  	s5 =	sshll.u32 s26, $0x1;
	_ =	strace $0x80000046;
	[dreg:$0x1] =	wrdreg $0xFFFFFFFF  }
0xa7: {  	s28 =	simm.s32 $_size_execute0_lowered;
	s3 =	sadd.s32 s3, s5;
	[dreg:$0x0] =	wrdreg $0x0  }
0xa8: {  	s5 =	sshll.u32 s28, $0x1;
	[dreg:$0x2] =	wrdreg s3  }
0xa9: {  	[dreg:$0x3] =	wrdreg s5  }
0xaa: {  	[dreg:$0x4] =	wrdreg $0xC0  }
0xab: {  	_ =	task [dreg:s7], $0x5FFFF  }
0xac: {  	[dreg:$0x1] =	wrdreg $0xFFFFFFFF  }
0xad: {  	[dreg:$0x0] =	wrdreg $0x60  }
0xae: {  	[dreg:$0x2] =	wrdreg s2  }
0xaf: {  	[dreg:$0x3] =	wrdreg s24  }
0xb0: {  	[dreg:$0x4] =	wrdreg $0xA8000  }
0xb1: {  	[dreg:$0x5] =	wrdreg $0xA  }
0xb2: {  	_ =	task.clear_ibuf [dreg:s7], $0x6FFFF;
	_ =	strace $0x90000046  }
0xb3: {  	s29 =	simm.s32 $0xA;
	_ =	strace $0x80000048  }
0xb4: {  	_ =	swait.ge [sflag:s29], $0x1  }
0xb5: {  	[sflag:s29] =	ssyncadd.s32 $0xFFFFFFFF  }
0xb6: {  	_ =	strace $0x90000048  }
0xb7: {  	_ =	sfence  }
0xb8: {  	s30 =	sld [smem:$0x0];
	_ =	sdelay $0x2  }
0xb9: {  	s31 =	sshll.u32 s1, $0xD;
	s1 =	sshrl.u32 s1, $0x2  }
0xba: {  	s3 =	sand.u32 $0x4000, s31;
	s1 =	sadd.s32 s1, s30  }
0xbb: {  	s0 =	sor.u32 s3, s0;
	s1 =	sshll.u32 s1, $0x11  }
0xbc: {  	s0 =	sor.u32 s1, s0  }
0xbd: {  	s0 =	sadd.s32 $0x8F2B, s0  }
0xbe: {  	[sflag:s0] =	ssyncadd.remote.s32 $0x1  }
0xbf: {  	_ =	sfence.sel $0xFFFF  }
0xc0: {  	[dreg:$0x0] =	wrdreg $0xFFFFFFFF;
	(pc) =	sbr.abs _section_cstart, $3  }
0xc1: {  	[dreg:$0x1] =	wrdreg $0xFFFFFFFF  }
0xc2: {  	_ =	task.clear_ibuf [dreg:s7], $0x2FFFF;
	_ =	strace $0x9FFFFFFF  }
0xc3: {  	(tm) =	ssettm $0x7FFFFFFF  }
tec
execute0_lowered:
.L_overlay_start_1:
0x0: {  	(tag) =	ssettag $0x1  }
0x1: {  	s0 =	rddreg [dreg:$0x0]  }
0x2: {  	s5 =	rddreg [dreg:$0x1];
	s1 =	srdreg.scid  }
0x3: {  	s3 =	rddreg [dreg:$0x2];
	s2 =	stileid.u32  }
0x4: {  	s4 =	simm.s32 $0x0;
	s17 =	simm.s32 $0x3;
	s18 =	simm.s32 $0x1400  }
0x5: {  	s19 =	simm.s32 $0x1;
	s20 =	simm.s32 $0x80;
	s21 =	simm.s32 $0x6800  }
0x6: {  	s22 =	simm.s32 $0x2;
	s23 =	simm.s32 $0x1380;
	s24 =	simm.s32 $0x2700  }
0x7: {  	s25 =	simm.s32 $0x2780;
	s6 =	sand.u32 $0x1, s1;
	s1 =	rddreg [dreg:$0x3]  }
0x8: {  	s26 =	simm.s32 $0x0;
	s8 =	smul.u32 $0x14000, s2;
	[smem:$0x7FF] =	sst s4  }
0x9: {  	s12 =	sadd.s32 $0x3200, s5;
	s13 =	sadd.s32 $0xD200, s5;
	s28 =	smul.u32 $0x50000, s2  }
0xa: {  	s7 =	smul.u32 $0x140000, s6;
	s29 =	ssub.s32 $0x2, s6;
	s6 =	sshll.u32 s6, $0x4  }
0xb: {  	_ =	strace $0x80000047;
	s30 =	sshrl.u32 s29, $0x1;
	s9 =	sor.u32 s2, s6  }
0xc: {  	s31 =	sshrl.u32 s28, $0x2;
	s7 =	sadd.s32 s8, s7;
	s10 =	smul.u32 $0x2800, s9  }
0xd: {  	s15 =	ssub.s32 s29, s30;
	s11 =	smul.u32 $0x500, s9;
	s7 =	sshrl.u32 s7, $0x3  }
0xe: {  	s15 =	smax.u32 s15, $0x1;
	s14 =	sadd.s32 s7, s5;
	s5 =	sadd.s32 s31, s3  }
0xf: {  	s16 =	sshrl.u32 s10, $0x3;
	s10 =	sadd.s32 s12, s11;
	s11 =	sadd.s32 s13, s11  }
0x10: {  	s6 =	sadd.s32 $0x4000, s5;
	s7 =	sadd.s32 $0x8000, s5;
	s8 =	sadd.s32 $0xC000, s5  }
0x11: {  	s9 =	sadd.s32 $0x10000, s5;
	s16 =	sadd.s32 $0x280, s16;
	s14 =	sadd.s32 $0x17200, s14  }
0x12: {  	v0 =	vimm.f32 $0.0e+00;
	s12 =	sadd.s32 s12, s16;
	s13 =	sadd.s32 s13, s16;
	s16 =	simm.s32 $0x2800  }
.LBB2_1:
0x13: {  	s28 =	simm.s32 $0x0;
	s29 =	simm.s32 $0x200  }
.LBB2_2:
0x14: {  	p0 =	sne.s32 s29, $0xFE00;
	[tilespmem:s28+$0x2870] =	vst v0  }
0x15: {  	[tilespmem:s28+$0x2800] =	vst v0  }
0x16: {  	[tilespmem:s28+$0x2810] =	vst v0  }
.Ltmp0:
0x17: {  	[tilespmem:s28+$0x2820] =	vst v0;
	(pc) =	sbr.rel @p0 .LBB2_2-.Ltmp0, $4  }
0x18: {  	[tilespmem:s28+$0x2830] =	vst v0  }
0x19: {  	[tilespmem:s28+$0x2840] =	vst v0  }
0x1a: {  	[tilespmem:s28+$0x2850] =	vst v0  }
0x1b: {  	[tilespmem:s28+$0x2860] =	vst v0;
	s28 =	sshra.s32 s29, $0x2;
	s29 =	sadd.s32 $0x200, s29  }
0x1c: {  	[tilespmem:s28+$0x2870] =	vst v0  }
0x1d: {  	[tilespmem:s28+$0x2800] =	vst v0  }
0x1e: {  	[tilespmem:s28+$0x2810] =	vst v0  }
0x1f: {  	[tilespmem:s28+$0x2820] =	vst v0  }
0x20: {  	[tilespmem:s28+$0x2830] =	vst v0  }
0x21: {  	[tilespmem:s28+$0x2840] =	vst v0  }
0x22: {  	[tilespmem:s28+$0x2850] =	vst v0  }
0x23: {  	[tilespmem:s28+$0x2860] =	vst v0  }
0x24: {  	[spmem:s5] =	stream.linear.scatter [tilespmem:s16], [sflag:$0x1], $0x4000, $0x38;
	[tilespmem:$0x1E800] =	vst v63  }
0x25: {  	_ = 	snop  }
0x26: {  	[spmem:s6] =	stream.linear.scatter [tilespmem:s16], [sflag:$0x1], $0x4000, $0x38;
	[tilespmem:$0x1E800] =	vst v63  }
0x27: {  	_ = 	snop  }
0x28: {  	[spmem:s7] =	stream.linear.scatter [tilespmem:s16], [sflag:$0x1], $0x4000, $0x38;
	[tilespmem:$0x1E800] =	vst v63  }
0x29: {  	_ = 	snop  }
0x2a: {  	[spmem:s8] =	stream.linear.scatter [tilespmem:s16], [sflag:$0x1], $0x4000, $0x38;
	[tilespmem:$0x1E800] =	vst v63  }
0x2b: {  	_ = 	snop  }
0x2c: {  	[spmem:s9] =	stream.linear.scatter [tilespmem:s16], [sflag:$0x1], $0x4000, $0x38;
	[tilespmem:$0x1E800] =	vst v63  }
0x2d: {  	s28 =	simm.s32 $0x0  }
0x2e: {  	[tilespmem:s28], [sflag:$0x3] =	stream.linear.gather [hbm4b:s10+s28], $0x1400, $0x38;
	[tilespmem:$0x1E800] =	vst v63  }
0x2f: {  	_ =	swait.ge [sflag:s17], $0x1400  }
0x30: {  	[sflag:s17] =	ssyncset.done $0x0  }
0x31: {  	[sflag:s17] =	ssyncadd.s32 $0xFFFFEC00  }
0x32: {  	[tilespmem:s18], [sflag:$0x3] =	stream.linear.gather [hbm4b:s11+s28], $0x1400, $0x38;
	[tilespmem:$0x1E800] =	vst v63  }
0x33: {  	_ =	swait.ge [sflag:s17], $0x1400  }
0x34: {  	[sflag:s17] =	ssyncset.done $0x0  }
0x35: {  	[sflag:s17] =	ssyncadd.s32 $0xFFFFEC00  }
0x36: {  	_ =	swait.ge [sflag:s19], $0x4000  }
0x37: {  	[sflag:s19] =	ssyncset.done $0x0  }
0x38: {  	[sflag:s19] =	ssyncadd.s32 $0xFFFFC000  }
0x39: {  	_ =	swait.ge [sflag:s19], $0x4000  }
0x3a: {  	[sflag:s19] =	ssyncset.done $0x0  }
0x3b: {  	[sflag:s19] =	ssyncadd.s32 $0xFFFFC000  }
0x3c: {  	_ =	swait.ge [sflag:s19], $0x4000  }
0x3d: {  	[sflag:s19] =	ssyncset.done $0x0  }
0x3e: {  	[sflag:s19] =	ssyncadd.s32 $0xFFFFC000  }
0x3f: {  	_ =	swait.ge [sflag:s19], $0x4000  }
0x40: {  	[sflag:s19] =	ssyncset.done $0x0  }
0x41: {  	[sflag:s19] =	ssyncadd.s32 $0xFFFFC000  }
0x42: {  	_ =	swait.ge [sflag:s19], $0x4000  }
0x43: {  	[sflag:s19] =	ssyncset.done $0x0  }
0x44: {  	[sflag:s19] =	ssyncadd.s32 $0xFFFFC000  }
0x45: {  	[bflag:$0x0] =	sbarrier.arrive $0xFFFF  }
0x46: {  	[tilespmem:s16], [sflag:$0x1] =	stream.indirect.gather [hbm4b:s0+s20], $0x80, s28, s20, $0xb8;
	[tilespmem:$0x1E800] =	vst v63  }
0x47: {  	_ =	swait.ge [sflag:s19], $0x4000  }
0x48: {  	[sflag:s19] =	ssyncset.done $0x0  }
0x49: {  	s28 =	simm.s32 $0x80;
	[sflag:s19] =	ssyncadd.s32 $0xFFFFC000  }
0x4a: {  	[tilespmem:s21], [sflag:$0x2] =	stream.indirect.gather [hbm4b:s0+s20], $0x80, s28, s20, $0xb8;
	[tilespmem:$0x1E800] =	vst v63  }
0x4b: {  	s28 =	simm.s32 $0x1400  }
0x4c: {  	[spmem:s3] =	stream.indirect.scatter.add.f32 [tilespmem:s16], [sflag:$0x3], $0x80, s28, s20, $0xb8;
	[tilespmem:$0x1E800] =	vst v63  }
0x4d: {  	_ =	swait.ge [sflag:s17], $0x4000  }
0x4e: {  	[sflag:s17] =	ssyncset.done $0x0  }
0x4f: {  	[sflag:s17] =	ssyncadd.s32 $0xFFFFC000  }
0x50: {  	_ =	swait.ge [sflag:s22], $0x4000  }
0x51: {  	[sflag:s22] =	ssyncset.done $0x0  }
0x52: {  	s28 =	simm.s32 $0x100;
	[sflag:s22] =	ssyncadd.s32 $0xFFFFC000  }
0x53: {  	[tilespmem:s16], [sflag:$0x1] =	stream.indirect.gather [hbm4b:s0+s20], $0x80, s28, s20, $0xb8;
	[tilespmem:$0x1E800] =	vst v63  }
0x54: {  	s28 =	simm.s32 $0x1480  }
0x55: {  	[spmem:s3] =	stream.indirect.scatter.add.f32 [tilespmem:s21], [sflag:$0x3], $0x80, s28, s20, $0xb8;
	[tilespmem:$0x1E800] =	vst v63  }
0x56: {  	_ =	swait.ge [sflag:s17], $0x4000  }
0x57: {  	s28 =	simm.s32 $0x400;
	[sflag:s17] =	ssyncset.done $0x0  }
.LBB2_4:
0x58: {  	p0 =	sne.s32 s28, $0x4800  }
0x59: {  	[sflag:s17] =	ssyncadd.s32 $0xFFFFC000;
	s29 =	smov.u32 s28;
	s28 =	sadd.s32 $0x400, s28  }
0x5a: {  	_ = 	snop  }
0x5b: {  	_ =	swait.ge [sflag:s19], $0x4000  }
0x5c: {  	s29 =	sshra.s32 s29, $0x2;
	[sflag:s19] =	ssyncset.done $0x0  }
0x5d: {  	s30 =	sadd.s32 $0x80, s29;
	[sflag:s19] =	ssyncadd.s32 $0xFFFFC000  }
0x5e: {  	[tilespmem:s21], [sflag:$0x2] =	stream.indirect.gather [hbm4b:s0+s20], $0x80, s30, s20, $0xb8;
	[tilespmem:$0x1E800] =	vst v63  }
0x5f: {  	s30 =	sadd.s32 $0x1400, s29  }
0x60: {  	[spmem:s3] =	stream.indirect.scatter.add.f32 [tilespmem:s16], [sflag:$0x3], $0x80, s30, s20, $0xb8;
	[tilespmem:$0x1E800] =	vst v63  }
0x61: {  	_ =	swait.ge [sflag:s17], $0x4000  }
0x62: {  	[sflag:s17] =	ssyncset.done $0x0  }
0x63: {  	[sflag:s17] =	ssyncadd.s32 $0xFFFFC000  }
0x64: {  	_ =	swait.ge [sflag:s22], $0x4000  }
0x65: {  	[sflag:s22] =	ssyncset.done $0x0  }
0x66: {  	s30 =	sadd.s32 $0x100, s29;
	[sflag:s22] =	ssyncadd.s32 $0xFFFFC000  }
0x67: {  	[tilespmem:s16], [sflag:$0x1] =	stream.indirect.gather [hbm4b:s0+s20], $0x80, s30, s20, $0xb8;
	[tilespmem:$0x1E800] =	vst v63  }
.Ltmp1:
0x68: {  	_ = 	snop;
	(pc) =	sbr.rel @p0 .LBB2_4-.Ltmp1, $4  }
0x69: {  	s29 =	sadd.s32 $0x1480, s29  }
0x6a: {  	[spmem:s3] =	stream.indirect.scatter.add.f32 [tilespmem:s21], [sflag:$0x3], $0x80, s29, s20, $0xb8;
	[tilespmem:$0x1E800] =	vst v63  }
0x6b: {  	_ =	swait.ge [sflag:s17], $0x4000  }
0x6c: {  	[sflag:s17] =	ssyncset.done $0x0  }
0x6d: {  	[sflag:s17] =	ssyncadd.s32 $0xFFFFC000  }
0x6e: {  	_ =	swait.ge [sflag:s19], $0x4000  }
0x6f: {  	[sflag:s19] =	ssyncset.done $0x0  }
0x70: {  	[sflag:s19] =	ssyncadd.s32 $0xFFFFC000  }
0x71: {  	[tilespmem:s21], [sflag:$0x2] =	stream.indirect.gather [hbm4b:s0+s20], $0x80, s23, s20, $0xb8;
	[tilespmem:$0x1E800] =	vst v63  }
0x72: {  	_ = 	snop  }
0x73: {  	[spmem:s3] =	stream.indirect.scatter.add.f32 [tilespmem:s16], [sflag:$0x3], $0x80, s24, s20, $0xb8;
	[tilespmem:$0x1E800] =	vst v63  }
0x74: {  	_ =	swait.ge [sflag:s17], $0x4000  }
0x75: {  	[sflag:s17] =	ssyncset.done $0x0  }
0x76: {  	[sflag:s17] =	ssyncadd.s32 $0xFFFFC000  }
0x77: {  	_ =	swait.ge [sflag:s22], $0x4000  }
0x78: {  	[sflag:s22] =	ssyncset.done $0x0  }
0x79: {  	s28 =	simm.s32 $0x0;
	[sflag:s22] =	ssyncadd.s32 $0xFFFFC000  }
0x7a: {  	[tilespmem:s16], [sflag:$0x1] =	stream.indirect.gather [hbm4b:s0+s20], $0x80, s28, s20, $0xb8;
	[tilespmem:$0x1E800] =	vst v63  }
0x7b: {  	_ = 	snop  }
0x7c: {  	[spmem:s3] =	stream.indirect.scatter.add.f32 [tilespmem:s21], [sflag:$0x3], $0x80, s25, s20, $0xb8;
	[tilespmem:$0x1E800] =	vst v63  }
0x7d: {  	_ =	swait.ge [sflag:s17], $0x4000  }
0x7e: {  	[sflag:s17] =	ssyncset.done $0x0  }
0x7f: {  	[sflag:s17] =	ssyncadd.s32 $0xFFFFC000  }
0x80: {  	_ =	swait.ge [sflag:s19], $0x4000  }
0x81: {  	[sflag:s19] =	ssyncset.done $0x0  }
0x82: {  	[sflag:s19] =	ssyncadd.s32 $0xFFFFC000  }
0x83: {  	[tilespmem:s28], [sflag:$0x3] =	stream.linear.gather [hbm4b:s12+s28], $0x1400, $0x38;
	[tilespmem:$0x1E800] =	vst v63  }
0x84: {  	_ =	swait.ge [sflag:s17], $0x1400  }
0x85: {  	[sflag:s17] =	ssyncset.done $0x0  }
0x86: {  	[sflag:s17] =	ssyncadd.s32 $0xFFFFEC00  }
0x87: {  	[tilespmem:s18], [sflag:$0x3] =	stream.linear.gather [hbm4b:s13+s28], $0x1400, $0x38;
	[tilespmem:$0x1E800] =	vst v63  }
0x88: {  	_ =	swait.ge [sflag:s17], $0x1400  }
0x89: {  	[sflag:s17] =	ssyncset.done $0x0  }
0x8a: {  	[sflag:s17] =	ssyncadd.s32 $0xFFFFEC00  }
0x8b: {  	[tilespmem:s16], [sflag:$0x1] =	stream.indirect.gather [hbm4b:s0+s20], $0x80, s28, s20, $0xb8;
	[tilespmem:$0x1E800] =	vst v63  }
0x8c: {  	_ =	swait.ge [sflag:s19], $0x4000  }
0x8d: {  	[sflag:s19] =	ssyncset.done $0x0  }
0x8e: {  	s28 =	simm.s32 $0x80;
	[sflag:s19] =	ssyncadd.s32 $0xFFFFC000  }
0x8f: {  	[tilespmem:s21], [sflag:$0x2] =	stream.indirect.gather [hbm4b:s0+s20], $0x80, s28, s20, $0xb8;
	[tilespmem:$0x1E800] =	vst v63  }
0x90: {  	s28 =	simm.s32 $0x1400  }
0x91: {  	[spmem:s3] =	stream.indirect.scatter.add.f32 [tilespmem:s16], [sflag:$0x3], $0x80, s28, s20, $0xb8;
	[tilespmem:$0x1E800] =	vst v63  }
0x92: {  	_ =	swait.ge [sflag:s17], $0x4000  }
0x93: {  	[sflag:s17] =	ssyncset.done $0x0  }
0x94: {  	[sflag:s17] =	ssyncadd.s32 $0xFFFFC000  }
0x95: {  	_ =	swait.ge [sflag:s22], $0x4000  }
0x96: {  	[sflag:s22] =	ssyncset.done $0x0  }
0x97: {  	s28 =	simm.s32 $0x100;
	[sflag:s22] =	ssyncadd.s32 $0xFFFFC000  }
0x98: {  	[tilespmem:s16], [sflag:$0x1] =	stream.indirect.gather [hbm4b:s0+s20], $0x80, s28, s20, $0xb8;
	[tilespmem:$0x1E800] =	vst v63  }
0x99: {  	s28 =	simm.s32 $0x1480  }
0x9a: {  	[spmem:s3] =	stream.indirect.scatter.add.f32 [tilespmem:s21], [sflag:$0x3], $0x80, s28, s20, $0xb8;
	[tilespmem:$0x1E800] =	vst v63  }
0x9b: {  	_ =	swait.ge [sflag:s17], $0x4000  }
0x9c: {  	s28 =	simm.s32 $0x400;
	[sflag:s17] =	ssyncset.done $0x0  }
.LBB2_6:
0x9d: {  	p0 =	sne.s32 s28, $0x4800  }
0x9e: {  	[sflag:s17] =	ssyncadd.s32 $0xFFFFC000;
	s29 =	smov.u32 s28;
	s28 =	sadd.s32 $0x400, s28  }
0x9f: {  	_ = 	snop  }
0xa0: {  	_ =	swait.ge [sflag:s19], $0x4000  }
0xa1: {  	s29 =	sshra.s32 s29, $0x2;
	[sflag:s19] =	ssyncset.done $0x0  }
0xa2: {  	s30 =	sadd.s32 $0x80, s29;
	[sflag:s19] =	ssyncadd.s32 $0xFFFFC000  }
0xa3: {  	[tilespmem:s21], [sflag:$0x2] =	stream.indirect.gather [hbm4b:s0+s20], $0x80, s30, s20, $0xb8;
	[tilespmem:$0x1E800] =	vst v63  }
0xa4: {  	s30 =	sadd.s32 $0x1400, s29  }
0xa5: {  	[spmem:s3] =	stream.indirect.scatter.add.f32 [tilespmem:s16], [sflag:$0x3], $0x80, s30, s20, $0xb8;
	[tilespmem:$0x1E800] =	vst v63  }
0xa6: {  	_ =	swait.ge [sflag:s17], $0x4000  }
0xa7: {  	[sflag:s17] =	ssyncset.done $0x0  }
0xa8: {  	[sflag:s17] =	ssyncadd.s32 $0xFFFFC000  }
0xa9: {  	_ =	swait.ge [sflag:s22], $0x4000  }
0xaa: {  	[sflag:s22] =	ssyncset.done $0x0  }
0xab: {  	s30 =	sadd.s32 $0x100, s29;
	[sflag:s22] =	ssyncadd.s32 $0xFFFFC000  }
0xac: {  	[tilespmem:s16], [sflag:$0x1] =	stream.indirect.gather [hbm4b:s0+s20], $0x80, s30, s20, $0xb8;
	[tilespmem:$0x1E800] =	vst v63  }
.Ltmp2:
0xad: {  	_ = 	snop;
	(pc) =	sbr.rel @p0 .LBB2_6-.Ltmp2, $4  }
0xae: {  	s29 =	sadd.s32 $0x1480, s29  }
0xaf: {  	[spmem:s3] =	stream.indirect.scatter.add.f32 [tilespmem:s21], [sflag:$0x3], $0x80, s29, s20, $0xb8;
	[tilespmem:$0x1E800] =	vst v63  }
0xb0: {  	_ =	swait.ge [sflag:s17], $0x4000  }
0xb1: {  	[sflag:s17] =	ssyncset.done $0x0  }
0xb2: {  	[sflag:s17] =	ssyncadd.s32 $0xFFFFC000  }
0xb3: {  	_ =	swait.ge [sflag:s19], $0x4000  }
0xb4: {  	[sflag:s19] =	ssyncset.done $0x0  }
0xb5: {  	[sflag:s19] =	ssyncadd.s32 $0xFFFFC000  }
0xb6: {  	[tilespmem:s21], [sflag:$0x2] =	stream.indirect.gather [hbm4b:s0+s20], $0x80, s23, s20, $0xb8;
	[tilespmem:$0x1E800] =	vst v63  }
0xb7: {  	_ = 	snop  }
0xb8: {  	[spmem:s3] =	stream.indirect.scatter.add.f32 [tilespmem:s16], [sflag:$0x3], $0x80, s24, s20, $0xb8;
	[tilespmem:$0x1E800] =	vst v63  }
0xb9: {  	_ =	swait.ge [sflag:s17], $0x4000  }
0xba: {  	[sflag:s17] =	ssyncset.done $0x0  }
0xbb: {  	[sflag:s17] =	ssyncadd.s32 $0xFFFFC000  }
0xbc: {  	_ =	swait.ge [sflag:s22], $0x4000  }
0xbd: {  	[sflag:s22] =	ssyncset.done $0x0  }
0xbe: {  	[sflag:s22] =	ssyncadd.s32 $0xFFFFC000  }
0xbf: {  	[tilespmem:s16], [sflag:$0x1] =	stream.indirect.gather [hbm4b:s0+s20], $0x80, s4, s20, $0xb8;
	[tilespmem:$0x1E800] =	vst v63  }
0xc0: {  	_ = 	snop  }
0xc1: {  	[spmem:s3] =	stream.indirect.scatter.add.f32 [tilespmem:s21], [sflag:$0x3], $0x80, s25, s20, $0xb8;
	[tilespmem:$0x1E800] =	vst v63  }
0xc2: {  	_ =	swait.ge [sflag:s17], $0x4000  }
0xc3: {  	[sflag:s17] =	ssyncset.done $0x0  }
0xc4: {  	[sflag:s17] =	ssyncadd.s32 $0xFFFFC000  }
0xc5: {  	_ =	swait.ge [sflag:s19], $0x4000  }
0xc6: {  	s28 =	sshll.u32 s2, $0x6;
	s26 =	sadd.s32 $0x1, s26;
	[sflag:s19] =	ssyncset.done $0x0  }
0xc7: {  	s29 =	sshrl.u32 s5, $0x3;
	p0 =	sne.s32 s26, s15;
	[sflag:s19] =	ssyncadd.s32 $0xFFFFC000  }
.Ltmp3:
0xc8: {  	s28 =	sor.u32 $0x1C03, s28;
	[bflag:$0x0] =	sbarrier.arrive $0xFFFF;
	(pc) =	sbr.rel @p0 .LBB2_1-.Ltmp3, $4  }
0xc9: {  	[hbm:s14], [sflag:s28] =	dma.local [spmem:s29], $0x2800  }
0xca: {  	_ =	swait.ge [sflag:s17], $0x2800  }
0xcb: {  	[sflag:s17] =	ssyncset.done $0x0  }
0xcc: {  	[sflag:s17] =	ssyncadd.s32 $0xFFFFD800  }
0xcd: {  	_ =	sfence.sel $0x180000  }
0xce: {  	[bflag:$0x0] =	sbarrier.arrive $0xFFFF  }
0xcf: {  	p0 =	sne.s32 s2, $0x0;
	_ =	strace $0x90000047  }
0xd0: {  	s0 =	sadd.s32 @!p0 $0x100000, s1;
	[bflag:$0x2] =	sbarrier.arrive $0xFFFF  }
0xd1: {  	[sflag:s0] =	ssyncadd.tile.s32 @!p0 $0x1;
	_ =	shalt  }
.Lfunc_end2:
_tile_overlayer_lowered:
.L_overlay_start_2:
0xd2: {  	(tag) =	ssettag $0x2  }
0xd3: {  	s0 =	rddreg [dreg:$0x0];
	s2 =	stileid.u32  }
0xd4: {  	s1 =	rddreg [dreg:$0x1];
	p0 =	sne.s32 s2, $0x0  }
0xd5: {  	s3 =	rddreg [dreg:$0x2];
	[bflag:$0x3] =	sbarrier.arrive $0xFFFF;
	s2 =	simm.s32 @!p0 $0x1C03  }
0xd6: {  	[timem:s3], [sflag:s2] =	dma.local @!p0 [hbm:s0], s1  }
0xd7: {  	s0 =	simm.s32 @!p0 $0x3  }
0xd8: {  	_ =	swait.ge @!p0 [sflag:s0], s1  }
0xd9: {  	s1 =	ssub.s32 @!p0 $0x0, s1;
	[sflag:s0] =	ssyncset.done @!p0 $0x0  }
0xda: {  	[sflag:s0] =	ssyncadd.s32 @!p0 s1  }
0xdb: {  	[bflag:$0x3] =	sbarrier.arrive $0xFFFF  }
0xdc: {  	_ =	shalt  }

// kernel: kernel.15.cloned.1.call-start
scs
__scs_entry_jumppad:
0x0: {  	(pc) =	sbr.rel $0x88, $3  }
0x1: {  	(tag) =	ssettag $0x0;
	lr =	simm.s32 $0x1  }
0x2: {  	[smem:$0x3F96] =	sst lr;
	_ =	strace $0xD0000000  }
0x3: {  	_ = 	snop  }
0x4: {  	_ = 	snop  }
0x5: {  	_ = 	snop  }
0x6: {  	_ = 	snop  }
0x7: {  	_ = 	snop  }
__scs_overlays_trampoline_lowered:
0x8: {  	[smem:$0x3FA5] =	sst s0  }
0x9: {  	[smem:$0x3FA6] =	sst s1  }
0xa: {  	[smem:$0x3FA7] =	sst s2  }
0xb: {  	[smem:$0x3FA8] =	sst s3  }
0xc: {  	[smem:$0x3FA9] =	sst s4  }
0xd: {  	[smem:$0x3FAA] =	sst s5  }
0xe: {  	[smem:$0x3FAB] =	sst s6  }
0xf: {  	[smem:$0x3FAC] =	sst s7  }
0x10: {  	[smem:$0x3FAD] =	sst s8  }
0x11: {  	[smem:$0x3FAE] =	sst s9;
	s0 =	simm.s32 @!p0 $0x0  }
0x12: {  	s1 =	sld [smem:$0x3F94];
	s0 =	simm.s32 @p0 $0x1  }
0x13: {  	[smem:$0x3FAF] =	sst s0;
	s0 =	simm.s32 @!p1 $0x0  }
0x14: {  	s2 =	sld [smem:$0x3F93];
	s0 =	simm.s32 @p1 $0x1  }
0x15: {  	[smem:$0x3FB0] =	sst s0;
	s0 =	simm.s32 @!p2 $0x0  }
0x16: {  	s3 =	sld [smem:$0x3FDB];
	s0 =	simm.s32 @p2 $0x1  }
0x17: {  	s4 =	simm.s32 $0x1BF5;
	[smem:$0x3FB2] =	sst s0  }
0x18: {  	s0 =	sld [smem:$0x3F95];
	_ =	swait.ge [sflag:s4], $0x0  }
0x19: {  	s7 =	sld [smem:$0x3F96]  }
0x1a: {  	s8 =	sadd.s32 $0xFFFFE003, lr  }
0x1b: {  	s9 =	sadd.s32 $0xFFFFFEF7, lr;
	s5 =	simm.s32 $0xFFFFFFFF;
	p2 =	slt.u32 s8, $0xFFFFF086  }
0x1c: {  	p1 =	slt.u32 s9, $0xF7A;
	s5 =	simm.s32 @!p2 $0x0  }
0x1d: {  	s5 =	simm.s32 @p1 $0x1;
	p0 =	seq.s32 s7, s2  }
0x1e: {  	s7 =	smul.u32 @!p0 $0xF7A, s2;
	p2 =	seq.s32 @!p0 s5, $0x0  }
0x1f: {  	s9 =	smul.u32 $0xF7A, s1;
	s8 =	simm.s32 @!p0 $0x1BF5;
	p2 =	por !p2, p0  }
0x20: {  	[sflag:s8] =	ssyncset.s32 @!p0 $0xFFFFF086;
	s6 =	sadd.s32 @!p0 s3, s7;
	s7 =	simm.s32 @!p0 $0x108  }
0x21: {  	s3 =	sadd.s32 s3, s9;
	s6 =	sadd.s32 @!p0 $0x88, s6;
	s7 =	simm.s32 @p2 $0x1082  }
0x22: {  	[simem:s7], [sflag:s8] =	dma.local @!p0 [hbm:s6], $0xF7A  }
0x23: {  	s9 =	sor.u32 $0xD0000000, s2;
	s6 =	simm.s32 $0x108;
	_ =	swait.ge @!p0 [sflag:s8], $0x0  }
0x24: {  	s3 =	sadd.s32 $0x88, s3;
	s6 =	simm.s32 @!p1 $0x1082;
	[sflag:s4] =	ssyncset.s32 $0xFFFFF086  }
0x25: {  	[simem:s6], [sflag:s4] =	dma.local [hbm:s3], $0xF7A  }
0x26: {  	[smem:$0x3F96] =	sst s1;
	(tag) =	ssettag s2;
	_ =	strace s9  }
0x27: {  	s1 =	sld [smem:$0x3FA6]  }
0x28: {  	s2 =	sld [smem:$0x3FA7]  }
0x29: {  	s4 =	sld [smem:$0x3FA9]  }
0x2a: {  	p0 =	seq.s32 s5, $0x0;
	s5 =	sld [smem:$0x3FAA]  }
0x2b: {  	s6 =	sld [smem:$0x3FAB]  }
0x2c: {  	s7 =	sld [smem:$0x3FAC]  }
0x2d: {  	s3 =	simm.s32 $0x108;
	s8 =	sld [smem:$0x3FAD]  }
0x2e: {  	s3 =	simm.s32 @!p0 $0x1082;
	s9 =	sld [smem:$0x3FAE]  }
0x2f: {  	lr =	sadd.s32 s0, s3;
	s0 =	sld [smem:$0x3FA5]  }
0x30: {  	s3 =	sld [smem:$0x3FA8]  }
0x31: {  	[smem:$0x3FB1] =	sst s10  }
0x32: {  	s10 =	sld [smem:$0x3FAF];
	_ =	sdelay $0x3  }
0x33: {  	p0 =	seq.s32 s10, $0x1;
	s10 =	sld [smem:$0x3FB1];
	_ =	sdelay $0x3  }
0x34: {  	[smem:$0x3FB1] =	sst s10  }
0x35: {  	s10 =	sld [smem:$0x3FB0];
	_ =	sdelay $0x3  }
0x36: {  	p1 =	seq.s32 s10, $0x1;
	s10 =	sld [smem:$0x3FB1];
	_ =	sdelay $0x3  }
0x37: {  	[smem:$0x3FB1] =	sst s10  }
0x38: {  	s10 =	sld [smem:$0x3FB2]  }
0x39: {  	_ = 	snop;
	(pc) =	sbr.ind lr, $3  }
0x3a: {  	_ = 	snop  }
0x3b: {  	_ = 	snop  }
0x3c: {  	p2 =	seq.s32 s10, $0x1;
	s10 =	sld [smem:$0x3FB1]  }
0x3d: {  	_ =	shalt  }
0x3e: {  	_ =	shalt  }
0x3f: {  	_ =	shalt  }
0x40: {  	_ =	shalt  }
0x41: {  	_ =	shalt  }
0x42: {  	_ =	shalt  }
0x43: {  	_ =	shalt  }
0x44: {  	_ =	shalt  }
0x45: {  	_ =	shalt  }
0x46: {  	_ =	shalt  }
0x47: {  	_ =	shalt  }
0x48: {  	_ =	shalt  }
0x49: {  	_ =	shalt  }
0x4a: {  	_ =	shalt  }
0x4b: {  	_ =	shalt  }
0x4c: {  	_ =	shalt  }
0x4d: {  	_ =	shalt  }
0x4e: {  	_ =	shalt  }
0x4f: {  	_ =	shalt  }
0x50: {  	_ =	shalt  }
0x51: {  	_ =	shalt  }
0x52: {  	_ =	shalt  }
0x53: {  	_ =	shalt  }
0x54: {  	_ =	shalt  }
0x55: {  	_ =	shalt  }
0x56: {  	_ =	shalt  }
0x57: {  	_ =	shalt  }
0x58: {  	_ =	shalt  }
0x59: {  	_ =	shalt  }
0x5a: {  	_ =	shalt  }
0x5b: {  	_ =	shalt  }
0x5c: {  	_ =	shalt  }
0x5d: {  	_ =	shalt  }
0x5e: {  	_ =	shalt  }
0x5f: {  	_ =	shalt  }
0x60: {  	_ =	shalt  }
0x61: {  	_ =	shalt  }
0x62: {  	_ =	shalt  }
0x63: {  	_ =	shalt  }
0x64: {  	_ =	shalt  }
0x65: {  	_ =	shalt  }
0x66: {  	_ =	shalt  }
0x67: {  	_ =	shalt  }
0x68: {  	_ =	shalt  }
0x69: {  	_ =	shalt  }
0x6a: {  	_ =	shalt  }
0x6b: {  	_ =	shalt  }
0x6c: {  	_ =	shalt  }
0x6d: {  	_ =	shalt  }
0x6e: {  	_ =	shalt  }
0x6f: {  	_ =	shalt  }
0x70: {  	_ =	shalt  }
0x71: {  	_ =	shalt  }
0x72: {  	_ =	shalt  }
0x73: {  	_ =	shalt  }
0x74: {  	_ =	shalt  }
0x75: {  	_ =	shalt  }
0x76: {  	_ =	shalt  }
0x77: {  	_ =	shalt  }
0x78: {  	_ =	shalt  }
0x79: {  	_ =	shalt  }
0x7a: {  	_ =	shalt  }
0x7b: {  	_ =	shalt  }
0x7c: {  	_ =	shalt  }
0x7d: {  	_ =	shalt  }
0x7e: {  	_ =	shalt  }
0x7f: {  	_ =	shalt  }
0x80: {  	_ =	shalt  }
0x81: {  	_ =	shalt  }
0x82: {  	_ =	shalt  }
0x83: {  	_ =	shalt  }
0x84: {  	_ =	shalt  }
0x85: {  	_ =	shalt  }
0x86: {  	_ =	shalt  }
0x87: {  	_ =	shalt  }
.Lfunc_end0:
.L_simem_size_0:
called_computation.2_lowered:
.L_overlay_start_0:
0x88: {  	s2 =	sld [smem:$0x3FD9]  }
0x89: {  	s3 =	sld [smem:$0x3FFE];
	_ =	sdelay $0x1  }
0x8a: {  	s1 =	srdreg.scid  }
0x8b: {  	s0 =	sand.u32 $0x1, s1  }
0x8c: {  	s17 =	sshll.u32 s0, $0xA;
	s2 =	sadd.s32 s3, s2  }
0x8d: {  	s2 =	sadd.s32 s2, s17  }
0x8e: {  	[smem:$0x3FBD] =	sst s2  }
0x8f: {  	_ = 	snop  }
0x90: {  	s2 =	sld [smem:$0x3FD0];
	(tm) =	ssettm $0x1  }
0x91: {  	s18 =	sld [smem:$0x3FFB];
	_ =	sdelay $0x3  }
0x92: {  	_ =	strace s18  }
0x93: {  	s3 =	sld [smem:$0x3FFC];
	_ =	sdelay $0x3  }
0x94: {  	_ =	strace s3  }
0x95: {  	s3 =	sld [smem:$0x3FFD];
	_ =	sdelay $0x3  }
0x96: {  	_ =	strace s3  }
0x97: {  	_ =	strace $0x8FFFFFFF  }
0x98: {  	s19 =	sld [smem:$0x3FDB];
	_ =	sdelay $0x1  }
0x99: {  	s4 =	simm.s32 $_scs_section_size  }
0x9a: {  	s5 =	simm.s32 $_size__tile_overlayer_lowered;
	s6 =	simm.s32 $_tile_overlayer_lowered  }
0x9b: {  	s22 =	simm.s32 $0x1BFF;
	s21 =	sshll.u32 s6, $0x1;
	s3 =	sadd.s32 s4, s19  }
0x9c: {  	s7 =	simm.s32 $0x0;
	s20 =	sshll.u32 s5, $0x1;
	s5 =	sadd.s32 s21, s3  }
0x9d: {  	[timem:s7], [sflag:s22] =	dma.local [hbm:s5], s20  }
0x9e: {  	_ =	swait.ge [sflag:s22], s20  }
0x9f: {  	s4 =	ssub.s32 $0x0, s20;
	[sflag:s22] =	ssyncset.done $0x0  }
0xa0: {  	[sflag:s22] =	ssyncadd.s32 s4;
	_ =	sdelay $0x1  }
0xa1: {  	s23 =	simm.s32 $0x1B8B  }
0xa2: {  	_ =	swait.ge [sflag:s23], $0x1  }
0xa3: {  	[sflag:s23] =	ssyncset.done $0x0  }
0xa4: {  	s25 =	simm.s32 $0x1B8E;
	s24 =	sld [smem:$0x3FFE];
	[sflag:s23] =	ssyncadd.s32 $0xFFFFFFFF  }
0xa5: {  	s26 =	simm.s32 $execute0_lowered;
	[smem:$0x3FD2] =	sst s25  }
0xa6: {  	s5 =	sshll.u32 s26, $0x1;
	_ =	strace $0x8000004C;
	[dreg:$0x1] =	wrdreg $0xFFFFFFFF  }
0xa7: {  	s28 =	simm.s32 $_size_execute0_lowered;
	s3 =	sadd.s32 s3, s5;
	[dreg:$0x0] =	wrdreg $0x0  }
0xa8: {  	s5 =	sshll.u32 s28, $0x1;
	[dreg:$0x2] =	wrdreg s3  }
0xa9: {  	[dreg:$0x3] =	wrdreg s5  }
0xaa: {  	[dreg:$0x4] =	wrdreg $0xC0  }
0xab: {  	_ =	task [dreg:s7], $0x5FFFF  }
0xac: {  	[dreg:$0x1] =	wrdreg $0xFFFFFFFF  }
0xad: {  	[dreg:$0x0] =	wrdreg $0x60  }
0xae: {  	[dreg:$0x2] =	wrdreg s2  }
0xaf: {  	[dreg:$0x3] =	wrdreg s24  }
0xb0: {  	[dreg:$0x4] =	wrdreg $0xA8000  }
0xb1: {  	[dreg:$0x5] =	wrdreg $0x9  }
0xb2: {  	_ =	task.clear_ibuf [dreg:s7], $0x6FFFF;
	_ =	strace $0x9000004C  }
0xb3: {  	s29 =	simm.s32 $0x9;
	_ =	strace $0x8000004E  }
0xb4: {  	_ =	swait.ge [sflag:s29], $0x1  }
0xb5: {  	[sflag:s29] =	ssyncadd.s32 $0xFFFFFFFF  }
0xb6: {  	_ =	strace $0x9000004E  }
0xb7: {  	_ =	sfence  }
0xb8: {  	s30 =	sld [smem:$0x0];
	_ =	sdelay $0x2  }
0xb9: {  	s31 =	sshll.u32 s1, $0xD;
	s1 =	sshrl.u32 s1, $0x2  }
0xba: {  	s3 =	sand.u32 $0x4000, s31;
	s1 =	sadd.s32 s1, s30  }
0xbb: {  	s0 =	sor.u32 s3, s0;
	s1 =	sshll.u32 s1, $0x11  }
0xbc: {  	s0 =	sor.u32 s1, s0  }
0xbd: {  	s0 =	sadd.s32 $0x8F2B, s0  }
0xbe: {  	[sflag:s0] =	ssyncadd.remote.s32 $0x1  }
0xbf: {  	_ =	sfence.sel $0xFFFF  }
0xc0: {  	[dreg:$0x0] =	wrdreg $0xFFFFFFFF;
	(pc) =	sbr.abs _section_cstart, $3  }
0xc1: {  	[dreg:$0x1] =	wrdreg $0xFFFFFFFF  }
0xc2: {  	_ =	task.clear_ibuf [dreg:s7], $0x2FFFF;
	_ =	strace $0x9FFFFFFF  }
0xc3: {  	(tm) =	ssettm $0x7FFFFFFF  }
tec
execute0_lowered:
.L_overlay_start_1:
0x0: {  	(tag) =	ssettag $0x1  }
0x1: {  	s0 =	rddreg [dreg:$0x0]  }
0x2: {  	s5 =	rddreg [dreg:$0x1];
	s1 =	srdreg.scid  }
0x3: {  	s3 =	rddreg [dreg:$0x2];
	s2 =	stileid.u32  }
0x4: {  	s4 =	simm.s32 $0x0;
	s17 =	simm.s32 $0x3;
	s18 =	simm.s32 $0x1400  }
0x5: {  	s19 =	simm.s32 $0x1;
	s20 =	simm.s32 $0x80;
	s21 =	simm.s32 $0x6800  }
0x6: {  	s22 =	simm.s32 $0x2;
	s23 =	simm.s32 $0x1380;
	s24 =	simm.s32 $0x2700  }
0x7: {  	s25 =	simm.s32 $0x2780;
	s6 =	sand.u32 $0x1, s1;
	s1 =	rddreg [dreg:$0x3]  }
0x8: {  	s26 =	simm.s32 $0x0;
	s8 =	smul.u32 $0x14000, s2;
	[smem:$0x7FF] =	sst s4  }
0x9: {  	s12 =	sadd.s32 $0x3200, s5;
	s13 =	sadd.s32 $0xD200, s5;
	s28 =	smul.u32 $0x50000, s2  }
0xa: {  	s7 =	smul.u32 $0x140000, s6;
	s29 =	ssub.s32 $0x2, s6;
	s6 =	sshll.u32 s6, $0x4  }
0xb: {  	_ =	strace $0x8000004D;
	s30 =	sshrl.u32 s29, $0x1;
	s9 =	sor.u32 s2, s6  }
0xc: {  	s31 =	sshrl.u32 s28, $0x2;
	s7 =	sadd.s32 s8, s7;
	s10 =	smul.u32 $0x2800, s9  }
0xd: {  	s15 =	ssub.s32 s29, s30;
	s11 =	smul.u32 $0x500, s9;
	s7 =	sshrl.u32 s7, $0x3  }
0xe: {  	s15 =	smax.u32 s15, $0x1;
	s14 =	sadd.s32 s7, s5;
	s5 =	sadd.s32 s31, s3  }
0xf: {  	s16 =	sshrl.u32 s10, $0x3;
	s10 =	sadd.s32 s12, s11;
	s11 =	sadd.s32 s13, s11  }
0x10: {  	s6 =	sadd.s32 $0x4000, s5;
	s7 =	sadd.s32 $0x8000, s5;
	s8 =	sadd.s32 $0xC000, s5  }
0x11: {  	s9 =	sadd.s32 $0x10000, s5;
	s16 =	sadd.s32 $0x280, s16;
	s14 =	sadd.s32 $0x17200, s14  }
0x12: {  	v0 =	vimm.f32 $0.0e+00;
	s12 =	sadd.s32 s12, s16;
	s13 =	sadd.s32 s13, s16;
	s16 =	simm.s32 $0x2800  }
.LBB2_1:
0x13: {  	s28 =	simm.s32 $0x0;
	s29 =	simm.s32 $0x200  }
.LBB2_2:
0x14: {  	p0 =	sne.s32 s29, $0xFE00;
	[tilespmem:s28+$0x2870] =	vst v0  }
0x15: {  	[tilespmem:s28+$0x2800] =	vst v0  }
0x16: {  	[tilespmem:s28+$0x2810] =	vst v0  }
.Ltmp0:
0x17: {  	[tilespmem:s28+$0x2820] =	vst v0;
	(pc) =	sbr.rel @p0 .LBB2_2-.Ltmp0, $4  }
0x18: {  	[tilespmem:s28+$0x2830] =	vst v0  }
0x19: {  	[tilespmem:s28+$0x2840] =	vst v0  }
0x1a: {  	[tilespmem:s28+$0x2850] =	vst v0  }
0x1b: {  	[tilespmem:s28+$0x2860] =	vst v0;
	s28 =	sshra.s32 s29, $0x2;
	s29 =	sadd.s32 $0x200, s29  }
0x1c: {  	[tilespmem:s28+$0x2870] =	vst v0  }
0x1d: {  	[tilespmem:s28+$0x2800] =	vst v0  }
0x1e: {  	[tilespmem:s28+$0x2810] =	vst v0  }
0x1f: {  	[tilespmem:s28+$0x2820] =	vst v0  }
0x20: {  	[tilespmem:s28+$0x2830] =	vst v0  }
0x21: {  	[tilespmem:s28+$0x2840] =	vst v0  }
0x22: {  	[tilespmem:s28+$0x2850] =	vst v0  }
0x23: {  	[tilespmem:s28+$0x2860] =	vst v0  }
0x24: {  	[spmem:s5] =	stream.linear.scatter [tilespmem:s16], [sflag:$0x1], $0x4000, $0x38;
	[tilespmem:$0x1E800] =	vst v63  }
0x25: {  	_ = 	snop  }
0x26: {  	[spmem:s6] =	stream.linear.scatter [tilespmem:s16], [sflag:$0x1], $0x4000, $0x38;
	[tilespmem:$0x1E800] =	vst v63  }
0x27: {  	_ = 	snop  }
0x28: {  	[spmem:s7] =	stream.linear.scatter [tilespmem:s16], [sflag:$0x1], $0x4000, $0x38;
	[tilespmem:$0x1E800] =	vst v63  }
0x29: {  	_ = 	snop  }
0x2a: {  	[spmem:s8] =	stream.linear.scatter [tilespmem:s16], [sflag:$0x1], $0x4000, $0x38;
	[tilespmem:$0x1E800] =	vst v63  }
0x2b: {  	_ = 	snop  }
0x2c: {  	[spmem:s9] =	stream.linear.scatter [tilespmem:s16], [sflag:$0x1], $0x4000, $0x38;
	[tilespmem:$0x1E800] =	vst v63  }
0x2d: {  	s28 =	simm.s32 $0x0  }
0x2e: {  	[tilespmem:s28], [sflag:$0x3] =	stream.linear.gather [hbm4b:s10+s28], $0x1400, $0x38;
	[tilespmem:$0x1E800] =	vst v63  }
0x2f: {  	_ =	swait.ge [sflag:s17], $0x1400  }
0x30: {  	[sflag:s17] =	ssyncset.done $0x0  }
0x31: {  	[sflag:s17] =	ssyncadd.s32 $0xFFFFEC00  }
0x32: {  	[tilespmem:s18], [sflag:$0x3] =	stream.linear.gather [hbm4b:s11+s28], $0x1400, $0x38;
	[tilespmem:$0x1E800] =	vst v63  }
0x33: {  	_ =	swait.ge [sflag:s17], $0x1400  }
0x34: {  	[sflag:s17] =	ssyncset.done $0x0  }
0x35: {  	[sflag:s17] =	ssyncadd.s32 $0xFFFFEC00  }
0x36: {  	_ =	swait.ge [sflag:s19], $0x4000  }
0x37: {  	[sflag:s19] =	ssyncset.done $0x0  }
0x38: {  	[sflag:s19] =	ssyncadd.s32 $0xFFFFC000  }
0x39: {  	_ =	swait.ge [sflag:s19], $0x4000  }
0x3a: {  	[sflag:s19] =	ssyncset.done $0x0  }
0x3b: {  	[sflag:s19] =	ssyncadd.s32 $0xFFFFC000  }
0x3c: {  	_ =	swait.ge [sflag:s19], $0x4000  }
0x3d: {  	[sflag:s19] =	ssyncset.done $0x0  }
0x3e: {  	[sflag:s19] =	ssyncadd.s32 $0xFFFFC000  }
0x3f: {  	_ =	swait.ge [sflag:s19], $0x4000  }
0x40: {  	[sflag:s19] =	ssyncset.done $0x0  }
0x41: {  	[sflag:s19] =	ssyncadd.s32 $0xFFFFC000  }
0x42: {  	_ =	swait.ge [sflag:s19], $0x4000  }
0x43: {  	[sflag:s19] =	ssyncset.done $0x0  }
0x44: {  	[sflag:s19] =	ssyncadd.s32 $0xFFFFC000  }
0x45: {  	[bflag:$0x0] =	sbarrier.arrive $0xFFFF  }
0x46: {  	[tilespmem:s16], [sflag:$0x1] =	stream.indirect.gather [hbm4b:s0+s20], $0x80, s28, s20, $0xb8;
	[tilespmem:$0x1E800] =	vst v63  }
0x47: {  	_ =	swait.ge [sflag:s19], $0x4000  }
0x48: {  	[sflag:s19] =	ssyncset.done $0x0  }
0x49: {  	s28 =	simm.s32 $0x80;
	[sflag:s19] =	ssyncadd.s32 $0xFFFFC000  }
0x4a: {  	[tilespmem:s21], [sflag:$0x2] =	stream.indirect.gather [hbm4b:s0+s20], $0x80, s28, s20, $0xb8;
	[tilespmem:$0x1E800] =	vst v63  }
0x4b: {  	s28 =	simm.s32 $0x1400  }
0x4c: {  	[spmem:s3] =	stream.indirect.scatter.add.f32 [tilespmem:s16], [sflag:$0x3], $0x80, s28, s20, $0xb8;
	[tilespmem:$0x1E800] =	vst v63  }
0x4d: {  	_ =	swait.ge [sflag:s17], $0x4000  }
0x4e: {  	[sflag:s17] =	ssyncset.done $0x0  }
0x4f: {  	[sflag:s17] =	ssyncadd.s32 $0xFFFFC000  }
0x50: {  	_ =	swait.ge [sflag:s22], $0x4000  }
0x51: {  	[sflag:s22] =	ssyncset.done $0x0  }
0x52: {  	s28 =	simm.s32 $0x100;
	[sflag:s22] =	ssyncadd.s32 $0xFFFFC000  }
0x53: {  	[tilespmem:s16], [sflag:$0x1] =	stream.indirect.gather [hbm4b:s0+s20], $0x80, s28, s20, $0xb8;
	[tilespmem:$0x1E800] =	vst v63  }
0x54: {  	s28 =	simm.s32 $0x1480  }
0x55: {  	[spmem:s3] =	stream.indirect.scatter.add.f32 [tilespmem:s21], [sflag:$0x3], $0x80, s28, s20, $0xb8;
	[tilespmem:$0x1E800] =	vst v63  }
0x56: {  	_ =	swait.ge [sflag:s17], $0x4000  }
0x57: {  	s28 =	simm.s32 $0x400;
	[sflag:s17] =	ssyncset.done $0x0  }
.LBB2_4:
0x58: {  	p0 =	sne.s32 s28, $0x4800  }
0x59: {  	[sflag:s17] =	ssyncadd.s32 $0xFFFFC000;
	s29 =	smov.u32 s28;
	s28 =	sadd.s32 $0x400, s28  }
0x5a: {  	_ = 	snop  }
0x5b: {  	_ =	swait.ge [sflag:s19], $0x4000  }
0x5c: {  	s29 =	sshra.s32 s29, $0x2;
	[sflag:s19] =	ssyncset.done $0x0  }
0x5d: {  	s30 =	sadd.s32 $0x80, s29;
	[sflag:s19] =	ssyncadd.s32 $0xFFFFC000  }
0x5e: {  	[tilespmem:s21], [sflag:$0x2] =	stream.indirect.gather [hbm4b:s0+s20], $0x80, s30, s20, $0xb8;
	[tilespmem:$0x1E800] =	vst v63  }
0x5f: {  	s30 =	sadd.s32 $0x1400, s29  }
0x60: {  	[spmem:s3] =	stream.indirect.scatter.add.f32 [tilespmem:s16], [sflag:$0x3], $0x80, s30, s20, $0xb8;
	[tilespmem:$0x1E800] =	vst v63  }
0x61: {  	_ =	swait.ge [sflag:s17], $0x4000  }
0x62: {  	[sflag:s17] =	ssyncset.done $0x0  }
0x63: {  	[sflag:s17] =	ssyncadd.s32 $0xFFFFC000  }
0x64: {  	_ =	swait.ge [sflag:s22], $0x4000  }
0x65: {  	[sflag:s22] =	ssyncset.done $0x0  }
0x66: {  	s30 =	sadd.s32 $0x100, s29;
	[sflag:s22] =	ssyncadd.s32 $0xFFFFC000  }
0x67: {  	[tilespmem:s16], [sflag:$0x1] =	stream.indirect.gather [hbm4b:s0+s20], $0x80, s30, s20, $0xb8;
	[tilespmem:$0x1E800] =	vst v63  }
.Ltmp1:
0x68: {  	_ = 	snop;
	(pc) =	sbr.rel @p0 .LBB2_4-.Ltmp1, $4  }
0x69: {  	s29 =	sadd.s32 $0x1480, s29  }
0x6a: {  	[spmem:s3] =	stream.indirect.scatter.add.f32 [tilespmem:s21], [sflag:$0x3], $0x80, s29, s20, $0xb8;
	[tilespmem:$0x1E800] =	vst v63  }
0x6b: {  	_ =	swait.ge [sflag:s17], $0x4000  }
0x6c: {  	[sflag:s17] =	ssyncset.done $0x0  }
0x6d: {  	[sflag:s17] =	ssyncadd.s32 $0xFFFFC000  }
0x6e: {  	_ =	swait.ge [sflag:s19], $0x4000  }
0x6f: {  	[sflag:s19] =	ssyncset.done $0x0  }
0x70: {  	[sflag:s19] =	ssyncadd.s32 $0xFFFFC000  }
0x71: {  	[tilespmem:s21], [sflag:$0x2] =	stream.indirect.gather [hbm4b:s0+s20], $0x80, s23, s20, $0xb8;
	[tilespmem:$0x1E800] =	vst v63  }
0x72: {  	_ = 	snop  }
0x73: {  	[spmem:s3] =	stream.indirect.scatter.add.f32 [tilespmem:s16], [sflag:$0x3], $0x80, s24, s20, $0xb8;
	[tilespmem:$0x1E800] =	vst v63  }
0x74: {  	_ =	swait.ge [sflag:s17], $0x4000  }
0x75: {  	[sflag:s17] =	ssyncset.done $0x0  }
0x76: {  	[sflag:s17] =	ssyncadd.s32 $0xFFFFC000  }
0x77: {  	_ =	swait.ge [sflag:s22], $0x4000  }
0x78: {  	[sflag:s22] =	ssyncset.done $0x0  }
0x79: {  	s28 =	simm.s32 $0x0;
	[sflag:s22] =	ssyncadd.s32 $0xFFFFC000  }
0x7a: {  	[tilespmem:s16], [sflag:$0x1] =	stream.indirect.gather [hbm4b:s0+s20], $0x80, s28, s20, $0xb8;
	[tilespmem:$0x1E800] =	vst v63  }
0x7b: {  	_ = 	snop  }
0x7c: {  	[spmem:s3] =	stream.indirect.scatter.add.f32 [tilespmem:s21], [sflag:$0x3], $0x80, s25, s20, $0xb8;
	[tilespmem:$0x1E800] =	vst v63  }
0x7d: {  	_ =	swait.ge [sflag:s17], $0x4000  }
0x7e: {  	[sflag:s17] =	ssyncset.done $0x0  }
0x7f: {  	[sflag:s17] =	ssyncadd.s32 $0xFFFFC000  }
0x80: {  	_ =	swait.ge [sflag:s19], $0x4000  }
0x81: {  	[sflag:s19] =	ssyncset.done $0x0  }
0x82: {  	[sflag:s19] =	ssyncadd.s32 $0xFFFFC000  }
0x83: {  	[tilespmem:s28], [sflag:$0x3] =	stream.linear.gather [hbm4b:s12+s28], $0x1400, $0x38;
	[tilespmem:$0x1E800] =	vst v63  }
0x84: {  	_ =	swait.ge [sflag:s17], $0x1400  }
0x85: {  	[sflag:s17] =	ssyncset.done $0x0  }
0x86: {  	[sflag:s17] =	ssyncadd.s32 $0xFFFFEC00  }
0x87: {  	[tilespmem:s18], [sflag:$0x3] =	stream.linear.gather [hbm4b:s13+s28], $0x1400, $0x38;
	[tilespmem:$0x1E800] =	vst v63  }
0x88: {  	_ =	swait.ge [sflag:s17], $0x1400  }
0x89: {  	[sflag:s17] =	ssyncset.done $0x0  }
0x8a: {  	[sflag:s17] =	ssyncadd.s32 $0xFFFFEC00  }
0x8b: {  	[tilespmem:s16], [sflag:$0x1] =	stream.indirect.gather [hbm4b:s0+s20], $0x80, s28, s20, $0xb8;
	[tilespmem:$0x1E800] =	vst v63  }
0x8c: {  	_ =	swait.ge [sflag:s19], $0x4000  }
0x8d: {  	[sflag:s19] =	ssyncset.done $0x0  }
0x8e: {  	s28 =	simm.s32 $0x80;
	[sflag:s19] =	ssyncadd.s32 $0xFFFFC000  }
0x8f: {  	[tilespmem:s21], [sflag:$0x2] =	stream.indirect.gather [hbm4b:s0+s20], $0x80, s28, s20, $0xb8;
	[tilespmem:$0x1E800] =	vst v63  }
0x90: {  	s28 =	simm.s32 $0x1400  }
0x91: {  	[spmem:s3] =	stream.indirect.scatter.add.f32 [tilespmem:s16], [sflag:$0x3], $0x80, s28, s20, $0xb8;
	[tilespmem:$0x1E800] =	vst v63  }
0x92: {  	_ =	swait.ge [sflag:s17], $0x4000  }
0x93: {  	[sflag:s17] =	ssyncset.done $0x0  }
0x94: {  	[sflag:s17] =	ssyncadd.s32 $0xFFFFC000  }
0x95: {  	_ =	swait.ge [sflag:s22], $0x4000  }
0x96: {  	[sflag:s22] =	ssyncset.done $0x0  }
0x97: {  	s28 =	simm.s32 $0x100;
	[sflag:s22] =	ssyncadd.s32 $0xFFFFC000  }
0x98: {  	[tilespmem:s16], [sflag:$0x1] =	stream.indirect.gather [hbm4b:s0+s20], $0x80, s28, s20, $0xb8;
	[tilespmem:$0x1E800] =	vst v63  }
0x99: {  	s28 =	simm.s32 $0x1480  }
0x9a: {  	[spmem:s3] =	stream.indirect.scatter.add.f32 [tilespmem:s21], [sflag:$0x3], $0x80, s28, s20, $0xb8;
	[tilespmem:$0x1E800] =	vst v63  }
0x9b: {  	_ =	swait.ge [sflag:s17], $0x4000  }
0x9c: {  	s28 =	simm.s32 $0x400;
	[sflag:s17] =	ssyncset.done $0x0  }
.LBB2_6:
0x9d: {  	p0 =	sne.s32 s28, $0x4800  }
0x9e: {  	[sflag:s17] =	ssyncadd.s32 $0xFFFFC000;
	s29 =	smov.u32 s28;
	s28 =	sadd.s32 $0x400, s28  }
0x9f: {  	_ = 	snop  }
0xa0: {  	_ =	swait.ge [sflag:s19], $0x4000  }
0xa1: {  	s29 =	sshra.s32 s29, $0x2;
	[sflag:s19] =	ssyncset.done $0x0  }
0xa2: {  	s30 =	sadd.s32 $0x80, s29;
	[sflag:s19] =	ssyncadd.s32 $0xFFFFC000  }
0xa3: {  	[tilespmem:s21], [sflag:$0x2] =	stream.indirect.gather [hbm4b:s0+s20], $0x80, s30, s20, $0xb8;
	[tilespmem:$0x1E800] =	vst v63  }
0xa4: {  	s30 =	sadd.s32 $0x1400, s29  }
0xa5: {  	[spmem:s3] =	stream.indirect.scatter.add.f32 [tilespmem:s16], [sflag:$0x3], $0x80, s30, s20, $0xb8;
	[tilespmem:$0x1E800] =	vst v63  }
0xa6: {  	_ =	swait.ge [sflag:s17], $0x4000  }
0xa7: {  	[sflag:s17] =	ssyncset.done $0x0  }
0xa8: {  	[sflag:s17] =	ssyncadd.s32 $0xFFFFC000  }
0xa9: {  	_ =	swait.ge [sflag:s22], $0x4000  }
0xaa: {  	[sflag:s22] =	ssyncset.done $0x0  }
0xab: {  	s30 =	sadd.s32 $0x100, s29;
	[sflag:s22] =	ssyncadd.s32 $0xFFFFC000  }
0xac: {  	[tilespmem:s16], [sflag:$0x1] =	stream.indirect.gather [hbm4b:s0+s20], $0x80, s30, s20, $0xb8;
	[tilespmem:$0x1E800] =	vst v63  }
.Ltmp2:
0xad: {  	_ = 	snop;
	(pc) =	sbr.rel @p0 .LBB2_6-.Ltmp2, $4  }
0xae: {  	s29 =	sadd.s32 $0x1480, s29  }
0xaf: {  	[spmem:s3] =	stream.indirect.scatter.add.f32 [tilespmem:s21], [sflag:$0x3], $0x80, s29, s20, $0xb8;
	[tilespmem:$0x1E800] =	vst v63  }
0xb0: {  	_ =	swait.ge [sflag:s17], $0x4000  }
0xb1: {  	[sflag:s17] =	ssyncset.done $0x0  }
0xb2: {  	[sflag:s17] =	ssyncadd.s32 $0xFFFFC000  }
0xb3: {  	_ =	swait.ge [sflag:s19], $0x4000  }
0xb4: {  	[sflag:s19] =	ssyncset.done $0x0  }
0xb5: {  	[sflag:s19] =	ssyncadd.s32 $0xFFFFC000  }
0xb6: {  	[tilespmem:s21], [sflag:$0x2] =	stream.indirect.gather [hbm4b:s0+s20], $0x80, s23, s20, $0xb8;
	[tilespmem:$0x1E800] =	vst v63  }
0xb7: {  	_ = 	snop  }
0xb8: {  	[spmem:s3] =	stream.indirect.scatter.add.f32 [tilespmem:s16], [sflag:$0x3], $0x80, s24, s20, $0xb8;
	[tilespmem:$0x1E800] =	vst v63  }
0xb9: {  	_ =	swait.ge [sflag:s17], $0x4000  }
0xba: {  	[sflag:s17] =	ssyncset.done $0x0  }
0xbb: {  	[sflag:s17] =	ssyncadd.s32 $0xFFFFC000  }
0xbc: {  	_ =	swait.ge [sflag:s22], $0x4000  }
0xbd: {  	[sflag:s22] =	ssyncset.done $0x0  }
0xbe: {  	[sflag:s22] =	ssyncadd.s32 $0xFFFFC000  }
0xbf: {  	[tilespmem:s16], [sflag:$0x1] =	stream.indirect.gather [hbm4b:s0+s20], $0x80, s4, s20, $0xb8;
	[tilespmem:$0x1E800] =	vst v63  }
0xc0: {  	_ = 	snop  }
0xc1: {  	[spmem:s3] =	stream.indirect.scatter.add.f32 [tilespmem:s21], [sflag:$0x3], $0x80, s25, s20, $0xb8;
	[tilespmem:$0x1E800] =	vst v63  }
0xc2: {  	_ =	swait.ge [sflag:s17], $0x4000  }
0xc3: {  	[sflag:s17] =	ssyncset.done $0x0  }
0xc4: {  	[sflag:s17] =	ssyncadd.s32 $0xFFFFC000  }
0xc5: {  	_ =	swait.ge [sflag:s19], $0x4000  }
0xc6: {  	s28 =	sshll.u32 s2, $0x6;
	s26 =	sadd.s32 $0x1, s26;
	[sflag:s19] =	ssyncset.done $0x0  }
0xc7: {  	s29 =	sshrl.u32 s5, $0x3;
	p0 =	sne.s32 s26, s15;
	[sflag:s19] =	ssyncadd.s32 $0xFFFFC000  }
.Ltmp3:
0xc8: {  	s28 =	sor.u32 $0x1C03, s28;
	[bflag:$0x0] =	sbarrier.arrive $0xFFFF;
	(pc) =	sbr.rel @p0 .LBB2_1-.Ltmp3, $4  }
0xc9: {  	[hbm:s14], [sflag:s28] =	dma.local [spmem:s29], $0x2800  }
0xca: {  	_ =	swait.ge [sflag:s17], $0x2800  }
0xcb: {  	[sflag:s17] =	ssyncset.done $0x0  }
0xcc: {  	[sflag:s17] =	ssyncadd.s32 $0xFFFFD800  }
0xcd: {  	_ =	sfence.sel $0x180000  }
0xce: {  	[bflag:$0x0] =	sbarrier.arrive $0xFFFF  }
0xcf: {  	p0 =	sne.s32 s2, $0x0;
	_ =	strace $0x9000004D  }
0xd0: {  	s0 =	sadd.s32 @!p0 $0x100000, s1;
	[bflag:$0x2] =	sbarrier.arrive $0xFFFF  }
0xd1: {  	[sflag:s0] =	ssyncadd.tile.s32 @!p0 $0x1;
	_ =	shalt  }
.Lfunc_end2:
_tile_overlayer_lowered:
.L_overlay_start_2:
0xd2: {  	(tag) =	ssettag $0x2  }
0xd3: {  	s0 =	rddreg [dreg:$0x0];
	s2 =	stileid.u32  }
0xd4: {  	s1 =	rddreg [dreg:$0x1];
	p0 =	sne.s32 s2, $0x0  }
0xd5: {  	s3 =	rddreg [dreg:$0x2];
	[bflag:$0x3] =	sbarrier.arrive $0xFFFF;
	s2 =	simm.s32 @!p0 $0x1C03  }
0xd6: {  	[timem:s3], [sflag:s2] =	dma.local @!p0 [hbm:s0], s1  }
0xd7: {  	s0 =	simm.s32 @!p0 $0x3  }
0xd8: {  	_ =	swait.ge @!p0 [sflag:s0], s1  }
0xd9: {  	s1 =	ssub.s32 @!p0 $0x0, s1;
	[sflag:s0] =	ssyncset.done @!p0 $0x0  }
0xda: {  	[sflag:s0] =	ssyncadd.s32 @!p0 s1  }
0xdb: {  	[bflag:$0x3] =	sbarrier.arrive $0xFFFF  }
0xdc: {  	_ =	shalt  }

// kernel: kernel.18.cloned.1.call-start
scs
__scs_entry_jumppad:
0x0: {  	(pc) =	sbr.rel $0x88, $3  }
0x1: {  	(tag) =	ssettag $0x0;
	lr =	simm.s32 $0x1  }
0x2: {  	[smem:$0x3F96] =	sst lr;
	_ =	strace $0xD0000000  }
0x3: {  	_ = 	snop  }
0x4: {  	_ = 	snop  }
0x5: {  	_ = 	snop  }
0x6: {  	_ = 	snop  }
0x7: {  	_ = 	snop  }
__scs_overlays_trampoline_lowered:
0x8: {  	[smem:$0x3FA5] =	sst s0  }
0x9: {  	[smem:$0x3FA6] =	sst s1  }
0xa: {  	[smem:$0x3FA7] =	sst s2  }
0xb: {  	[smem:$0x3FA8] =	sst s3  }
0xc: {  	[smem:$0x3FA9] =	sst s4  }
0xd: {  	[smem:$0x3FAA] =	sst s5  }
0xe: {  	[smem:$0x3FAB] =	sst s6  }
0xf: {  	[smem:$0x3FAC] =	sst s7  }
0x10: {  	[smem:$0x3FAD] =	sst s8  }
0x11: {  	[smem:$0x3FAE] =	sst s9;
	s0 =	simm.s32 @!p0 $0x0  }
0x12: {  	s1 =	sld [smem:$0x3F94];
	s0 =	simm.s32 @p0 $0x1  }
0x13: {  	[smem:$0x3FAF] =	sst s0;
	s0 =	simm.s32 @!p1 $0x0  }
0x14: {  	s2 =	sld [smem:$0x3F93];
	s0 =	simm.s32 @p1 $0x1  }
0x15: {  	[smem:$0x3FB0] =	sst s0;
	s0 =	simm.s32 @!p2 $0x0  }
0x16: {  	s3 =	sld [smem:$0x3FDB];
	s0 =	simm.s32 @p2 $0x1  }
0x17: {  	s4 =	simm.s32 $0x1BF5;
	[smem:$0x3FB2] =	sst s0  }
0x18: {  	s0 =	sld [smem:$0x3F95];
	_ =	swait.ge [sflag:s4], $0x0  }
0x19: {  	s7 =	sld [smem:$0x3F96]  }
0x1a: {  	s8 =	sadd.s32 $0xFFFFE003, lr  }
0x1b: {  	s9 =	sadd.s32 $0xFFFFFEF7, lr;
	s5 =	simm.s32 $0xFFFFFFFF;
	p2 =	slt.u32 s8, $0xFFFFF086  }
0x1c: {  	p1 =	slt.u32 s9, $0xF7A;
	s5 =	simm.s32 @!p2 $0x0  }
0x1d: {  	s5 =	simm.s32 @p1 $0x1;
	p0 =	seq.s32 s7, s2  }
0x1e: {  	s7 =	smul.u32 @!p0 $0xF7A, s2;
	p2 =	seq.s32 @!p0 s5, $0x0  }
0x1f: {  	s9 =	smul.u32 $0xF7A, s1;
	s8 =	simm.s32 @!p0 $0x1BF5;
	p2 =	por !p2, p0  }
0x20: {  	[sflag:s8] =	ssyncset.s32 @!p0 $0xFFFFF086;
	s6 =	sadd.s32 @!p0 s3, s7;
	s7 =	simm.s32 @!p0 $0x108  }
0x21: {  	s3 =	sadd.s32 s3, s9;
	s6 =	sadd.s32 @!p0 $0x88, s6;
	s7 =	simm.s32 @p2 $0x1082  }
0x22: {  	[simem:s7], [sflag:s8] =	dma.local @!p0 [hbm:s6], $0xF7A  }
0x23: {  	s9 =	sor.u32 $0xD0000000, s2;
	s6 =	simm.s32 $0x108;
	_ =	swait.ge @!p0 [sflag:s8], $0x0  }
0x24: {  	s3 =	sadd.s32 $0x88, s3;
	s6 =	simm.s32 @!p1 $0x1082;
	[sflag:s4] =	ssyncset.s32 $0xFFFFF086  }
0x25: {  	[simem:s6], [sflag:s4] =	dma.local [hbm:s3], $0xF7A  }
0x26: {  	[smem:$0x3F96] =	sst s1;
	(tag) =	ssettag s2;
	_ =	strace s9  }
0x27: {  	s1 =	sld [smem:$0x3FA6]  }
0x28: {  	s2 =	sld [smem:$0x3FA7]  }
0x29: {  	s4 =	sld [smem:$0x3FA9]  }
0x2a: {  	p0 =	seq.s32 s5, $0x0;
	s5 =	sld [smem:$0x3FAA]  }
0x2b: {  	s6 =	sld [smem:$0x3FAB]  }
0x2c: {  	s7 =	sld [smem:$0x3FAC]  }
0x2d: {  	s3 =	simm.s32 $0x108;
	s8 =	sld [smem:$0x3FAD]  }
0x2e: {  	s3 =	simm.s32 @!p0 $0x1082;
	s9 =	sld [smem:$0x3FAE]  }
0x2f: {  	lr =	sadd.s32 s0, s3;
	s0 =	sld [smem:$0x3FA5]  }
0x30: {  	s3 =	sld [smem:$0x3FA8]  }
0x31: {  	[smem:$0x3FB1] =	sst s10  }
0x32: {  	s10 =	sld [smem:$0x3FAF];
	_ =	sdelay $0x3  }
0x33: {  	p0 =	seq.s32 s10, $0x1;
	s10 =	sld [smem:$0x3FB1];
	_ =	sdelay $0x3  }
0x34: {  	[smem:$0x3FB1] =	sst s10  }
0x35: {  	s10 =	sld [smem:$0x3FB0];
	_ =	sdelay $0x3  }
0x36: {  	p1 =	seq.s32 s10, $0x1;
	s10 =	sld [smem:$0x3FB1];
	_ =	sdelay $0x3  }
0x37: {  	[smem:$0x3FB1] =	sst s10  }
0x38: {  	s10 =	sld [smem:$0x3FB2]  }
0x39: {  	_ = 	snop;
	(pc) =	sbr.ind lr, $3  }
0x3a: {  	_ = 	snop  }
0x3b: {  	_ = 	snop  }
0x3c: {  	p2 =	seq.s32 s10, $0x1;
	s10 =	sld [smem:$0x3FB1]  }
0x3d: {  	_ =	shalt  }
0x3e: {  	_ =	shalt  }
0x3f: {  	_ =	shalt  }
0x40: {  	_ =	shalt  }
0x41: {  	_ =	shalt  }
0x42: {  	_ =	shalt  }
0x43: {  	_ =	shalt  }
0x44: {  	_ =	shalt  }
0x45: {  	_ =	shalt  }
0x46: {  	_ =	shalt  }
0x47: {  	_ =	shalt  }
0x48: {  	_ =	shalt  }
0x49: {  	_ =	shalt  }
0x4a: {  	_ =	shalt  }
0x4b: {  	_ =	shalt  }
0x4c: {  	_ =	shalt  }
0x4d: {  	_ =	shalt  }
0x4e: {  	_ =	shalt  }
0x4f: {  	_ =	shalt  }
0x50: {  	_ =	shalt  }
0x51: {  	_ =	shalt  }
0x52: {  	_ =	shalt  }
0x53: {  	_ =	shalt  }
0x54: {  	_ =	shalt  }
0x55: {  	_ =	shalt  }
0x56: {  	_ =	shalt  }
0x57: {  	_ =	shalt  }
0x58: {  	_ =	shalt  }
0x59: {  	_ =	shalt  }
0x5a: {  	_ =	shalt  }
0x5b: {  	_ =	shalt  }
0x5c: {  	_ =	shalt  }
0x5d: {  	_ =	shalt  }
0x5e: {  	_ =	shalt  }
0x5f: {  	_ =	shalt  }
0x60: {  	_ =	shalt  }
0x61: {  	_ =	shalt  }
0x62: {  	_ =	shalt  }
0x63: {  	_ =	shalt  }
0x64: {  	_ =	shalt  }
0x65: {  	_ =	shalt  }
0x66: {  	_ =	shalt  }
0x67: {  	_ =	shalt  }
0x68: {  	_ =	shalt  }
0x69: {  	_ =	shalt  }
0x6a: {  	_ =	shalt  }
0x6b: {  	_ =	shalt  }
0x6c: {  	_ =	shalt  }
0x6d: {  	_ =	shalt  }
0x6e: {  	_ =	shalt  }
0x6f: {  	_ =	shalt  }
0x70: {  	_ =	shalt  }
0x71: {  	_ =	shalt  }
0x72: {  	_ =	shalt  }
0x73: {  	_ =	shalt  }
0x74: {  	_ =	shalt  }
0x75: {  	_ =	shalt  }
0x76: {  	_ =	shalt  }
0x77: {  	_ =	shalt  }
0x78: {  	_ =	shalt  }
0x79: {  	_ =	shalt  }
0x7a: {  	_ =	shalt  }
0x7b: {  	_ =	shalt  }
0x7c: {  	_ =	shalt  }
0x7d: {  	_ =	shalt  }
0x7e: {  	_ =	shalt  }
0x7f: {  	_ =	shalt  }
0x80: {  	_ =	shalt  }
0x81: {  	_ =	shalt  }
0x82: {  	_ =	shalt  }
0x83: {  	_ =	shalt  }
0x84: {  	_ =	shalt  }
0x85: {  	_ =	shalt  }
0x86: {  	_ =	shalt  }
0x87: {  	_ =	shalt  }
.Lfunc_end0:
.L_simem_size_0:
called_computation.3_lowered:
.L_overlay_start_0:
0x88: {  	s2 =	sld [smem:$0x3FD9]  }
0x89: {  	s3 =	sld [smem:$0x3FFE];
	_ =	sdelay $0x1  }
0x8a: {  	s1 =	srdreg.scid  }
0x8b: {  	s0 =	sand.u32 $0x1, s1  }
0x8c: {  	s17 =	sshll.u32 s0, $0xA;
	s2 =	sadd.s32 s3, s2  }
0x8d: {  	s2 =	sadd.s32 s2, s17  }
0x8e: {  	[smem:$0x3FBD] =	sst s2  }
0x8f: {  	_ = 	snop  }
0x90: {  	s2 =	sld [smem:$0x3FD0];
	(tm) =	ssettm $0x1  }
0x91: {  	s18 =	sld [smem:$0x3FFB];
	_ =	sdelay $0x3  }
0x92: {  	_ =	strace s18  }
0x93: {  	s3 =	sld [smem:$0x3FFC];
	_ =	sdelay $0x3  }
0x94: {  	_ =	strace s3  }
0x95: {  	s3 =	sld [smem:$0x3FFD];
	_ =	sdelay $0x3  }
0x96: {  	_ =	strace s3  }
0x97: {  	_ =	strace $0x8FFFFFFF  }
0x98: {  	s19 =	sld [smem:$0x3FDB];
	_ =	sdelay $0x1  }
0x99: {  	s4 =	simm.s32 $_scs_section_size  }
0x9a: {  	s5 =	simm.s32 $_size__tile_overlayer_lowered;
	s6 =	simm.s32 $_tile_overlayer_lowered  }
0x9b: {  	s22 =	simm.s32 $0x1BFF;
	s21 =	sshll.u32 s6, $0x1;
	s3 =	sadd.s32 s4, s19  }
0x9c: {  	s7 =	simm.s32 $0x0;
	s20 =	sshll.u32 s5, $0x1;
	s5 =	sadd.s32 s21, s3  }
0x9d: {  	[timem:s7], [sflag:s22] =	dma.local [hbm:s5], s20  }
0x9e: {  	_ =	swait.ge [sflag:s22], s20  }
0x9f: {  	s4 =	ssub.s32 $0x0, s20;
	[sflag:s22] =	ssyncset.done $0x0  }
0xa0: {  	[sflag:s22] =	ssyncadd.s32 s4;
	_ =	sdelay $0x1  }
0xa1: {  	s23 =	simm.s32 $0x1B8B  }
0xa2: {  	_ =	swait.ge [sflag:s23], $0x1  }
0xa3: {  	[sflag:s23] =	ssyncset.done $0x0  }
0xa4: {  	s25 =	simm.s32 $0x1B8E;
	s24 =	sld [smem:$0x3FFE];
	[sflag:s23] =	ssyncadd.s32 $0xFFFFFFFF  }
0xa5: {  	s26 =	simm.s32 $execute0_lowered;
	[smem:$0x3FD2] =	sst s25  }
0xa6: {  	s5 =	sshll.u32 s26, $0x1;
	_ =	strace $0x8000004F;
	[dreg:$0x1] =	wrdreg $0xFFFFFFFF  }
0xa7: {  	s28 =	simm.s32 $_size_execute0_lowered;
	s3 =	sadd.s32 s3, s5;
	[dreg:$0x0] =	wrdreg $0x0  }
0xa8: {  	s5 =	sshll.u32 s28, $0x1;
	[dreg:$0x2] =	wrdreg s3  }
0xa9: {  	[dreg:$0x3] =	wrdreg s5  }
0xaa: {  	[dreg:$0x4] =	wrdreg $0xC0  }
0xab: {  	_ =	task [dreg:s7], $0x5FFFF  }
0xac: {  	[dreg:$0x1] =	wrdreg $0xFFFFFFFF  }
0xad: {  	[dreg:$0x0] =	wrdreg $0x60  }
0xae: {  	[dreg:$0x2] =	wrdreg s2  }
0xaf: {  	[dreg:$0x3] =	wrdreg s24  }
0xb0: {  	[dreg:$0x4] =	wrdreg $0xA8000  }
0xb1: {  	[dreg:$0x5] =	wrdreg $0x9  }
0xb2: {  	_ =	task.clear_ibuf [dreg:s7], $0x6FFFF;
	_ =	strace $0x9000004F  }
0xb3: {  	s29 =	simm.s32 $0x9;
	_ =	strace $0x80000051  }
0xb4: {  	_ =	swait.ge [sflag:s29], $0x1  }
0xb5: {  	[sflag:s29] =	ssyncadd.s32 $0xFFFFFFFF  }
0xb6: {  	_ =	strace $0x90000051  }
0xb7: {  	_ =	sfence  }
0xb8: {  	s30 =	sld [smem:$0x0];
	_ =	sdelay $0x2  }
0xb9: {  	s31 =	sshll.u32 s1, $0xD;
	s1 =	sshrl.u32 s1, $0x2  }
0xba: {  	s3 =	sand.u32 $0x4000, s31;
	s1 =	sadd.s32 s1, s30  }
0xbb: {  	s0 =	sor.u32 s3, s0;
	s1 =	sshll.u32 s1, $0x11  }
0xbc: {  	s0 =	sor.u32 s1, s0  }
0xbd: {  	s0 =	sadd.s32 $0x8F2B, s0  }
0xbe: {  	[sflag:s0] =	ssyncadd.remote.s32 $0x1  }
0xbf: {  	_ =	sfence.sel $0xFFFF  }
0xc0: {  	[dreg:$0x0] =	wrdreg $0xFFFFFFFF;
	(pc) =	sbr.abs _section_cstart, $3  }
0xc1: {  	[dreg:$0x1] =	wrdreg $0xFFFFFFFF  }
0xc2: {  	_ =	task.clear_ibuf [dreg:s7], $0x2FFFF;
	_ =	strace $0x9FFFFFFF  }
0xc3: {  	(tm) =	ssettm $0x7FFFFFFF  }
tec
execute0_lowered:
.L_overlay_start_1:
0x0: {  	(tag) =	ssettag $0x1  }
0x1: {  	s0 =	rddreg [dreg:$0x0]  }
0x2: {  	s5 =	rddreg [dreg:$0x1];
	s1 =	srdreg.scid  }
0x3: {  	s3 =	rddreg [dreg:$0x2];
	s2 =	stileid.u32  }
0x4: {  	s4 =	simm.s32 $0x0;
	s17 =	simm.s32 $0x3;
	s18 =	simm.s32 $0x1400  }
0x5: {  	s19 =	simm.s32 $0x1;
	s20 =	simm.s32 $0x80;
	s21 =	simm.s32 $0x6800  }
0x6: {  	s22 =	simm.s32 $0x2;
	s23 =	simm.s32 $0x1380;
	s24 =	simm.s32 $0x2700  }
0x7: {  	s25 =	simm.s32 $0x2780;
	s6 =	sand.u32 $0x1, s1;
	s1 =	rddreg [dreg:$0x3]  }
0x8: {  	s26 =	simm.s32 $0x0;
	s8 =	smul.u32 $0x14000, s2;
	[smem:$0x7FF] =	sst s4  }
0x9: {  	s12 =	sadd.s32 $0x3200, s5;
	s13 =	sadd.s32 $0xD200, s5;
	s28 =	smul.u32 $0x50000, s2  }
0xa: {  	s7 =	smul.u32 $0x140000, s6;
	s29 =	ssub.s32 $0x2, s6;
	s6 =	sshll.u32 s6, $0x4  }
0xb: {  	_ =	strace $0x80000050;
	s30 =	sshrl.u32 s29, $0x1;
	s9 =	sor.u32 s2, s6  }
0xc: {  	s31 =	sshrl.u32 s28, $0x2;
	s7 =	sadd.s32 s8, s7;
	s10 =	smul.u32 $0x2800, s9  }
0xd: {  	s15 =	ssub.s32 s29, s30;
	s11 =	smul.u32 $0x500, s9;
	s7 =	sshrl.u32 s7, $0x3  }
0xe: {  	s15 =	smax.u32 s15, $0x1;
	s14 =	sadd.s32 s7, s5;
	s5 =	sadd.s32 s31, s3  }
0xf: {  	s16 =	sshrl.u32 s10, $0x3;
	s10 =	sadd.s32 s12, s11;
	s11 =	sadd.s32 s13, s11  }
0x10: {  	s6 =	sadd.s32 $0x4000, s5;
	s7 =	sadd.s32 $0x8000, s5;
	s8 =	sadd.s32 $0xC000, s5  }
0x11: {  	s9 =	sadd.s32 $0x10000, s5;
	s16 =	sadd.s32 $0x280, s16;
	s14 =	sadd.s32 $0x17200, s14  }
0x12: {  	v0 =	vimm.f32 $0.0e+00;
	s12 =	sadd.s32 s12, s16;
	s13 =	sadd.s32 s13, s16;
	s16 =	simm.s32 $0x2800  }
.LBB2_1:
0x13: {  	s28 =	simm.s32 $0x0;
	s29 =	simm.s32 $0x200  }
.LBB2_2:
0x14: {  	p0 =	sne.s32 s29, $0xFE00;
	[tilespmem:s28+$0x2870] =	vst v0  }
0x15: {  	[tilespmem:s28+$0x2800] =	vst v0  }
0x16: {  	[tilespmem:s28+$0x2810] =	vst v0  }
.Ltmp0:
0x17: {  	[tilespmem:s28+$0x2820] =	vst v0;
	(pc) =	sbr.rel @p0 .LBB2_2-.Ltmp0, $4  }
0x18: {  	[tilespmem:s28+$0x2830] =	vst v0  }
0x19: {  	[tilespmem:s28+$0x2840] =	vst v0  }
0x1a: {  	[tilespmem:s28+$0x2850] =	vst v0  }
0x1b: {  	[tilespmem:s28+$0x2860] =	vst v0;
	s28 =	sshra.s32 s29, $0x2;
	s29 =	sadd.s32 $0x200, s29  }
0x1c: {  	[tilespmem:s28+$0x2870] =	vst v0  }
0x1d: {  	[tilespmem:s28+$0x2800] =	vst v0  }
0x1e: {  	[tilespmem:s28+$0x2810] =	vst v0  }
0x1f: {  	[tilespmem:s28+$0x2820] =	vst v0  }
0x20: {  	[tilespmem:s28+$0x2830] =	vst v0  }
0x21: {  	[tilespmem:s28+$0x2840] =	vst v0  }
0x22: {  	[tilespmem:s28+$0x2850] =	vst v0  }
0x23: {  	[tilespmem:s28+$0x2860] =	vst v0  }
0x24: {  	[spmem:s5] =	stream.linear.scatter [tilespmem:s16], [sflag:$0x1], $0x4000, $0x38;
	[tilespmem:$0x1E800] =	vst v63  }
0x25: {  	_ = 	snop  }
0x26: {  	[spmem:s6] =	stream.linear.scatter [tilespmem:s16], [sflag:$0x1], $0x4000, $0x38;
	[tilespmem:$0x1E800] =	vst v63  }
0x27: {  	_ = 	snop  }
0x28: {  	[spmem:s7] =	stream.linear.scatter [tilespmem:s16], [sflag:$0x1], $0x4000, $0x38;
	[tilespmem:$0x1E800] =	vst v63  }
0x29: {  	_ = 	snop  }
0x2a: {  	[spmem:s8] =	stream.linear.scatter [tilespmem:s16], [sflag:$0x1], $0x4000, $0x38;
	[tilespmem:$0x1E800] =	vst v63  }
0x2b: {  	_ = 	snop  }
0x2c: {  	[spmem:s9] =	stream.linear.scatter [tilespmem:s16], [sflag:$0x1], $0x4000, $0x38;
	[tilespmem:$0x1E800] =	vst v63  }
0x2d: {  	s28 =	simm.s32 $0x0  }
0x2e: {  	[tilespmem:s28], [sflag:$0x3] =	stream.linear.gather [hbm4b:s10+s28], $0x1400, $0x38;
	[tilespmem:$0x1E800] =	vst v63  }
0x2f: {  	_ =	swait.ge [sflag:s17], $0x1400  }
0x30: {  	[sflag:s17] =	ssyncset.done $0x0  }
0x31: {  	[sflag:s17] =	ssyncadd.s32 $0xFFFFEC00  }
0x32: {  	[tilespmem:s18], [sflag:$0x3] =	stream.linear.gather [hbm4b:s11+s28], $0x1400, $0x38;
	[tilespmem:$0x1E800] =	vst v63  }
0x33: {  	_ =	swait.ge [sflag:s17], $0x1400  }
0x34: {  	[sflag:s17] =	ssyncset.done $0x0  }
0x35: {  	[sflag:s17] =	ssyncadd.s32 $0xFFFFEC00  }
0x36: {  	_ =	swait.ge [sflag:s19], $0x4000  }
0x37: {  	[sflag:s19] =	ssyncset.done $0x0  }
0x38: {  	[sflag:s19] =	ssyncadd.s32 $0xFFFFC000  }
0x39: {  	_ =	swait.ge [sflag:s19], $0x4000  }
0x3a: {  	[sflag:s19] =	ssyncset.done $0x0  }
0x3b: {  	[sflag:s19] =	ssyncadd.s32 $0xFFFFC000  }
0x3c: {  	_ =	swait.ge [sflag:s19], $0x4000  }
0x3d: {  	[sflag:s19] =	ssyncset.done $0x0  }
0x3e: {  	[sflag:s19] =	ssyncadd.s32 $0xFFFFC000  }
0x3f: {  	_ =	swait.ge [sflag:s19], $0x4000  }
0x40: {  	[sflag:s19] =	ssyncset.done $0x0  }
0x41: {  	[sflag:s19] =	ssyncadd.s32 $0xFFFFC000  }
0x42: {  	_ =	swait.ge [sflag:s19], $0x4000  }
0x43: {  	[sflag:s19] =	ssyncset.done $0x0  }
0x44: {  	[sflag:s19] =	ssyncadd.s32 $0xFFFFC000  }
0x45: {  	[bflag:$0x0] =	sbarrier.arrive $0xFFFF  }
0x46: {  	[tilespmem:s16], [sflag:$0x1] =	stream.indirect.gather [hbm4b:s0+s20], $0x80, s28, s20, $0xb8;
	[tilespmem:$0x1E800] =	vst v63  }
0x47: {  	_ =	swait.ge [sflag:s19], $0x4000  }
0x48: {  	[sflag:s19] =	ssyncset.done $0x0  }
0x49: {  	s28 =	simm.s32 $0x80;
	[sflag:s19] =	ssyncadd.s32 $0xFFFFC000  }
0x4a: {  	[tilespmem:s21], [sflag:$0x2] =	stream.indirect.gather [hbm4b:s0+s20], $0x80, s28, s20, $0xb8;
	[tilespmem:$0x1E800] =	vst v63  }
0x4b: {  	s28 =	simm.s32 $0x1400  }
0x4c: {  	[spmem:s3] =	stream.indirect.scatter.add.f32 [tilespmem:s16], [sflag:$0x3], $0x80, s28, s20, $0xb8;
	[tilespmem:$0x1E800] =	vst v63  }
0x4d: {  	_ =	swait.ge [sflag:s17], $0x4000  }
0x4e: {  	[sflag:s17] =	ssyncset.done $0x0  }
0x4f: {  	[sflag:s17] =	ssyncadd.s32 $0xFFFFC000  }
0x50: {  	_ =	swait.ge [sflag:s22], $0x4000  }
0x51: {  	[sflag:s22] =	ssyncset.done $0x0  }
0x52: {  	s28 =	simm.s32 $0x100;
	[sflag:s22] =	ssyncadd.s32 $0xFFFFC000  }
0x53: {  	[tilespmem:s16], [sflag:$0x1] =	stream.indirect.gather [hbm4b:s0+s20], $0x80, s28, s20, $0xb8;
	[tilespmem:$0x1E800] =	vst v63  }
0x54: {  	s28 =	simm.s32 $0x1480  }
0x55: {  	[spmem:s3] =	stream.indirect.scatter.add.f32 [tilespmem:s21], [sflag:$0x3], $0x80, s28, s20, $0xb8;
	[tilespmem:$0x1E800] =	vst v63  }
0x56: {  	_ =	swait.ge [sflag:s17], $0x4000  }
0x57: {  	s28 =	simm.s32 $0x400;
	[sflag:s17] =	ssyncset.done $0x0  }
.LBB2_4:
0x58: {  	p0 =	sne.s32 s28, $0x4800  }
0x59: {  	[sflag:s17] =	ssyncadd.s32 $0xFFFFC000;
	s29 =	smov.u32 s28;
	s28 =	sadd.s32 $0x400, s28  }
0x5a: {  	_ = 	snop  }
0x5b: {  	_ =	swait.ge [sflag:s19], $0x4000  }
0x5c: {  	s29 =	sshra.s32 s29, $0x2;
	[sflag:s19] =	ssyncset.done $0x0  }
0x5d: {  	s30 =	sadd.s32 $0x80, s29;
	[sflag:s19] =	ssyncadd.s32 $0xFFFFC000  }
0x5e: {  	[tilespmem:s21], [sflag:$0x2] =	stream.indirect.gather [hbm4b:s0+s20], $0x80, s30, s20, $0xb8;
	[tilespmem:$0x1E800] =	vst v63  }
0x5f: {  	s30 =	sadd.s32 $0x1400, s29  }
0x60: {  	[spmem:s3] =	stream.indirect.scatter.add.f32 [tilespmem:s16], [sflag:$0x3], $0x80, s30, s20, $0xb8;
	[tilespmem:$0x1E800] =	vst v63  }
0x61: {  	_ =	swait.ge [sflag:s17], $0x4000  }
0x62: {  	[sflag:s17] =	ssyncset.done $0x0  }
0x63: {  	[sflag:s17] =	ssyncadd.s32 $0xFFFFC000  }
0x64: {  	_ =	swait.ge [sflag:s22], $0x4000  }
0x65: {  	[sflag:s22] =	ssyncset.done $0x0  }
0x66: {  	s30 =	sadd.s32 $0x100, s29;
	[sflag:s22] =	ssyncadd.s32 $0xFFFFC000  }
0x67: {  	[tilespmem:s16], [sflag:$0x1] =	stream.indirect.gather [hbm4b:s0+s20], $0x80, s30, s20, $0xb8;
	[tilespmem:$0x1E800] =	vst v63  }
.Ltmp1:
0x68: {  	_ = 	snop;
	(pc) =	sbr.rel @p0 .LBB2_4-.Ltmp1, $4  }
0x69: {  	s29 =	sadd.s32 $0x1480, s29  }
0x6a: {  	[spmem:s3] =	stream.indirect.scatter.add.f32 [tilespmem:s21], [sflag:$0x3], $0x80, s29, s20, $0xb8;
	[tilespmem:$0x1E800] =	vst v63  }
0x6b: {  	_ =	swait.ge [sflag:s17], $0x4000  }
0x6c: {  	[sflag:s17] =	ssyncset.done $0x0  }
0x6d: {  	[sflag:s17] =	ssyncadd.s32 $0xFFFFC000  }
0x6e: {  	_ =	swait.ge [sflag:s19], $0x4000  }
0x6f: {  	[sflag:s19] =	ssyncset.done $0x0  }
0x70: {  	[sflag:s19] =	ssyncadd.s32 $0xFFFFC000  }
0x71: {  	[tilespmem:s21], [sflag:$0x2] =	stream.indirect.gather [hbm4b:s0+s20], $0x80, s23, s20, $0xb8;
	[tilespmem:$0x1E800] =	vst v63  }
0x72: {  	_ = 	snop  }
0x73: {  	[spmem:s3] =	stream.indirect.scatter.add.f32 [tilespmem:s16], [sflag:$0x3], $0x80, s24, s20, $0xb8;
	[tilespmem:$0x1E800] =	vst v63  }
0x74: {  	_ =	swait.ge [sflag:s17], $0x4000  }
0x75: {  	[sflag:s17] =	ssyncset.done $0x0  }
0x76: {  	[sflag:s17] =	ssyncadd.s32 $0xFFFFC000  }
0x77: {  	_ =	swait.ge [sflag:s22], $0x4000  }
0x78: {  	[sflag:s22] =	ssyncset.done $0x0  }
0x79: {  	s28 =	simm.s32 $0x0;
	[sflag:s22] =	ssyncadd.s32 $0xFFFFC000  }
0x7a: {  	[tilespmem:s16], [sflag:$0x1] =	stream.indirect.gather [hbm4b:s0+s20], $0x80, s28, s20, $0xb8;
	[tilespmem:$0x1E800] =	vst v63  }
0x7b: {  	_ = 	snop  }
0x7c: {  	[spmem:s3] =	stream.indirect.scatter.add.f32 [tilespmem:s21], [sflag:$0x3], $0x80, s25, s20, $0xb8;
	[tilespmem:$0x1E800] =	vst v63  }
0x7d: {  	_ =	swait.ge [sflag:s17], $0x4000  }
0x7e: {  	[sflag:s17] =	ssyncset.done $0x0  }
0x7f: {  	[sflag:s17] =	ssyncadd.s32 $0xFFFFC000  }
0x80: {  	_ =	swait.ge [sflag:s19], $0x4000  }
0x81: {  	[sflag:s19] =	ssyncset.done $0x0  }
0x82: {  	[sflag:s19] =	ssyncadd.s32 $0xFFFFC000  }
0x83: {  	[tilespmem:s28], [sflag:$0x3] =	stream.linear.gather [hbm4b:s12+s28], $0x1400, $0x38;
	[tilespmem:$0x1E800] =	vst v63  }
0x84: {  	_ =	swait.ge [sflag:s17], $0x1400  }
0x85: {  	[sflag:s17] =	ssyncset.done $0x0  }
0x86: {  	[sflag:s17] =	ssyncadd.s32 $0xFFFFEC00  }
0x87: {  	[tilespmem:s18], [sflag:$0x3] =	stream.linear.gather [hbm4b:s13+s28], $0x1400, $0x38;
	[tilespmem:$0x1E800] =	vst v63  }
0x88: {  	_ =	swait.ge [sflag:s17], $0x1400  }
0x89: {  	[sflag:s17] =	ssyncset.done $0x0  }
0x8a: {  	[sflag:s17] =	ssyncadd.s32 $0xFFFFEC00  }
0x8b: {  	[tilespmem:s16], [sflag:$0x1] =	stream.indirect.gather [hbm4b:s0+s20], $0x80, s28, s20, $0xb8;
	[tilespmem:$0x1E800] =	vst v63  }
0x8c: {  	_ =	swait.ge [sflag:s19], $0x4000  }
0x8d: {  	[sflag:s19] =	ssyncset.done $0x0  }
0x8e: {  	s28 =	simm.s32 $0x80;
	[sflag:s19] =	ssyncadd.s32 $0xFFFFC000  }
0x8f: {  	[tilespmem:s21], [sflag:$0x2] =	stream.indirect.gather [hbm4b:s0+s20], $0x80, s28, s20, $0xb8;
	[tilespmem:$0x1E800] =	vst v63  }
0x90: {  	s28 =	simm.s32 $0x1400  }
0x91: {  	[spmem:s3] =	stream.indirect.scatter.add.f32 [tilespmem:s16], [sflag:$0x3], $0x80, s28, s20, $0xb8;
	[tilespmem:$0x1E800] =	vst v63  }
0x92: {  	_ =	swait.ge [sflag:s17], $0x4000  }
0x93: {  	[sflag:s17] =	ssyncset.done $0x0  }
0x94: {  	[sflag:s17] =	ssyncadd.s32 $0xFFFFC000  }
0x95: {  	_ =	swait.ge [sflag:s22], $0x4000  }
0x96: {  	[sflag:s22] =	ssyncset.done $0x0  }
0x97: {  	s28 =	simm.s32 $0x100;
	[sflag:s22] =	ssyncadd.s32 $0xFFFFC000  }
0x98: {  	[tilespmem:s16], [sflag:$0x1] =	stream.indirect.gather [hbm4b:s0+s20], $0x80, s28, s20, $0xb8;
	[tilespmem:$0x1E800] =	vst v63  }
0x99: {  	s28 =	simm.s32 $0x1480  }
0x9a: {  	[spmem:s3] =	stream.indirect.scatter.add.f32 [tilespmem:s21], [sflag:$0x3], $0x80, s28, s20, $0xb8;
	[tilespmem:$0x1E800] =	vst v63  }
0x9b: {  	_ =	swait.ge [sflag:s17], $0x4000  }
0x9c: {  	s28 =	simm.s32 $0x400;
	[sflag:s17] =	ssyncset.done $0x0  }
.LBB2_6:
0x9d: {  	p0 =	sne.s32 s28, $0x4800  }
0x9e: {  	[sflag:s17] =	ssyncadd.s32 $0xFFFFC000;
	s29 =	smov.u32 s28;
	s28 =	sadd.s32 $0x400, s28  }
0x9f: {  	_ = 	snop  }
0xa0: {  	_ =	swait.ge [sflag:s19], $0x4000  }
0xa1: {  	s29 =	sshra.s32 s29, $0x2;
	[sflag:s19] =	ssyncset.done $0x0  }
0xa2: {  	s30 =	sadd.s32 $0x80, s29;
	[sflag:s19] =	ssyncadd.s32 $0xFFFFC000  }
0xa3: {  	[tilespmem:s21], [sflag:$0x2] =	stream.indirect.gather [hbm4b:s0+s20], $0x80, s30, s20, $0xb8;
	[tilespmem:$0x1E800] =	vst v63  }
0xa4: {  	s30 =	sadd.s32 $0x1400, s29  }
0xa5: {  	[spmem:s3] =	stream.indirect.scatter.add.f32 [tilespmem:s16], [sflag:$0x3], $0x80, s30, s20, $0xb8;
	[tilespmem:$0x1E800] =	vst v63  }
0xa6: {  	_ =	swait.ge [sflag:s17], $0x4000  }
0xa7: {  	[sflag:s17] =	ssyncset.done $0x0  }
0xa8: {  	[sflag:s17] =	ssyncadd.s32 $0xFFFFC000  }
0xa9: {  	_ =	swait.ge [sflag:s22], $0x4000  }
0xaa: {  	[sflag:s22] =	ssyncset.done $0x0  }
0xab: {  	s30 =	sadd.s32 $0x100, s29;
	[sflag:s22] =	ssyncadd.s32 $0xFFFFC000  }
0xac: {  	[tilespmem:s16], [sflag:$0x1] =	stream.indirect.gather [hbm4b:s0+s20], $0x80, s30, s20, $0xb8;
	[tilespmem:$0x1E800] =	vst v63  }
.Ltmp2:
0xad: {  	_ = 	snop;
	(pc) =	sbr.rel @p0 .LBB2_6-.Ltmp2, $4  }
0xae: {  	s29 =	sadd.s32 $0x1480, s29  }
0xaf: {  	[spmem:s3] =	stream.indirect.scatter.add.f32 [tilespmem:s21], [sflag:$0x3], $0x80, s29, s20, $0xb8;
	[tilespmem:$0x1E800] =	vst v63  }
0xb0: {  	_ =	swait.ge [sflag:s17], $0x4000  }
0xb1: {  	[sflag:s17] =	ssyncset.done $0x0  }
0xb2: {  	[sflag:s17] =	ssyncadd.s32 $0xFFFFC000  }
0xb3: {  	_ =	swait.ge [sflag:s19], $0x4000  }
0xb4: {  	[sflag:s19] =	ssyncset.done $0x0  }
0xb5: {  	[sflag:s19] =	ssyncadd.s32 $0xFFFFC000  }
0xb6: {  	[tilespmem:s21], [sflag:$0x2] =	stream.indirect.gather [hbm4b:s0+s20], $0x80, s23, s20, $0xb8;
	[tilespmem:$0x1E800] =	vst v63  }
0xb7: {  	_ = 	snop  }
0xb8: {  	[spmem:s3] =	stream.indirect.scatter.add.f32 [tilespmem:s16], [sflag:$0x3], $0x80, s24, s20, $0xb8;
	[tilespmem:$0x1E800] =	vst v63  }
0xb9: {  	_ =	swait.ge [sflag:s17], $0x4000  }
0xba: {  	[sflag:s17] =	ssyncset.done $0x0  }
0xbb: {  	[sflag:s17] =	ssyncadd.s32 $0xFFFFC000  }
0xbc: {  	_ =	swait.ge [sflag:s22], $0x4000  }
0xbd: {  	[sflag:s22] =	ssyncset.done $0x0  }
0xbe: {  	[sflag:s22] =	ssyncadd.s32 $0xFFFFC000  }
0xbf: {  	[tilespmem:s16], [sflag:$0x1] =	stream.indirect.gather [hbm4b:s0+s20], $0x80, s4, s20, $0xb8;
	[tilespmem:$0x1E800] =	vst v63  }
0xc0: {  	_ = 	snop  }
0xc1: {  	[spmem:s3] =	stream.indirect.scatter.add.f32 [tilespmem:s21], [sflag:$0x3], $0x80, s25, s20, $0xb8;
	[tilespmem:$0x1E800] =	vst v63  }
0xc2: {  	_ =	swait.ge [sflag:s17], $0x4000  }
0xc3: {  	[sflag:s17] =	ssyncset.done $0x0  }
0xc4: {  	[sflag:s17] =	ssyncadd.s32 $0xFFFFC000  }
0xc5: {  	_ =	swait.ge [sflag:s19], $0x4000  }
0xc6: {  	s28 =	sshll.u32 s2, $0x6;
	s26 =	sadd.s32 $0x1, s26;
	[sflag:s19] =	ssyncset.done $0x0  }
0xc7: {  	s29 =	sshrl.u32 s5, $0x3;
	p0 =	sne.s32 s26, s15;
	[sflag:s19] =	ssyncadd.s32 $0xFFFFC000  }
.Ltmp3:
0xc8: {  	s28 =	sor.u32 $0x1C03, s28;
	[bflag:$0x0] =	sbarrier.arrive $0xFFFF;
	(pc) =	sbr.rel @p0 .LBB2_1-.Ltmp3, $4  }
0xc9: {  	[hbm:s14], [sflag:s28] =	dma.local [spmem:s29], $0x2800  }
0xca: {  	_ =	swait.ge [sflag:s17], $0x2800  }
0xcb: {  	[sflag:s17] =	ssyncset.done $0x0  }
0xcc: {  	[sflag:s17] =	ssyncadd.s32 $0xFFFFD800  }
0xcd: {  	_ =	sfence.sel $0x180000  }
0xce: {  	[bflag:$0x0] =	sbarrier.arrive $0xFFFF  }
0xcf: {  	p0 =	sne.s32 s2, $0x0;
	_ =	strace $0x90000050  }
0xd0: {  	s0 =	sadd.s32 @!p0 $0x100000, s1;
	[bflag:$0x2] =	sbarrier.arrive $0xFFFF  }
0xd1: {  	[sflag:s0] =	ssyncadd.tile.s32 @!p0 $0x1;
	_ =	shalt  }
.Lfunc_end2:
_tile_overlayer_lowered:
.L_overlay_start_2:
0xd2: {  	(tag) =	ssettag $0x2  }
0xd3: {  	s0 =	rddreg [dreg:$0x0];
	s2 =	stileid.u32  }
0xd4: {  	s1 =	rddreg [dreg:$0x1];
	p0 =	sne.s32 s2, $0x0  }
0xd5: {  	s3 =	rddreg [dreg:$0x2];
	[bflag:$0x3] =	sbarrier.arrive $0xFFFF;
	s2 =	simm.s32 @!p0 $0x1C03  }
0xd6: {  	[timem:s3], [sflag:s2] =	dma.local @!p0 [hbm:s0], s1  }
0xd7: {  	s0 =	simm.s32 @!p0 $0x3  }
0xd8: {  	_ =	swait.ge @!p0 [sflag:s0], s1  }
0xd9: {  	s1 =	ssub.s32 @!p0 $0x0, s1;
	[sflag:s0] =	ssyncset.done @!p0 $0x0  }
0xda: {  	[sflag:s0] =	ssyncadd.s32 @!p0 s1  }
0xdb: {  	[bflag:$0x3] =	sbarrier.arrive $0xFFFF  }
0xdc: {  	_ =	shalt  }

// kernel: kernel.9.cloned.1.call-start
scs
__scs_entry_jumppad:
0x0: {  	(pc) =	sbr.rel $0x88, $3  }
0x1: {  	(tag) =	ssettag $0x0;
	lr =	simm.s32 $0x1  }
0x2: {  	[smem:$0x3F96] =	sst lr;
	_ =	strace $0xD0000000  }
0x3: {  	_ = 	snop  }
0x4: {  	_ = 	snop  }
0x5: {  	_ = 	snop  }
0x6: {  	_ = 	snop  }
0x7: {  	_ = 	snop  }
__scs_overlays_trampoline_lowered:
0x8: {  	[smem:$0x3FA5] =	sst s0  }
0x9: {  	[smem:$0x3FA6] =	sst s1  }
0xa: {  	[smem:$0x3FA7] =	sst s2  }
0xb: {  	[smem:$0x3FA8] =	sst s3  }
0xc: {  	[smem:$0x3FA9] =	sst s4  }
0xd: {  	[smem:$0x3FAA] =	sst s5  }
0xe: {  	[smem:$0x3FAB] =	sst s6  }
0xf: {  	[smem:$0x3FAC] =	sst s7  }
0x10: {  	[smem:$0x3FAD] =	sst s8  }
0x11: {  	[smem:$0x3FAE] =	sst s9;
	s0 =	simm.s32 @!p0 $0x0  }
0x12: {  	s1 =	sld [smem:$0x3F94];
	s0 =	simm.s32 @p0 $0x1  }
0x13: {  	[smem:$0x3FAF] =	sst s0;
	s0 =	simm.s32 @!p1 $0x0  }
0x14: {  	s2 =	sld [smem:$0x3F93];
	s0 =	simm.s32 @p1 $0x1  }
0x15: {  	[smem:$0x3FB0] =	sst s0;
	s0 =	simm.s32 @!p2 $0x0  }
0x16: {  	s3 =	sld [smem:$0x3FDB];
	s0 =	simm.s32 @p2 $0x1  }
0x17: {  	s4 =	simm.s32 $0x1BF5;
	[smem:$0x3FB2] =	sst s0  }
0x18: {  	s0 =	sld [smem:$0x3F95];
	_ =	swait.ge [sflag:s4], $0x0  }
0x19: {  	s7 =	sld [smem:$0x3F96]  }
0x1a: {  	s8 =	sadd.s32 $0xFFFFE003, lr  }
0x1b: {  	s9 =	sadd.s32 $0xFFFFFEF7, lr;
	s5 =	simm.s32 $0xFFFFFFFF;
	p2 =	slt.u32 s8, $0xFFFFF086  }
0x1c: {  	p1 =	slt.u32 s9, $0xF7A;
	s5 =	simm.s32 @!p2 $0x0  }
0x1d: {  	s5 =	simm.s32 @p1 $0x1;
	p0 =	seq.s32 s7, s2  }
0x1e: {  	s7 =	smul.u32 @!p0 $0xF7A, s2;
	p2 =	seq.s32 @!p0 s5, $0x0  }
0x1f: {  	s9 =	smul.u32 $0xF7A, s1;
	s8 =	simm.s32 @!p0 $0x1BF5;
	p2 =	por !p2, p0  }
0x20: {  	[sflag:s8] =	ssyncset.s32 @!p0 $0xFFFFF086;
	s6 =	sadd.s32 @!p0 s3, s7;
	s7 =	simm.s32 @!p0 $0x108  }
0x21: {  	s3 =	sadd.s32 s3, s9;
	s6 =	sadd.s32 @!p0 $0x88, s6;
	s7 =	simm.s32 @p2 $0x1082  }
0x22: {  	[simem:s7], [sflag:s8] =	dma.local @!p0 [hbm:s6], $0xF7A  }
0x23: {  	s9 =	sor.u32 $0xD0000000, s2;
	s6 =	simm.s32 $0x108;
	_ =	swait.ge @!p0 [sflag:s8], $0x0  }
0x24: {  	s3 =	sadd.s32 $0x88, s3;
	s6 =	simm.s32 @!p1 $0x1082;
	[sflag:s4] =	ssyncset.s32 $0xFFFFF086  }
0x25: {  	[simem:s6], [sflag:s4] =	dma.local [hbm:s3], $0xF7A  }
0x26: {  	[smem:$0x3F96] =	sst s1;
	(tag) =	ssettag s2;
	_ =	strace s9  }
0x27: {  	s1 =	sld [smem:$0x3FA6]  }
0x28: {  	s2 =	sld [smem:$0x3FA7]  }
0x29: {  	s4 =	sld [smem:$0x3FA9]  }
0x2a: {  	p0 =	seq.s32 s5, $0x0;
	s5 =	sld [smem:$0x3FAA]  }
0x2b: {  	s6 =	sld [smem:$0x3FAB]  }
0x2c: {  	s7 =	sld [smem:$0x3FAC]  }
0x2d: {  	s3 =	simm.s32 $0x108;
	s8 =	sld [smem:$0x3FAD]  }
0x2e: {  	s3 =	simm.s32 @!p0 $0x1082;
	s9 =	sld [smem:$0x3FAE]  }
0x2f: {  	lr =	sadd.s32 s0, s3;
	s0 =	sld [smem:$0x3FA5]  }
0x30: {  	s3 =	sld [smem:$0x3FA8]  }
0x31: {  	[smem:$0x3FB1] =	sst s10  }
0x32: {  	s10 =	sld [smem:$0x3FAF];
	_ =	sdelay $0x3  }
0x33: {  	p0 =	seq.s32 s10, $0x1;
	s10 =	sld [smem:$0x3FB1];
	_ =	sdelay $0x3  }
0x34: {  	[smem:$0x3FB1] =	sst s10  }
0x35: {  	s10 =	sld [smem:$0x3FB0];
	_ =	sdelay $0x3  }
0x36: {  	p1 =	seq.s32 s10, $0x1;
	s10 =	sld [smem:$0x3FB1];
	_ =	sdelay $0x3  }
0x37: {  	[smem:$0x3FB1] =	sst s10  }
0x38: {  	s10 =	sld [smem:$0x3FB2]  }
0x39: {  	_ = 	snop;
	(pc) =	sbr.ind lr, $3  }
0x3a: {  	_ = 	snop  }
0x3b: {  	_ = 	snop  }
0x3c: {  	p2 =	seq.s32 s10, $0x1;
	s10 =	sld [smem:$0x3FB1]  }
0x3d: {  	_ =	shalt  }
0x3e: {  	_ =	shalt  }
0x3f: {  	_ =	shalt  }
0x40: {  	_ =	shalt  }
0x41: {  	_ =	shalt  }
0x42: {  	_ =	shalt  }
0x43: {  	_ =	shalt  }
0x44: {  	_ =	shalt  }
0x45: {  	_ =	shalt  }
0x46: {  	_ =	shalt  }
0x47: {  	_ =	shalt  }
0x48: {  	_ =	shalt  }
0x49: {  	_ =	shalt  }
0x4a: {  	_ =	shalt  }
0x4b: {  	_ =	shalt  }
0x4c: {  	_ =	shalt  }
0x4d: {  	_ =	shalt  }
0x4e: {  	_ =	shalt  }
0x4f: {  	_ =	shalt  }
0x50: {  	_ =	shalt  }
0x51: {  	_ =	shalt  }
0x52: {  	_ =	shalt  }
0x53: {  	_ =	shalt  }
0x54: {  	_ =	shalt  }
0x55: {  	_ =	shalt  }
0x56: {  	_ =	shalt  }
0x57: {  	_ =	shalt  }
0x58: {  	_ =	shalt  }
0x59: {  	_ =	shalt  }
0x5a: {  	_ =	shalt  }
0x5b: {  	_ =	shalt  }
0x5c: {  	_ =	shalt  }
0x5d: {  	_ =	shalt  }
0x5e: {  	_ =	shalt  }
0x5f: {  	_ =	shalt  }
0x60: {  	_ =	shalt  }
0x61: {  	_ =	shalt  }
0x62: {  	_ =	shalt  }
0x63: {  	_ =	shalt  }
0x64: {  	_ =	shalt  }
0x65: {  	_ =	shalt  }
0x66: {  	_ =	shalt  }
0x67: {  	_ =	shalt  }
0x68: {  	_ =	shalt  }
0x69: {  	_ =	shalt  }
0x6a: {  	_ =	shalt  }
0x6b: {  	_ =	shalt  }
0x6c: {  	_ =	shalt  }
0x6d: {  	_ =	shalt  }
0x6e: {  	_ =	shalt  }
0x6f: {  	_ =	shalt  }
0x70: {  	_ =	shalt  }
0x71: {  	_ =	shalt  }
0x72: {  	_ =	shalt  }
0x73: {  	_ =	shalt  }
0x74: {  	_ =	shalt  }
0x75: {  	_ =	shalt  }
0x76: {  	_ =	shalt  }
0x77: {  	_ =	shalt  }
0x78: {  	_ =	shalt  }
0x79: {  	_ =	shalt  }
0x7a: {  	_ =	shalt  }
0x7b: {  	_ =	shalt  }
0x7c: {  	_ =	shalt  }
0x7d: {  	_ =	shalt  }
0x7e: {  	_ =	shalt  }
0x7f: {  	_ =	shalt  }
0x80: {  	_ =	shalt  }
0x81: {  	_ =	shalt  }
0x82: {  	_ =	shalt  }
0x83: {  	_ =	shalt  }
0x84: {  	_ =	shalt  }
0x85: {  	_ =	shalt  }
0x86: {  	_ =	shalt  }
0x87: {  	_ =	shalt  }
.Lfunc_end0:
.L_simem_size_0:
called_computation_lowered:
.L_overlay_start_0:
0x88: {  	s2 =	sld [smem:$0x3FD9]  }
0x89: {  	s3 =	sld [smem:$0x3FFE];
	_ =	sdelay $0x1  }
0x8a: {  	s1 =	srdreg.scid  }
0x8b: {  	s0 =	sand.u32 $0x1, s1  }
0x8c: {  	s17 =	sshll.u32 s0, $0xA;
	s2 =	sadd.s32 s3, s2  }
0x8d: {  	s2 =	sadd.s32 s2, s17  }
0x8e: {  	[smem:$0x3FBD] =	sst s2  }
0x8f: {  	_ = 	snop  }
0x90: {  	(tm) =	ssettm $0x1  }
0x91: {  	s18 =	sld [smem:$0x3FFB];
	_ =	sdelay $0x3  }
0x92: {  	_ =	strace s18  }
0x93: {  	s2 =	sld [smem:$0x3FFC];
	_ =	sdelay $0x3  }
0x94: {  	_ =	strace s2  }
0x95: {  	s2 =	sld [smem:$0x3FFD];
	_ =	sdelay $0x3  }
0x96: {  	_ =	strace s2  }
0x97: {  	_ =	strace $0x8FFFFFFF  }
0x98: {  	s19 =	sld [smem:$0x3FDB];
	_ =	sdelay $0x1  }
0x99: {  	s20 =	simm.s32 $_scs_section_size  }
0x9a: {  	s4 =	simm.s32 $_size__tile_overlayer_lowered;
	s5 =	simm.s32 $_tile_overlayer_lowered  }
0x9b: {  	s6 =	simm.s32 $0x1BFF;
	s21 =	sshll.u32 s5, $0x1;
	s3 =	sadd.s32 s20, s19  }
0x9c: {  	s22 =	simm.s32 $0x0;
	s4 =	sshll.u32 s4, $0x1;
	s5 =	sadd.s32 s21, s3  }
0x9d: {  	[timem:s22], [sflag:s6] =	dma.local [hbm:s5], s4  }
0x9e: {  	_ =	swait.ge [sflag:s6], s4  }
0x9f: {  	s4 =	ssub.s32 $0x0, s4;
	[sflag:s6] =	ssyncset.done $0x0  }
0xa0: {  	[sflag:s6] =	ssyncadd.s32 s4;
	_ =	sdelay $0x1  }
0xa1: {  	s23 =	simm.s32 $0x1B8B  }
0xa2: {  	_ =	swait.ge [sflag:s23], $0x1  }
0xa3: {  	[sflag:s23] =	ssyncset.done $0x0  }
0xa4: {  	[sflag:s23] =	ssyncadd.s32 $0xFFFFFFFF  }
0xa5: {  	s4 =	sld [smem:$0x0]  }
0xa6: {  	s5 =	sand.u32 $0xFFFFFFFE, s1  }
0xa7: {  	p0 =	sne.s32 s1, s5  }
0xa8: {  	s5 =	sshll.u32 @p0 s5, $0xE  }
0xa9: {  	s5 =	sadd.s32 @p0 $0x11B8D, s5;
	s6 =	sshll.u32 @p0 s4, $0x11  }
0xaa: {  	s5 =	sor.u32 @p0 s6, s5  }
0xab: {  	[sflag:s5] =	ssyncadd.remote.s32 @p0 $0x1;
	_ =	sdelay $0x1  }
0xac: {  	s5 =	simm.s32 @p0 $0x1B8D  }
0xad: {  	_ =	swait.eq @p0 [sflag:s5], $0x1  }
0xae: {  	[sflag:s5] =	ssyncadd.s32 @p0 $0xFFFFFFFF  }
0xaf: {  	s6 =	sshll.u32 @!p0 s1, $0xE  }
0xb0: {  	s6 =	sor.u32 @!p0 $0x4000, s6;
	s5 =	simm.s32 @!p0 $0x1B8D  }
0xb1: {  	s4 =	sshll.u32 @!p0 s4, $0x11;
	s6 =	sadd.s32 @!p0 $0x11B8D, s6;
	_ =	swait.eq @!p0 [sflag:s5], $0x1  }
0xb2: {  	s4 =	sor.u32 @!p0 s4, s6;
	[sflag:s5] =	ssyncadd.s32 @!p0 $0xFFFFFFFF  }
0xb3: {  	s25 =	simm.s32 $0x1B8E;
	s24 =	sld [smem:$0x3FFE];
	[sflag:s4] =	ssyncadd.remote.s32 @!p0 $0x1  }
0xb4: {  	s26 =	simm.s32 $execute0_lowered;
	[smem:$0x3FD2] =	sst s25  }
0xb5: {  	s5 =	sshll.u32 s26, $0x1;
	_ =	strace $0x80000049;
	[dreg:$0x1] =	wrdreg $0xFFFFFFFF  }
0xb6: {  	s28 =	simm.s32 $_size_execute0_lowered;
	s3 =	sadd.s32 s3, s5;
	[dreg:$0x0] =	wrdreg $0x0  }
0xb7: {  	s5 =	sshll.u32 s28, $0x1;
	[dreg:$0x2] =	wrdreg s3  }
0xb8: {  	[dreg:$0x3] =	wrdreg s5  }
0xb9: {  	[dreg:$0x4] =	wrdreg $0xC0  }
0xba: {  	_ =	task [dreg:s22], $0x5FFFF  }
0xbb: {  	[dreg:$0x1] =	wrdreg $0xFFFFFFFF  }
0xbc: {  	[dreg:$0x0] =	wrdreg $0x60  }
0xbd: {  	[dreg:$0x2] =	wrdreg s24  }
0xbe: {  	[dreg:$0x3] =	wrdreg $0xBA800  }
0xbf: {  	[dreg:$0x4] =	wrdreg $0x9  }
0xc0: {  	_ =	task.clear_ibuf [dreg:s22], $0x5FFFF;
	_ =	strace $0x90000049  }
0xc1: {  	s29 =	simm.s32 $0x9;
	_ =	strace $0x8000004B  }
0xc2: {  	_ =	swait.ge [sflag:s29], $0x1  }
0xc3: {  	[sflag:s29] =	ssyncadd.s32 $0xFFFFFFFF  }
0xc4: {  	_ =	strace $0x9000004B  }
0xc5: {  	_ =	sfence  }
0xc6: {  	s30 =	sld [smem:$0x0];
	_ =	sdelay $0x2  }
0xc7: {  	s31 =	sshll.u32 s1, $0xD;
	s1 =	sshrl.u32 s1, $0x2  }
0xc8: {  	s4 =	sand.u32 $0x4000, s31;
	s1 =	sadd.s32 s1, s30  }
0xc9: {  	s0 =	sor.u32 s4, s0;
	s1 =	sshll.u32 s1, $0x11  }
0xca: {  	s0 =	sor.u32 s1, s0  }
0xcb: {  	s0 =	sadd.s32 $0x8F2B, s0  }
0xcc: {  	[sflag:s0] =	ssyncadd.remote.s32 $0x1  }
0xcd: {  	_ =	sfence.sel $0xFFFF  }
0xce: {  	[dreg:$0x0] =	wrdreg $0xFFFFFFFF;
	(pc) =	sbr.abs _section_cstart, $3  }
0xcf: {  	[dreg:$0x1] =	wrdreg $0xFFFFFFFF  }
0xd0: {  	_ =	task.clear_ibuf [dreg:s22], $0x2FFFF;
	_ =	strace $0x9FFFFFFF  }
0xd1: {  	(tm) =	ssettm $0x7FFFFFFF  }
tec
execute0_lowered:
.L_overlay_start_1:
0x0: {  	(tag) =	ssettag $0x1  }
0x1: {  	s4 =	rddreg [dreg:$0x0]  }
0x2: {  	s0 =	srdreg.scid;
	s5 =	rddreg [dreg:$0x1]  }
0x3: {  	s2 =	simm.s32 $0x0;
	s12 =	simm.s32 $0x1;
	s13 =	simm.s32 $0x2800  }
0x4: {  	s14 =	simm.s32 $0x80;
	s15 =	simm.s32 $0x400;
	s16 =	simm.s32 $0x1400  }
0x5: {  	s17 =	simm.s32 $0x14000;
	s18 =	simm.s32 $0x5000;
	s19 =	simm.s32 $0x7800  }
0x6: {  	s20 =	simm.s32 $0x7A80;
	s3 =	sand.u32 $0x1, s0;
	s0 =	stileid.u32  }
0x7: {  	s21 =	simm.s32 $0x0;
	[smem:$0x7FF] =	sst s2;
	s7 =	smul.u32 $0x140000, s3  }
0x8: {  	s1 =	sshll.u32 s3, $0x4;
	s8 =	smul.u32 $0x14000, s0;
	s3 =	ssub.s32 $0x2, s3  }
0x9: {  	s26 =	sshrl.u32 s0, $0x3;
	s28 =	smul.u32 $0x5000, s0;
	s1 =	sor.u32 s0, s1  }
0xa: {  	s29 =	sshll.u32 s0, $0x7;
	s9 =	sshrl.u32 s3, $0x1;
	s6 =	smul.u32 $0x500, s1  }
0xb: {  	s1 =	rddreg [dreg:$0x2];
	_ =	strace $0x8000004A;
	s7 =	sadd.s32 s8, s7  }
0xc: {  	s8 =	smul.u32 $0x50000, s26;
	s11 =	ssub.s32 s3, s9;
	s31 =	sshrl.u32 s28, $0x2  }
0xd: {  	s7 =	sshrl.u32 s7, $0x3;
	s11 =	smax.u32 s11, $0x1;
	s6 =	sadd.s32 s6, s4  }
0xe: {  	v0 =	vlaneseq.u32;
	s10 =	sadd.s32 s7, s4;
	s30 =	sshrl.u32 s8, $0x2;
	s3 =	sadd.s32 $0xD200, s6  }
0xf: {  	v1 =	vimm.f32 $0.0e+00;
	v2 =	vimm.f32 $1.000000000e+00;
	v3 =	vor.u32 $0x10, v0;
	s6 =	sand.u32 $0x380, s29;
	s7 =	sadd.s32 s30, s5;
	s5 =	sadd.s32 s31, s5  }
0x10: {  	v4 =	vor.u32 $0x20, v0;
	v5 =	vor.u32 $0x30, v0;
	v6 =	vor.u32 $0x40, v0;
	s8 =	sadd.s32 $0x68200, s10;
	s9 =	sadd.s32 $0x68A00, s10;
	s4 =	sadd.s32 s6, s7  }
0x11: {  	v7 =	vor.u32 $0x50, v0;
	v8 =	vor.u32 $0x60, v0;
	v9 =	vor.u32 $0x70, v0;
	s6 =	sadd.s32 $0x67200, s10;
	s7 =	sadd.s32 $0x67A00, s10;
	s10 =	sadd.s32 $0x69200, s10  }
.LBB2_1:
0x12: {  	[tilespmem:s2], [sflag:$0x1] =	stream.linear.gather [hbm4b:s3+s2], $0x2800, $0x38;
	[tilespmem:$0xE280] =	vst v63  }
0x13: {  	_ =	swait.ge [sflag:s12], $0x2800  }
0x14: {  	[sflag:s12] =	ssyncset.done $0x0  }
0x15: {  	s22 =	simm.s32 $0x0;
	[sflag:s12] =	ssyncadd.s32 $0xFFFFD800  }
.LBB2_2:
0x16: {  	p0 =	sne.s32 s22, $0x9FC0  }
.Ltmp0:
0x17: {  	_ = 	snop;
	(pc) =	sbr.rel @p0 .LBB2_2-.Ltmp0, $3  }
0x18: {  	_ =	sdelay $0x1  }
0x19: {  	s23 =	sshra.s32 s22, $0x2  }
0x1a: {  	s22 =	sadd.s32 $0x40, s22;
	[tilespmem:s23+$0x2800] =	vst v1  }
0x1b: {  	s22 =	simm.s32 $0x0  }
0x1c: {  	s23 =	sand.u32 $0xFE00, s22  }
0x1d: {  	s22 =	sand.u32 $0x70, s22;
	s23 =	sshrl.u32 s23, $0x2  }
0x1e: {  	s22 =	sor.u32 s22, s23  }
0x1f: {  	v10 =	vld [tilespmem:s22+$0x0];
	_ =	sdelay $0x4  }
0x20: {  	s24 =	simm.s32 $0x40  }
0x21: {  	s24 =	sand.u32 $0xFE00, s24;
	s23 =	simm.s32 $0x80;
	s22 =	simm.s32 $0x10  }
.LBB2_4:
0x22: {  	p0 =	sne.s32 s23, $0x9FC0;
	s25 =	sand.u32 $0x70, s22;
	s24 =	sshrl.u32 s24, $0x2  }
0x23: {  	s24 =	sor.u32 s25, s24;
	[tilespmem:v10+s13+$0x0] =	vst.idx.add.f32.msk $0xffff, v2  }
0x24: {  	v10 =	vld [tilespmem:s24+$0x0];
	_ =	sdelay $0x1  }
.Ltmp1:
0x25: {  	(pc) =	sbr.rel @p0 .LBB2_4-.Ltmp1, $2  }
0x26: {  	_ =	sdelay $0x2  }
0x27: {  	s22 =	sadd.s32 $0x10, s22;
	s24 =	sand.u32 $0xFE00, s23;
	s23 =	sadd.s32 $0x40, s23  }
0x28: {  	_ =	sdelay $0x2  }
0x29: {  	s22 =	sand.u32 $0x70, s22;
	s23 =	sshrl.u32 s24, $0x2  }
0x2a: {  	[tilespmem:v10+s13+$0x0] =	vst.idx.add.f32.msk $0xffff, v2;
	s22 =	sor.u32 s22, s23  }
0x2b: {  	v10 =	vld [tilespmem:s22+$0x0];
	_ =	sdelay $0x7  }
0x2c: {  	[tilespmem:v10+s13+$0x0] =	vst.idx.add.f32.msk $0xffff, v2  }
0x2d: {  	[spmem:s4] =	stream.strided.scatter [tilespmem:s13], [sflag:$0x1], $0x2800, s15, s14, $0x38;
	[tilespmem:$0xE280] =	vst v63  }
0x2e: {  	_ =	swait.ge [sflag:s12], $0x2800  }
0x2f: {  	[sflag:s12] =	ssyncset.done $0x0  }
0x30: {  	[sflag:s12] =	ssyncadd.s32 $0xFFFFD800  }
0x31: {  	[bflag:$0x0] =	sbarrier.arrive $0xFFFF  }
0x32: {  	[tilespmem:s18], [sflag:$0x1] =	stream.strided.gather [spmem:s5], $0x2800, s17, s16, $0x38;
	[tilespmem:$0xE280] =	vst v63  }
0x33: {  	s22 =	simm.s32 $0x0;
	_ =	swait.ge [sflag:s12], $0x2800  }
0x34: {  	s29 =	sand.u32 $0x70, s22;
	s30 =	sand.u32 $0x1C00, s22;
	[sflag:s12] =	ssyncset.done $0x0  }
0x35: {  	s23 =	sor.u32 s29, s30;
	[sflag:s12] =	ssyncadd.s32 $0xFFFFD800  }
0x36: {  	v10 =	vld [tilespmem:s23+$0x5080]  }
0x37: {  	v11 =	vld [tilespmem:s23+$0x5000];
	_ =	sdelay $0x1  }
0x38: {  	v12 =	vld [tilespmem:s23+$0x5100];
	_ =	sdelay $0x1  }
0x39: {  	v13 =	vld [tilespmem:s23+$0x5180]  }
0x3a: {  	v10 =	vadd.f32 v10, v11  }
0x3b: {  	v11 =	vld [tilespmem:s23+$0x5200]  }
0x3c: {  	v10 =	vadd.f32 v12, v10  }
0x3d: {  	v56 =	vld [tilespmem:s23+$0x5280]  }
0x3e: {  	v10 =	vadd.f32 v13, v10  }
0x3f: {  	v57 =	vld [tilespmem:s23+$0x5300]  }
0x40: {  	v10 =	vadd.f32 v11, v10  }
0x41: {  	v11 =	vld [tilespmem:s23+$0x5380]  }
0x42: {  	v10 =	vadd.f32 v56, v10  }
0x43: {  	v58 =	vld [tilespmem:s23+$0x6400]  }
0x44: {  	v10 =	vadd.f32 v57, v10  }
0x45: {  	v59 =	vld [tilespmem:s23+$0x6480]  }
0x46: {  	v10 =	vadd.f32 v11, v10  }
0x47: {  	v11 =	vld [tilespmem:s23+$0x6500]  }
0x48: {  	v10 =	vadd.f32 v58, v10  }
0x49: {  	v60 =	vld [tilespmem:s23+$0x6580]  }
0x4a: {  	v10 =	vadd.f32 v59, v10  }
0x4b: {  	v61 =	vld [tilespmem:s23+$0x6600]  }
0x4c: {  	v10 =	vadd.f32 v11, v10  }
0x4d: {  	v11 =	vld [tilespmem:s23+$0x6680]  }
0x4e: {  	v10 =	vadd.f32 v60, v10  }
0x4f: {  	v62 =	vld [tilespmem:s23+$0x6700]  }
0x50: {  	v10 =	vadd.f32 v61, v10  }
0x51: {  	v63 =	vld [tilespmem:s23+$0x6780]  }
0x52: {  	v10 =	vadd.f32 v11, v10;
	_ =	sdelay $0x1  }
0x53: {  	v10 =	vadd.f32 v62, v10;
	_ =	sdelay $0x1  }
0x54: {  	s31 =	simm.s32 $0x10;
	s25 =	simm.s32 $0x80;
	v10 =	vadd.f32 v63, v10  }
0x55: {  	s24 =	sand.u32 $0x70, s31;
	s26 =	sand.u32 $0x1C00, s25;
	s23 =	simm.s32 $0x7800  }
0x56: {  	s24 =	sor.u32 s24, s26;
	s26 =	simm.s32 $0x20;
	[tilespmem:s23+$0x0] =	vst v10  }
.LBB2_6:
0x57: {  	p0 =	sne.s32 s26, $0x270;
	v10 =	vld [tilespmem:s24+$0x5080]  }
0x58: {  	v11 =	vld [tilespmem:s24+$0x5000];
	_ =	sdelay $0x1  }
0x59: {  	v12 =	vld [tilespmem:s24+$0x5100];
	_ =	sdelay $0x1  }
0x5a: {  	v13 =	vld [tilespmem:s24+$0x5180]  }
0x5b: {  	v10 =	vadd.f32 v10, v11  }
0x5c: {  	v11 =	vld [tilespmem:s24+$0x5200]  }
0x5d: {  	v10 =	vadd.f32 v12, v10  }
0x5e: {  	v12 =	vld [tilespmem:s24+$0x5280]  }
0x5f: {  	v10 =	vadd.f32 v13, v10  }
0x60: {  	v13 =	vld [tilespmem:s24+$0x5300]  }
0x61: {  	v10 =	vadd.f32 v11, v10  }
0x62: {  	v11 =	vld [tilespmem:s24+$0x5380]  }
0x63: {  	v10 =	vadd.f32 v12, v10  }
0x64: {  	v12 =	vld [tilespmem:s24+$0x6400]  }
0x65: {  	v10 =	vadd.f32 v13, v10  }
0x66: {  	v13 =	vld [tilespmem:s24+$0x6480]  }
0x67: {  	v10 =	vadd.f32 v11, v10  }
0x68: {  	v11 =	vld [tilespmem:s24+$0x6500]  }
0x69: {  	v10 =	vadd.f32 v12, v10  }
0x6a: {  	v12 =	vld [tilespmem:s24+$0x6580]  }
0x6b: {  	v10 =	vadd.f32 v13, v10  }
0x6c: {  	v13 =	vld [tilespmem:s24+$0x6600]  }
0x6d: {  	v10 =	vadd.f32 v11, v10  }
0x6e: {  	v11 =	vld [tilespmem:s24+$0x6680]  }
0x6f: {  	v10 =	vadd.f32 v12, v10  }
0x70: {  	v12 =	vld [tilespmem:s24+$0x6700]  }
0x71: {  	v10 =	vadd.f32 v13, v10  }
0x72: {  	v13 =	vld [tilespmem:s24+$0x6780]  }
0x73: {  	v10 =	vadd.f32 v11, v10;
	_ =	sdelay $0x1  }
.Ltmp2:
0x74: {  	v10 =	vadd.f32 v12, v10;
	(pc) =	sbr.rel @p0 .LBB2_6-.Ltmp2, $4  }
0x75: {  	_ = 	snop  }
0x76: {  	s25 =	sadd.s32 $0x80, s25;
	v10 =	vadd.f32 v13, v10  }
0x77: {  	s23 =	sadd.s32 $0x10, s23;
	s28 =	sand.u32 $0x1C00, s25;
	s24 =	sand.u32 $0x70, s26  }
0x78: {  	s26 =	sadd.s32 $0x10, s26;
	s24 =	sor.u32 s24, s28;
	[tilespmem:s23+$0x0] =	vst v10  }
0x79: {  	v10 =	vld [tilespmem:s24+$0x5080]  }
0x7a: {  	v11 =	vld [tilespmem:s24+$0x5000];
	_ =	sdelay $0x1  }
0x7b: {  	v12 =	vld [tilespmem:s24+$0x5100];
	_ =	sdelay $0x1  }
0x7c: {  	v13 =	vld [tilespmem:s24+$0x5180]  }
0x7d: {  	v10 =	vadd.f32 v10, v11  }
0x7e: {  	v11 =	vld [tilespmem:s24+$0x5200]  }
0x7f: {  	v10 =	vadd.f32 v12, v10  }
0x80: {  	v12 =	vld [tilespmem:s24+$0x5280]  }
0x81: {  	v10 =	vadd.f32 v13, v10  }
0x82: {  	v13 =	vld [tilespmem:s24+$0x5300]  }
0x83: {  	v10 =	vadd.f32 v11, v10  }
0x84: {  	v11 =	vld [tilespmem:s24+$0x5380]  }
0x85: {  	v10 =	vadd.f32 v12, v10  }
0x86: {  	v12 =	vld [tilespmem:s24+$0x6400]  }
0x87: {  	v10 =	vadd.f32 v13, v10  }
0x88: {  	v13 =	vld [tilespmem:s24+$0x6480]  }
0x89: {  	v10 =	vadd.f32 v11, v10  }
0x8a: {  	v11 =	vld [tilespmem:s24+$0x6500]  }
0x8b: {  	v10 =	vadd.f32 v12, v10  }
0x8c: {  	v12 =	vld [tilespmem:s24+$0x6580]  }
0x8d: {  	v10 =	vadd.f32 v13, v10  }
0x8e: {  	v13 =	vld [tilespmem:s24+$0x6600]  }
0x8f: {  	v10 =	vadd.f32 v11, v10  }
0x90: {  	v11 =	vld [tilespmem:s24+$0x6680]  }
0x91: {  	v10 =	vadd.f32 v12, v10  }
0x92: {  	v12 =	vld [tilespmem:s24+$0x6700]  }
0x93: {  	v10 =	vadd.f32 v13, v10  }
0x94: {  	v13 =	vld [tilespmem:s24+$0x6780]  }
0x95: {  	v10 =	vadd.f32 v11, v10;
	_ =	sdelay $0x1  }
0x96: {  	v11 =	vmov s22;
	v10 =	vadd.f32 v12, v10;
	_ =	sdelay $0x1  }
0x97: {  	v10 =	vadd.f32 v13, v10  }
0x98: {  	s30 =	sadd.s32 $0x10, s23  }
0x99: {  	v13 =	vshll.u32 v11, $0x7;
	[tilespmem:s30+$0x0] =	vst v10  }
0x9a: {  	v10 =	vld.idx.msk [tilespmem:v11+s19+$0x0], $0xffff;
	v11 =	vor.u32 v0, v13  }
0x9b: {  	v12 =	vor.u32 v3, v13  }
0x9c: {  	v14 =	vor.u32 v4, v13  }
0x9d: {  	v15 =	vor.u32 v5, v13  }
0x9e: {  	v16 =	vor.u32 v6, v13  }
0x9f: {  	[tilespmem:v11+s20+$0x0] =	vst.idx.msk $0xffff, v10;
	v11 =	vor.u32 v7, v13  }
0xa0: {  	v17 =	vor.u32 v8, v13;
	[tilespmem:v12+s20+$0x0] =	vst.idx.msk $0xffff, v10  }
0xa1: {  	s31 =	simm.s32 $0x1;
	v13 =	vor.u32 v9, v13;
	[tilespmem:v14+s20+$0x0] =	vst.idx.msk $0xffff, v10  }
0xa2: {  	v12 =	vmov s31;
	[tilespmem:v15+s20+$0x0] =	vst.idx.msk $0xffff, v10  }
0xa3: {  	[tilespmem:v16+s20+$0x0] =	vst.idx.msk $0xffff, v10  }
0xa4: {  	[tilespmem:v11+s20+$0x0] =	vst.idx.msk $0xffff, v10  }
0xa5: {  	s22 =	simm.s32 $0x2;
	v11 =	vshll.u32 v12, $0x7;
	[tilespmem:v17+s20+$0x0] =	vst.idx.msk $0xffff, v10  }
.LBB2_8:
0xa6: {  	p0 =	sne.s32 s22, $0x7F;
	[tilespmem:v13+s20+$0x0] =	vst.idx.msk $0xffff, v10;
	s23 =	smov.u32 s22;
	s22 =	sadd.s32 $0x1, s22  }
0xa7: {  	v10 =	vld.idx.msk [tilespmem:v12+s19+$0x0], $0xffff  }
0xa8: {  	v12 =	vor.u32 v0, v11  }
0xa9: {  	v13 =	vor.u32 v3, v11  }
0xaa: {  	v14 =	vor.u32 v4, v11  }
0xab: {  	v15 =	vor.u32 v5, v11  }
0xac: {  	v16 =	vor.u32 v6, v11  }
0xad: {  	v17 =	vor.u32 v7, v11;
	[tilespmem:v12+s20+$0x0] =	vst.idx.msk $0xffff, v10  }
0xae: {  	v18 =	vor.u32 v8, v11;
	[tilespmem:v13+s20+$0x0] =	vst.idx.msk $0xffff, v10  }
.Ltmp3:
0xaf: {  	v13 =	vor.u32 v9, v11;
	[tilespmem:v14+s20+$0x0] =	vst.idx.msk $0xffff, v10;
	(pc) =	sbr.rel @p0 .LBB2_8-.Ltmp3, $4  }
0xb0: {  	v12 =	vmov s23;
	[tilespmem:v15+s20+$0x0] =	vst.idx.msk $0xffff, v10  }
0xb1: {  	v11 =	vshll.u32 v12, $0x7;
	[tilespmem:v16+s20+$0x0] =	vst.idx.msk $0xffff, v10  }
0xb2: {  	[tilespmem:v17+s20+$0x0] =	vst.idx.msk $0xffff, v10  }
0xb3: {  	[tilespmem:v18+s20+$0x0] =	vst.idx.msk $0xffff, v10  }
0xb4: {  	_ =	sdelay $0x3  }
0xb5: {  	[tilespmem:v13+s20+$0x0] =	vst.idx.msk $0xffff, v10  }
0xb6: {  	v10 =	vld.idx.msk [tilespmem:v12+s19+$0x0], $0xffff;
	v12 =	vor.u32 v0, v11  }
0xb7: {  	v13 =	vor.u32 v3, v11  }
0xb8: {  	v14 =	vor.u32 v4, v11  }
0xb9: {  	v15 =	vor.u32 v5, v11  }
0xba: {  	v16 =	vor.u32 v6, v11  }
0xbb: {  	[tilespmem:v12+s20+$0x0] =	vst.idx.msk $0xffff, v10;
	v12 =	vor.u32 v7, v11  }
0xbc: {  	[tilespmem:v13+s20+$0x0] =	vst.idx.msk $0xffff, v10;
	v13 =	vor.u32 v8, v11  }
0xbd: {  	v11 =	vor.u32 v9, v11;
	[tilespmem:v14+s20+$0x0] =	vst.idx.msk $0xffff, v10  }
0xbe: {  	[tilespmem:v15+s20+$0x0] =	vst.idx.msk $0xffff, v10  }
0xbf: {  	[tilespmem:v16+s20+$0x0] =	vst.idx.msk $0xffff, v10  }
0xc0: {  	[tilespmem:v12+s20+$0x0] =	vst.idx.msk $0xffff, v10  }
0xc1: {  	s23 =	simm.s32 $0x80;
	[tilespmem:v13+s20+$0x0] =	vst.idx.msk $0xffff, v10  }
0xc2: {  	s22 =	simm.s32 $0x0;
	s30 =	simm.s32 $0x0;
	[tilespmem:v11+s20+$0x0] =	vst.idx.msk $0xffff, v10;
	v10 =	vmov s23  }
0xc3: {  	[hbm4b:s6+s22] =	stream.linear.scatter [tilespmem:s20], [sflag:$0x1], $0x4000, $0x38;
	[tilespmem:$0xE280] =	vst v63  }
0xc4: {  	v11 =	vmov s30;
	_ =	swait.ge [sflag:s12], $0x4000  }
0xc5: {  	v12 =	vor.u32 $0x10, v11;
	[sflag:s12] =	ssyncset.done $0x0  }
0xc6: {  	v13 =	vor.u32 $0x20, v11;
	v12 =	vbroadcast v12, $0x0;
	[sflag:s12] =	ssyncadd.s32 $0xFFFFC000  }
0xc7: {  	v14 =	vor.u32 s30, v0;
	v15 =	vor.u32 $0x30, v11;
	v13 =	vbroadcast v13, $0x0;
	v10 =	vld.idx.msk [tilespmem:v10+s19+$0x0], $0xffff  }
0xc8: {  	v62 =	vor.u32 $0x40, v11;
	v15 =	vbroadcast v15, $0x0;
	v12 =	vor.u32 v0, v12  }
0xc9: {  	v17 =	vor.u32 $0x50, v11;
	v16 =	vbroadcast v62, $0x0;
	v13 =	vor.u32 v0, v13  }
0xca: {  	v18 =	vor.u32 $0x60, v11;
	v17 =	vbroadcast v17, $0x0;
	v15 =	vor.u32 v0, v15  }
0xcb: {  	v11 =	vor.u32 $0x70, v11;
	v18 =	vbroadcast v18, $0x0;
	v16 =	vor.u32 v0, v16  }
0xcc: {  	v11 =	vbroadcast v11, $0x0;
	[tilespmem:v14+s20+$0x0] =	vst.idx.msk $0xffff, v10;
	v14 =	vor.u32 v0, v17  }
0xcd: {  	v63 =	vor.u32 v0, v18;
	[tilespmem:v12+s20+$0x0] =	vst.idx.msk $0xffff, v10  }
0xce: {  	s31 =	simm.s32 $0x81;
	[tilespmem:v13+s20+$0x0] =	vst.idx.msk $0xffff, v10;
	v13 =	vor.u32 v0, v11  }
0xcf: {  	v12 =	vmov s31;
	[tilespmem:v15+s20+$0x0] =	vst.idx.msk $0xffff, v10  }
0xd0: {  	[tilespmem:v16+s20+$0x0] =	vst.idx.msk $0xffff, v10  }
0xd1: {  	s23 =	simm.s32 $0x80;
	[tilespmem:v14+s20+$0x0] =	vst.idx.msk $0xffff, v10  }
0xd2: {  	s22 =	simm.s32 $0x2;
	v11 =	vmov s23;
	[tilespmem:v63+s20+$0x0] =	vst.idx.msk $0xffff, v10  }
.LBB2_10:
0xd3: {  	p0 =	sne.s32 s22, $0x7F;
	v14 =	vor.u32 $0x10, v11;
	[tilespmem:v13+s20+$0x0] =	vst.idx.msk $0xffff, v10;
	s24 =	smov.u32 s22;
	s22 =	sadd.s32 $0x1, s22  }
0xd4: {  	v13 =	vor.u32 $0x20, v11;
	v10 =	vld.idx.msk [tilespmem:v12+s19+$0x0], $0xffff;
	v12 =	vbroadcast v14, $0x0  }
0xd5: {  	v15 =	vor.u32 $0x30, v11;
	v14 =	vor.u32 s23, v0;
	v13 =	vbroadcast v13, $0x0  }
0xd6: {  	v16 =	vor.u32 $0x40, v11;
	v15 =	vbroadcast v15, $0x0;
	v12 =	vor.u32 v0, v12  }
0xd7: {  	v17 =	vor.u32 $0x50, v11;
	v16 =	vbroadcast v16, $0x0;
	v13 =	vor.u32 v0, v13  }
0xd8: {  	v18 =	vor.u32 $0x60, v11;
	v17 =	vbroadcast v17, $0x0;
	v15 =	vor.u32 v0, v15  }
0xd9: {  	v11 =	vor.u32 $0x70, v11;
	v18 =	vbroadcast v18, $0x0;
	v16 =	vor.u32 v0, v16  }
0xda: {  	v11 =	vbroadcast v11, $0x0;
	[tilespmem:v14+s20+$0x0] =	vst.idx.msk $0xffff, v10;
	v14 =	vor.u32 v0, v17  }
0xdb: {  	v17 =	vor.u32 v0, v18;
	[tilespmem:v12+s20+$0x0] =	vst.idx.msk $0xffff, v10  }
.Ltmp4:
0xdc: {  	s23 =	sadd.s32 $0x80, s24;
	[tilespmem:v13+s20+$0x0] =	vst.idx.msk $0xffff, v10;
	v13 =	vor.u32 v0, v11;
	(pc) =	sbr.rel @p0 .LBB2_10-.Ltmp4, $4  }
0xdd: {  	v12 =	vmov s23;
	[tilespmem:v15+s20+$0x0] =	vst.idx.msk $0xffff, v10  }
0xde: {  	[tilespmem:v16+s20+$0x0] =	vst.idx.msk $0xffff, v10  }
0xdf: {  	s23 =	sshll.u32 s24, $0x7;
	[tilespmem:v14+s20+$0x0] =	vst.idx.msk $0xffff, v10  }
0xe0: {  	v11 =	vmov s23;
	[tilespmem:v17+s20+$0x0] =	vst.idx.msk $0xffff, v10  }
0xe1: {  	_ =	sdelay $0x2  }
0xe2: {  	v14 =	vor.u32 $0x10, v11  }
0xe3: {  	[tilespmem:v13+s20+$0x0] =	vst.idx.msk $0xffff, v10;
	v13 =	vor.u32 $0x20, v11;
	v10 =	vbroadcast v14, $0x0  }
0xe4: {  	v15 =	vor.u32 $0x30, v11;
	v12 =	vld.idx.msk [tilespmem:v12+s19+$0x0], $0xffff;
	v14 =	vor.u32 s23, v0;
	v13 =	vbroadcast v13, $0x0  }
0xe5: {  	v16 =	vor.u32 $0x40, v11;
	v15 =	vbroadcast v15, $0x0;
	v10 =	vor.u32 v0, v10  }
0xe6: {  	v17 =	vor.u32 $0x50, v11;
	v16 =	vbroadcast v16, $0x0;
	v13 =	vor.u32 v0, v13  }
0xe7: {  	v18 =	vor.u32 $0x60, v11;
	v17 =	vbroadcast v17, $0x0;
	v15 =	vor.u32 v0, v15  }
0xe8: {  	v11 =	vor.u32 $0x70, v11;
	v18 =	vbroadcast v18, $0x0;
	v16 =	vor.u32 v0, v16  }
0xe9: {  	v11 =	vbroadcast v11, $0x0;
	[tilespmem:v14+s20+$0x0] =	vst.idx.msk $0xffff, v12;
	v14 =	vor.u32 v0, v17  }
0xea: {  	[tilespmem:v10+s20+$0x0] =	vst.idx.msk $0xffff, v12;
	v10 =	vor.u32 v0, v18  }
0xeb: {  	v11 =	vor.u32 v0, v11;
	[tilespmem:v13+s20+$0x0] =	vst.idx.msk $0xffff, v12  }
0xec: {  	[tilespmem:v15+s20+$0x0] =	vst.idx.msk $0xffff, v12  }
0xed: {  	[tilespmem:v16+s20+$0x0] =	vst.idx.msk $0xffff, v12  }
0xee: {  	[tilespmem:v14+s20+$0x0] =	vst.idx.msk $0xffff, v12  }
0xef: {  	s29 =	simm.s32 $0x100;
	[tilespmem:v10+s20+$0x0] =	vst.idx.msk $0xffff, v12  }
0xf0: {  	s22 =	simm.s32 $0x0;
	s30 =	simm.s32 $0x0;
	v10 =	vmov s29;
	[tilespmem:v11+s20+$0x0] =	vst.idx.msk $0xffff, v12  }
0xf1: {  	[hbm4b:s7+s22] =	stream.linear.scatter [tilespmem:s20], [sflag:$0x1], $0x4000, $0x38;
	[tilespmem:$0xE280] =	vst v63  }
0xf2: {  	v11 =	vmov s30;
	_ =	swait.ge [sflag:s12], $0x4000  }
0xf3: {  	v12 =	vor.u32 $0x10, v11;
	[sflag:s12] =	ssyncset.done $0x0  }
0xf4: {  	v13 =	vor.u32 $0x20, v11;
	v12 =	vbroadcast v12, $0x0;
	[sflag:s12] =	ssyncadd.s32 $0xFFFFC000  }
0xf5: {  	v14 =	vor.u32 s30, v0;
	v15 =	vor.u32 $0x30, v11;
	v13 =	vbroadcast v13, $0x0;
	v10 =	vld.idx.msk [tilespmem:v10+s19+$0x0], $0xffff  }
0xf6: {  	v60 =	vor.u32 $0x40, v11;
	v15 =	vbroadcast v15, $0x0;
	v12 =	vor.u32 v0, v12  }
0xf7: {  	v61 =	vor.u32 $0x50, v11;
	v16 =	vbroadcast v60, $0x0;
	v13 =	vor.u32 v0, v13  }
0xf8: {  	v62 =	vor.u32 $0x60, v11;
	v17 =	vbroadcast v61, $0x0;
	v15 =	vor.u32 v0, v15  }
0xf9: {  	v11 =	vor.u32 $0x70, v11;
	v18 =	vbroadcast v62, $0x0;
	v16 =	vor.u32 v0, v16  }
0xfa: {  	v11 =	vbroadcast v11, $0x0;
	[tilespmem:v14+s20+$0x0] =	vst.idx.msk $0xffff, v10;
	v14 =	vor.u32 v0, v17  }
0xfb: {  	v63 =	vor.u32 v0, v18;
	[tilespmem:v12+s20+$0x0] =	vst.idx.msk $0xffff, v10  }
0xfc: {  	s31 =	simm.s32 $0x101;
	[tilespmem:v13+s20+$0x0] =	vst.idx.msk $0xffff, v10;
	v13 =	vor.u32 v0, v11  }
0xfd: {  	v12 =	vmov s31;
	[tilespmem:v15+s20+$0x0] =	vst.idx.msk $0xffff, v10  }
0xfe: {  	[tilespmem:v16+s20+$0x0] =	vst.idx.msk $0xffff, v10  }
0xff: {  	s23 =	simm.s32 $0x80;
	[tilespmem:v14+s20+$0x0] =	vst.idx.msk $0xffff, v10  }
0x100: {  	s22 =	simm.s32 $0x2;
	v11 =	vmov s23;
	[tilespmem:v63+s20+$0x0] =	vst.idx.msk $0xffff, v10  }
.LBB2_12:
0x101: {  	p0 =	sne.s32 s22, $0x7F;
	v14 =	vor.u32 $0x10, v11;
	[tilespmem:v13+s20+$0x0] =	vst.idx.msk $0xffff, v10;
	s24 =	smov.u32 s22;
	s22 =	sadd.s32 $0x1, s22  }
0x102: {  	v13 =	vor.u32 $0x20, v11;
	v10 =	vld.idx.msk [tilespmem:v12+s19+$0x0], $0xffff;
	v12 =	vbroadcast v14, $0x0  }
0x103: {  	v15 =	vor.u32 $0x30, v11;
	v14 =	vor.u32 s23, v0;
	v13 =	vbroadcast v13, $0x0  }
0x104: {  	v16 =	vor.u32 $0x40, v11;
	v15 =	vbroadcast v15, $0x0;
	v12 =	vor.u32 v0, v12  }
0x105: {  	v17 =	vor.u32 $0x50, v11;
	v16 =	vbroadcast v16, $0x0;
	v13 =	vor.u32 v0, v13  }
0x106: {  	v18 =	vor.u32 $0x60, v11;
	v17 =	vbroadcast v17, $0x0;
	v15 =	vor.u32 v0, v15  }
0x107: {  	v11 =	vor.u32 $0x70, v11;
	v18 =	vbroadcast v18, $0x0;
	v16 =	vor.u32 v0, v16  }
0x108: {  	v11 =	vbroadcast v11, $0x0;
	[tilespmem:v14+s20+$0x0] =	vst.idx.msk $0xffff, v10;
	v14 =	vor.u32 v0, v17  }
0x109: {  	v17 =	vor.u32 v0, v18;
	[tilespmem:v12+s20+$0x0] =	vst.idx.msk $0xffff, v10  }
.Ltmp5:
0x10a: {  	s23 =	sadd.s32 $0x100, s24;
	[tilespmem:v13+s20+$0x0] =	vst.idx.msk $0xffff, v10;
	v13 =	vor.u32 v0, v11;
	(pc) =	sbr.rel @p0 .LBB2_12-.Ltmp5, $4  }
0x10b: {  	v12 =	vmov s23;
	[tilespmem:v15+s20+$0x0] =	vst.idx.msk $0xffff, v10  }
0x10c: {  	[tilespmem:v16+s20+$0x0] =	vst.idx.msk $0xffff, v10  }
0x10d: {  	s23 =	sshll.u32 s24, $0x7;
	[tilespmem:v14+s20+$0x0] =	vst.idx.msk $0xffff, v10  }
0x10e: {  	v11 =	vmov s23;
	[tilespmem:v17+s20+$0x0] =	vst.idx.msk $0xffff, v10  }
0x10f: {  	_ =	sdelay $0x2  }
0x110: {  	v14 =	vor.u32 $0x10, v11  }
0x111: {  	[tilespmem:v13+s20+$0x0] =	vst.idx.msk $0xffff, v10;
	v13 =	vor.u32 $0x20, v11;
	v10 =	vbroadcast v14, $0x0  }
0x112: {  	v15 =	vor.u32 $0x30, v11;
	v12 =	vld.idx.msk [tilespmem:v12+s19+$0x0], $0xffff;
	v14 =	vor.u32 s23, v0;
	v13 =	vbroadcast v13, $0x0  }
0x113: {  	v16 =	vor.u32 $0x40, v11;
	v15 =	vbroadcast v15, $0x0;
	v10 =	vor.u32 v0, v10  }
0x114: {  	v17 =	vor.u32 $0x50, v11;
	v16 =	vbroadcast v16, $0x0;
	v13 =	vor.u32 v0, v13  }
0x115: {  	v18 =	vor.u32 $0x60, v11;
	v17 =	vbroadcast v17, $0x0;
	v15 =	vor.u32 v0, v15  }
0x116: {  	v11 =	vor.u32 $0x70, v11;
	v18 =	vbroadcast v18, $0x0;
	v16 =	vor.u32 v0, v16  }
0x117: {  	v11 =	vbroadcast v11, $0x0;
	[tilespmem:v14+s20+$0x0] =	vst.idx.msk $0xffff, v12;
	v14 =	vor.u32 v0, v17  }
0x118: {  	[tilespmem:v10+s20+$0x0] =	vst.idx.msk $0xffff, v12;
	v10 =	vor.u32 v0, v18  }
0x119: {  	v11 =	vor.u32 v0, v11;
	[tilespmem:v13+s20+$0x0] =	vst.idx.msk $0xffff, v12  }
0x11a: {  	[tilespmem:v15+s20+$0x0] =	vst.idx.msk $0xffff, v12  }
0x11b: {  	[tilespmem:v16+s20+$0x0] =	vst.idx.msk $0xffff, v12  }
0x11c: {  	[tilespmem:v14+s20+$0x0] =	vst.idx.msk $0xffff, v12  }
0x11d: {  	s29 =	simm.s32 $0x180;
	[tilespmem:v10+s20+$0x0] =	vst.idx.msk $0xffff, v12  }
0x11e: {  	s22 =	simm.s32 $0x0;
	s30 =	simm.s32 $0x0;
	v10 =	vmov s29;
	[tilespmem:v11+s20+$0x0] =	vst.idx.msk $0xffff, v12  }
0x11f: {  	[hbm4b:s8+s22] =	stream.linear.scatter [tilespmem:s20], [sflag:$0x1], $0x4000, $0x38;
	[tilespmem:$0xE280] =	vst v63  }
0x120: {  	v11 =	vmov s30;
	_ =	swait.ge [sflag:s12], $0x4000  }
0x121: {  	v12 =	vor.u32 $0x10, v11;
	[sflag:s12] =	ssyncset.done $0x0  }
0x122: {  	v13 =	vor.u32 $0x20, v11;
	v12 =	vbroadcast v12, $0x0;
	[sflag:s12] =	ssyncadd.s32 $0xFFFFC000  }
0x123: {  	v14 =	vor.u32 s30, v0;
	v15 =	vor.u32 $0x30, v11;
	v13 =	vbroadcast v13, $0x0;
	v10 =	vld.idx.msk [tilespmem:v10+s19+$0x0], $0xffff  }
0x124: {  	v60 =	vor.u32 $0x40, v11;
	v15 =	vbroadcast v15, $0x0;
	v12 =	vor.u32 v0, v12  }
0x125: {  	v61 =	vor.u32 $0x50, v11;
	v16 =	vbroadcast v60, $0x0;
	v13 =	vor.u32 v0, v13  }
0x126: {  	v62 =	vor.u32 $0x60, v11;
	v17 =	vbroadcast v61, $0x0;
	v15 =	vor.u32 v0, v15  }
0x127: {  	v11 =	vor.u32 $0x70, v11;
	v18 =	vbroadcast v62, $0x0;
	v16 =	vor.u32 v0, v16  }
0x128: {  	v11 =	vbroadcast v11, $0x0;
	[tilespmem:v14+s20+$0x0] =	vst.idx.msk $0xffff, v10;
	v14 =	vor.u32 v0, v17  }
0x129: {  	v63 =	vor.u32 v0, v18;
	[tilespmem:v12+s20+$0x0] =	vst.idx.msk $0xffff, v10  }
0x12a: {  	s31 =	simm.s32 $0x181;
	[tilespmem:v13+s20+$0x0] =	vst.idx.msk $0xffff, v10;
	v13 =	vor.u32 v0, v11  }
0x12b: {  	v12 =	vmov s31;
	[tilespmem:v15+s20+$0x0] =	vst.idx.msk $0xffff, v10  }
0x12c: {  	[tilespmem:v16+s20+$0x0] =	vst.idx.msk $0xffff, v10  }
0x12d: {  	s23 =	simm.s32 $0x80;
	[tilespmem:v14+s20+$0x0] =	vst.idx.msk $0xffff, v10  }
0x12e: {  	s22 =	simm.s32 $0x2;
	v11 =	vmov s23;
	[tilespmem:v63+s20+$0x0] =	vst.idx.msk $0xffff, v10  }
.LBB2_14:
0x12f: {  	p0 =	sne.s32 s22, $0x7F;
	v14 =	vor.u32 $0x10, v11;
	[tilespmem:v13+s20+$0x0] =	vst.idx.msk $0xffff, v10;
	s24 =	smov.u32 s22;
	s22 =	sadd.s32 $0x1, s22  }
0x130: {  	v13 =	vor.u32 $0x20, v11;
	v10 =	vld.idx.msk [tilespmem:v12+s19+$0x0], $0xffff;
	v12 =	vbroadcast v14, $0x0  }
0x131: {  	v15 =	vor.u32 $0x30, v11;
	v14 =	vor.u32 s23, v0;
	v13 =	vbroadcast v13, $0x0  }
0x132: {  	v16 =	vor.u32 $0x40, v11;
	v15 =	vbroadcast v15, $0x0;
	v12 =	vor.u32 v0, v12  }
0x133: {  	v17 =	vor.u32 $0x50, v11;
	v16 =	vbroadcast v16, $0x0;
	v13 =	vor.u32 v0, v13  }
0x134: {  	v18 =	vor.u32 $0x60, v11;
	v17 =	vbroadcast v17, $0x0;
	v15 =	vor.u32 v0, v15  }
0x135: {  	v11 =	vor.u32 $0x70, v11;
	v18 =	vbroadcast v18, $0x0;
	v16 =	vor.u32 v0, v16  }
0x136: {  	v11 =	vbroadcast v11, $0x0;
	[tilespmem:v14+s20+$0x0] =	vst.idx.msk $0xffff, v10;
	v14 =	vor.u32 v0, v17  }
0x137: {  	v17 =	vor.u32 v0, v18;
	[tilespmem:v12+s20+$0x0] =	vst.idx.msk $0xffff, v10  }
.Ltmp6:
0x138: {  	s23 =	sadd.s32 $0x180, s24;
	[tilespmem:v13+s20+$0x0] =	vst.idx.msk $0xffff, v10;
	v13 =	vor.u32 v0, v11;
	(pc) =	sbr.rel @p0 .LBB2_14-.Ltmp6, $4  }
0x139: {  	v12 =	vmov s23;
	[tilespmem:v15+s20+$0x0] =	vst.idx.msk $0xffff, v10  }
0x13a: {  	[tilespmem:v16+s20+$0x0] =	vst.idx.msk $0xffff, v10  }
0x13b: {  	s23 =	sshll.u32 s24, $0x7;
	[tilespmem:v14+s20+$0x0] =	vst.idx.msk $0xffff, v10  }
0x13c: {  	v11 =	vmov s23;
	[tilespmem:v17+s20+$0x0] =	vst.idx.msk $0xffff, v10  }
0x13d: {  	_ =	sdelay $0x2  }
0x13e: {  	v14 =	vor.u32 $0x10, v11  }
0x13f: {  	[tilespmem:v13+s20+$0x0] =	vst.idx.msk $0xffff, v10;
	v13 =	vor.u32 $0x20, v11;
	v10 =	vbroadcast v14, $0x0  }
0x140: {  	v15 =	vor.u32 $0x30, v11;
	v12 =	vld.idx.msk [tilespmem:v12+s19+$0x0], $0xffff;
	v14 =	vor.u32 s23, v0;
	v13 =	vbroadcast v13, $0x0  }
0x141: {  	v16 =	vor.u32 $0x40, v11;
	v15 =	vbroadcast v15, $0x0;
	v10 =	vor.u32 v0, v10  }
0x142: {  	v17 =	vor.u32 $0x50, v11;
	v16 =	vbroadcast v16, $0x0;
	v13 =	vor.u32 v0, v13  }
0x143: {  	v18 =	vor.u32 $0x60, v11;
	v17 =	vbroadcast v17, $0x0;
	v15 =	vor.u32 v0, v15  }
0x144: {  	v11 =	vor.u32 $0x70, v11;
	v18 =	vbroadcast v18, $0x0;
	v16 =	vor.u32 v0, v16  }
0x145: {  	v11 =	vbroadcast v11, $0x0;
	[tilespmem:v14+s20+$0x0] =	vst.idx.msk $0xffff, v12;
	v14 =	vor.u32 v0, v17  }
0x146: {  	[tilespmem:v10+s20+$0x0] =	vst.idx.msk $0xffff, v12;
	v10 =	vor.u32 v0, v18  }
0x147: {  	v11 =	vor.u32 v0, v11;
	[tilespmem:v13+s20+$0x0] =	vst.idx.msk $0xffff, v12  }
0x148: {  	[tilespmem:v15+s20+$0x0] =	vst.idx.msk $0xffff, v12  }
0x149: {  	[tilespmem:v16+s20+$0x0] =	vst.idx.msk $0xffff, v12  }
0x14a: {  	[tilespmem:v14+s20+$0x0] =	vst.idx.msk $0xffff, v12  }
0x14b: {  	s29 =	simm.s32 $0x200;
	[tilespmem:v10+s20+$0x0] =	vst.idx.msk $0xffff, v12  }
0x14c: {  	s22 =	simm.s32 $0x0;
	s30 =	simm.s32 $0x0;
	v10 =	vmov s29;
	[tilespmem:v11+s20+$0x0] =	vst.idx.msk $0xffff, v12  }
0x14d: {  	[hbm4b:s9+s22] =	stream.linear.scatter [tilespmem:s20], [sflag:$0x1], $0x4000, $0x38;
	[tilespmem:$0xE280] =	vst v63  }
0x14e: {  	v11 =	vmov s30;
	_ =	swait.ge [sflag:s12], $0x4000  }
0x14f: {  	v12 =	vor.u32 $0x10, v11;
	[sflag:s12] =	ssyncset.done $0x0  }
0x150: {  	v13 =	vor.u32 $0x20, v11;
	v12 =	vbroadcast v12, $0x0;
	[sflag:s12] =	ssyncadd.s32 $0xFFFFC000  }
0x151: {  	v14 =	vor.u32 s30, v0;
	v15 =	vor.u32 $0x30, v11;
	v13 =	vbroadcast v13, $0x0;
	v10 =	vld.idx.msk [tilespmem:v10+s19+$0x0], $0xffff  }
0x152: {  	v60 =	vor.u32 $0x40, v11;
	v15 =	vbroadcast v15, $0x0;
	v12 =	vor.u32 v0, v12  }
0x153: {  	v61 =	vor.u32 $0x50, v11;
	v16 =	vbroadcast v60, $0x0;
	v13 =	vor.u32 v0, v13  }
0x154: {  	v62 =	vor.u32 $0x60, v11;
	v17 =	vbroadcast v61, $0x0;
	v15 =	vor.u32 v0, v15  }
0x155: {  	v11 =	vor.u32 $0x70, v11;
	v18 =	vbroadcast v62, $0x0;
	v16 =	vor.u32 v0, v16  }
0x156: {  	v11 =	vbroadcast v11, $0x0;
	[tilespmem:v14+s20+$0x0] =	vst.idx.msk $0xffff, v10;
	v14 =	vor.u32 v0, v17  }
0x157: {  	v63 =	vor.u32 v0, v18;
	[tilespmem:v12+s20+$0x0] =	vst.idx.msk $0xffff, v10  }
0x158: {  	s31 =	simm.s32 $0x201;
	[tilespmem:v13+s20+$0x0] =	vst.idx.msk $0xffff, v10;
	v13 =	vor.u32 v0, v11  }
0x159: {  	v12 =	vmov s31;
	[tilespmem:v15+s20+$0x0] =	vst.idx.msk $0xffff, v10  }
0x15a: {  	[tilespmem:v16+s20+$0x0] =	vst.idx.msk $0xffff, v10  }
0x15b: {  	s23 =	simm.s32 $0x80;
	[tilespmem:v14+s20+$0x0] =	vst.idx.msk $0xffff, v10  }
0x15c: {  	s22 =	simm.s32 $0x2;
	v11 =	vmov s23;
	[tilespmem:v63+s20+$0x0] =	vst.idx.msk $0xffff, v10  }
.LBB2_16:
0x15d: {  	p0 =	sne.s32 s22, $0x7F;
	v14 =	vor.u32 $0x10, v11;
	[tilespmem:v13+s20+$0x0] =	vst.idx.msk $0xffff, v10;
	s24 =	smov.u32 s22;
	s22 =	sadd.s32 $0x1, s22  }
0x15e: {  	v13 =	vor.u32 $0x20, v11;
	v10 =	vld.idx.msk [tilespmem:v12+s19+$0x0], $0xffff;
	v12 =	vbroadcast v14, $0x0  }
0x15f: {  	v15 =	vor.u32 $0x30, v11;
	v14 =	vor.u32 s23, v0;
	v13 =	vbroadcast v13, $0x0  }
0x160: {  	v16 =	vor.u32 $0x40, v11;
	v15 =	vbroadcast v15, $0x0;
	v12 =	vor.u32 v0, v12  }
0x161: {  	v17 =	vor.u32 $0x50, v11;
	v16 =	vbroadcast v16, $0x0;
	v13 =	vor.u32 v0, v13  }
0x162: {  	v18 =	vor.u32 $0x60, v11;
	v17 =	vbroadcast v17, $0x0;
	v15 =	vor.u32 v0, v15  }
0x163: {  	v11 =	vor.u32 $0x70, v11;
	v18 =	vbroadcast v18, $0x0;
	v16 =	vor.u32 v0, v16  }
0x164: {  	v11 =	vbroadcast v11, $0x0;
	[tilespmem:v14+s20+$0x0] =	vst.idx.msk $0xffff, v10;
	v14 =	vor.u32 v0, v17  }
0x165: {  	v17 =	vor.u32 v0, v18;
	[tilespmem:v12+s20+$0x0] =	vst.idx.msk $0xffff, v10  }
.Ltmp7:
0x166: {  	s23 =	sadd.s32 $0x200, s24;
	[tilespmem:v13+s20+$0x0] =	vst.idx.msk $0xffff, v10;
	v13 =	vor.u32 v0, v11;
	(pc) =	sbr.rel @p0 .LBB2_16-.Ltmp7, $4  }
0x167: {  	v12 =	vmov s23;
	[tilespmem:v15+s20+$0x0] =	vst.idx.msk $0xffff, v10  }
0x168: {  	[tilespmem:v16+s20+$0x0] =	vst.idx.msk $0xffff, v10  }
0x169: {  	s23 =	sshll.u32 s24, $0x7;
	[tilespmem:v14+s20+$0x0] =	vst.idx.msk $0xffff, v10  }
0x16a: {  	v11 =	vmov s23;
	[tilespmem:v17+s20+$0x0] =	vst.idx.msk $0xffff, v10  }
0x16b: {  	_ =	sdelay $0x2  }
0x16c: {  	v14 =	vor.u32 $0x10, v11  }
0x16d: {  	[tilespmem:v13+s20+$0x0] =	vst.idx.msk $0xffff, v10;
	v61 =	vor.u32 $0x20, v11;
	v10 =	vbroadcast v14, $0x0  }
0x16e: {  	v62 =	vor.u32 s23, v0;
	v15 =	vor.u32 $0x30, v11;
	v12 =	vld.idx.msk [tilespmem:v12+s19+$0x0], $0xffff;
	v13 =	vbroadcast v61, $0x0  }
0x16f: {  	v16 =	vor.u32 $0x40, v11;
	v15 =	vbroadcast v15, $0x0;
	v10 =	vor.u32 v0, v10  }
0x170: {  	v17 =	vor.u32 $0x50, v11;
	v16 =	vbroadcast v16, $0x0;
	v13 =	vor.u32 v0, v13  }
0x171: {  	v18 =	vor.u32 $0x60, v11;
	v17 =	vbroadcast v17, $0x0;
	v15 =	vor.u32 v0, v15  }
0x172: {  	v11 =	vor.u32 $0x70, v11;
	v18 =	vbroadcast v18, $0x0;
	v16 =	vor.u32 v0, v16  }
0x173: {  	v11 =	vbroadcast v11, $0x0;
	v63 =	vor.u32 v0, v17;
	[tilespmem:v62+s20+$0x0] =	vst.idx.msk $0xffff, v12  }
0x174: {  	[tilespmem:v10+s20+$0x0] =	vst.idx.msk $0xffff, v12;
	v10 =	vor.u32 v0, v18  }
0x175: {  	v11 =	vor.u32 v0, v11;
	[tilespmem:v13+s20+$0x0] =	vst.idx.msk $0xffff, v12  }
0x176: {  	[tilespmem:v15+s20+$0x0] =	vst.idx.msk $0xffff, v12  }
0x177: {  	[tilespmem:v16+s20+$0x0] =	vst.idx.msk $0xffff, v12  }
0x178: {  	s21 =	sadd.s32 $0x1, s21;
	[tilespmem:v63+s20+$0x0] =	vst.idx.msk $0xffff, v12  }
0x179: {  	p0 =	sne.s32 s21, s11;
	[tilespmem:v10+s20+$0x0] =	vst.idx.msk $0xffff, v12  }
.Ltmp8:
0x17a: {  	[tilespmem:v11+s20+$0x0] =	vst.idx.msk $0xffff, v12;
	(pc) =	sbr.rel @p0 .LBB2_1-.Ltmp8, $4  }
0x17b: {  	[hbm4b:s10+s2] =	stream.linear.scatter [tilespmem:s20], [sflag:$0x1], $0x4000, $0x38;
	[tilespmem:$0xE280] =	vst v63  }
0x17c: {  	_ =	swait.ge [sflag:s12], $0x4000  }
0x17d: {  	[sflag:s12] =	ssyncset.done $0x0  }
0x17e: {  	[sflag:s12] =	ssyncadd.s32 $0xFFFFC000  }
0x17f: {  	_ =	sfence.sel $0x180000  }
0x180: {  	[bflag:$0x0] =	sbarrier.arrive $0xFFFF  }
0x181: {  	p0 =	sne.s32 s0, $0x0;
	_ =	strace $0x9000004A  }
0x182: {  	s0 =	sadd.s32 @!p0 $0x100000, s1;
	[bflag:$0x2] =	sbarrier.arrive $0xFFFF  }
0x183: {  	[sflag:s0] =	ssyncadd.tile.s32 @!p0 $0x1;
	_ =	shalt  }
.Lfunc_end2:
_tile_overlayer_lowered:
.L_overlay_start_2:
0x184: {  	(tag) =	ssettag $0x2  }
0x185: {  	s0 =	rddreg [dreg:$0x0];
	s2 =	stileid.u32  }
0x186: {  	s1 =	rddreg [dreg:$0x1];
	p0 =	sne.s32 s2, $0x0  }
0x187: {  	s3 =	rddreg [dreg:$0x2];
	[bflag:$0x3] =	sbarrier.arrive $0xFFFF;
	s2 =	simm.s32 @!p0 $0x1C01  }
0x188: {  	[timem:s3], [sflag:s2] =	dma.local @!p0 [hbm:s0], s1  }
0x189: {  	s0 =	simm.s32 @!p0 $0x1  }
0x18a: {  	_ =	swait.ge @!p0 [sflag:s0], s1  }
0x18b: {  	s1 =	ssub.s32 @!p0 $0x0, s1;
	[sflag:s0] =	ssyncset.done @!p0 $0x0  }
0x18c: {  	[sflag:s0] =	ssyncadd.s32 @!p0 s1  }
0x18d: {  	[bflag:$0x3] =	sbarrier.arrive $0xFFFF  }
0x18e: {  	_ =	shalt  }

</sc_bundles>
